<compile_context>
chip_gen: v7x
topology: tpu7x:2x2x1
jax: 0.10.2.dev20260603
libtpu: 0.0.44.dev20260713+nightly
codegen_flags: <defaults>
</compile_context>

<pallas_src>
import functools

import jax
import jax.numpy as jnp
from jax import lax
from jax.experimental import pallas as pl
from jax.experimental.pallas import tpu as pltpu
from jax.experimental.pallas import tpu_sc as plsc

_NUM_CORES = 2
_NUM_SUBCORES = 16
_LANES = 16
_NW = _NUM_CORES * _NUM_SUBCORES

_ROWS = 200
_COLS = 16384
_STRIPE = 40
_NCHUNK = _ROWS // _STRIPE
_CCOL = _COLS // _NW
_TPAD = 128
_DDIM = 10


def _sc_body(e1t_hbm, e2t_hbm, w_hbm, b_hbm, x_hbm, out_hbm,
             e1t_v, e2t_v, w_v, b_v, table_v,
             idx_v, res_v, in_sems, out_sems, stage_sem):
  wid = lax.axis_index("s") * _NUM_CORES + lax.axis_index("c")
  col0 = wid * _CCOL

  def start_in(c, buf):
    return pltpu.async_copy(
        x_hbm.at[pl.ds(c * _STRIPE, _STRIPE), pl.ds(col0, _CCOL)],
        idx_v.at[buf], in_sems.at[buf])

  in_copies = [start_in(0, 0), start_in(1, 1)]

  stage = [pltpu.async_copy(e1t_hbm, e1t_v, stage_sem),
           pltpu.async_copy(e2t_hbm, e2t_v, stage_sem),
           pltpu.async_copy(w_hbm, w_v, stage_sem),
           pltpu.async_copy(b_hbm, b_v, stage_sem)]
  for cp in stage:
    cp.wait()

  for jc in range(_TPAD // _LANES):
    sl = pl.ds(jc * _LANES, _LANES)
    acc = b_v[:]
    for d in range(_DDIM):
      acc = acc + (e1t_v[d, sl] + e2t_v[d, sl]) * w_v[d, :]
    table_v[sl] = acc

  def start_out(c, buf):
    return pltpu.async_copy(
        res_v.at[buf],
        out_hbm.at[pl.ds(c * _STRIPE, _STRIPE), pl.ds(col0, _CCOL)],
        out_sems.at[buf])

  def compute(buf):
    @plsc.parallel_loop(0, _STRIPE * _CCOL, step=_LANES, unroll=8)
    def _(i):
      u = i // _CCOL
      sl = pl.ds(pl.multiple_of(i % _CCOL, _LANES), _LANES)
      res_v[buf, u, sl] = plsc.load_gather(table_v, [idx_v[buf, u, sl]])

  out_copies = [None, None]
  for c in range(_NCHUNK):
    buf = c % 2
    in_copies[buf].wait()
    if out_copies[buf] is not None:
      out_copies[buf].wait()
    compute(buf)
    out_copies[buf] = start_out(c, buf)
    if c + 2 < _NCHUNK:
      in_copies[buf] = start_in(c + 2, buf)
  out_copies[(_NCHUNK - 2) % 2].wait()
  out_copies[(_NCHUNK - 1) % 2].wait()


@jax.jit
def _run(xt, e1t, e2t, w_rep, b_rep):
  mesh = plsc.VectorSubcoreMesh(
      core_axis_name="c", subcore_axis_name="s",
      num_cores=_NUM_CORES, num_subcores=_NUM_SUBCORES)
  kern = functools.partial(
      pl.kernel,
      out_type=jax.ShapeDtypeStruct((_ROWS, _COLS), jnp.float32),
      mesh=mesh,
      scratch_types=[
          pltpu.VMEM((_DDIM, _TPAD), jnp.float32),
          pltpu.VMEM((_DDIM, _TPAD), jnp.float32),
          pltpu.VMEM((_DDIM, _LANES), jnp.float32),
          pltpu.VMEM((_LANES,), jnp.float32),
          pltpu.VMEM((_TPAD,), jnp.float32),
          pltpu.VMEM((2, _STRIPE, _CCOL), jnp.int32),
          pltpu.VMEM((2, _STRIPE, _CCOL), jnp.float32),
          pltpu.SemaphoreType.DMA((2,)),
          pltpu.SemaphoreType.DMA((2,)),
          pltpu.SemaphoreType.DMA,
      ],
      compiler_params=pltpu.CompilerParams(needs_layout_passes=False),
  )(_sc_body)
  return kern(e1t, e2t, w_rep, b_rep, xt)


def kernel(x, embed_in, embed_in_2, lin0_w, lin0_b):
  xt = x.T.astype(jnp.int32)
  e1t = jnp.pad(embed_in.T, ((0, 0), (0, _TPAD - embed_in.shape[0])))
  e2t = jnp.pad(embed_in_2.T, ((0, 0), (0, _TPAD - embed_in_2.shape[0])))
  w_rep = jnp.broadcast_to(lin0_w.reshape(_DDIM, 1), (_DDIM, _LANES))
  b_rep = jnp.broadcast_to(lin0_b.reshape(1), (_LANES,))
  out_t = _run(xt, e1t, e2t, w_rep, b_rep)
  return out_t.T[:, :, None]

# --- scband reference (transcript-rebuilt; emitter-appended) ---
"""Pipeline reference for scband-model-embed-multiple-16174846837269 (READ-ONLY COPY).

The authoritative reference and input builder live on the scoring server;
editing this copy changes nothing except your own understanding.
"""

import jax, jax.numpy as jnp
import numpy as np


def setup_inputs(seed: int = 0) -> dict:
    key = jax.random.key(seed)
    k_x, k_w1, k_w2, k_w0, k_b0 = jax.random.split(key, 5)
    x = jax.random.randint(k_x, (16384, 200), 0, 100, dtype=jnp.int64 if jax.config.jax_enable_x64 else jnp.int32)
    # Learned parameters sized per the module's __init__
    embed_in = jax.random.normal(k_w1, (100, 10), dtype=jnp.float32)
    embed_in_2 = jax.random.normal(k_w2, (100, 10), dtype=jnp.float32)
    lin0_w = jax.random.normal(k_w0, (1, 10), dtype=jnp.float32) * 0.1
    lin0_b = jax.random.normal(k_b0, (1,), dtype=jnp.float32) * 0.1
    return {"x": x, "embed_in": embed_in, "embed_in_2": embed_in_2, "lin0_w": lin0_w, "lin0_b": lin0_b}


def reference(x, embed_in, embed_in_2, lin0_w, lin0_b):
    # embedding lookups (gather)
    e1 = jnp.take(embed_in, x, axis=0)      # [B, L, 10]
    e2 = jnp.take(embed_in_2, x, axis=0)    # [B, L, 10]
    h = e1 + e2
    # Linear(10 -> 1): h @ W^T + b
    out = jnp.einsum('bld,od->blo', h, lin0_w) + lin0_b
    return out

if __name__ == "__main__":
    import jax
    _d = setup_inputs()
    print(jax.jit(kernel)(*tuple(_d.values())))

</pallas_src>

<mosaic_0001>
#map = affine_map<(d0, d1) -> (0, 0)>
#map1 = affine_map<(d0, d1) -> (0)>
module attributes {stable_mosaic.version = 14 : i64} {
  func.func @_sc_body(%arg0: i32, %arg1: i32, %arg2: memref<10x128xf32, #tpu.memory_space<hbm>>, %arg3: memref<10x128xf32, #tpu.memory_space<hbm>>, %arg4: memref<10x16xf32, #tpu.memory_space<hbm>>, %arg5: memref<16xf32, #tpu.memory_space<hbm>>, %arg6: memref<200x16384xi32, #tpu.memory_space<hbm>>, %arg7: memref<200x16384xf32, #tpu.memory_space<hbm>>, %arg8: memref<10x128xf32, #tpu.memory_space<vmem>>, %arg9: memref<10x128xf32, #tpu.memory_space<vmem>>, %arg10: memref<10x16xf32, #tpu.memory_space<vmem>>, %arg11: memref<16xf32, #tpu.memory_space<vmem>>, %arg12: memref<128xf32, #tpu.memory_space<vmem>>, %arg13: memref<2x40x512xi32, #tpu.memory_space<vmem>>, %arg14: memref<2x40x512xf32, #tpu.memory_space<vmem>>, %arg15: memref<2x!tpu.dma_semaphore, #tpu.memory_space<semaphore_mem>>, %arg16: memref<2x!tpu.dma_semaphore, #tpu.memory_space<semaphore_mem>>, %arg17: memref<!tpu.dma_semaphore, #tpu.memory_space<semaphore_mem>>) attributes {dimension_semantics = [#tpu.dimension_semantics<core_parallel>, #tpu.dimension_semantics<subcore_parallel>], iteration_bounds = array<i64: 2, 16>, scalar_prefetch = 0 : i64, scratch_operands = 10 : i64, tpu.core_type = #tpu.core_type<sc_vector_subcore>, window_params = [{transform_indices = #map}, {transform_indices = #map}, {transform_indices = #map}, {transform_indices = #map1}, {transform_indices = #map}, {transform_indices = #map}]} {
    %mul3A = arith.constant 2 : i32
    %mul3A_0 = arith.muli %arg1, %mul3A : i32
    %add3A = arith.addi %mul3A_0, %arg0 : i32
    %mul3A_1 = arith.constant 512 : i32
    %mul3A_2 = arith.muli %add3A, %mul3A_1 : i32
    %dma_start3A = arith.constant 0 : i32
    %dma_start3A_3 = arith.constant 0 : i32
    %dma_start3A_4 = arith.constant 0 : i32
    %dma_start3A_5 = arith.constant 0 : i32
    %dma_start3A_6 = tpu.memref_slice %arg13[%dma_start3A, %dma_start3A_4, %dma_start3A_5] : memref<2x40x512xi32, #tpu.memory_space<vmem>> -> memref<1x40x512xi32, #tpu.memory_space<vmem>>
    %dma_start3A_7 = tpu.memref_squeeze %dma_start3A_6 : memref<1x40x512xi32, #tpu.memory_space<vmem>> -> memref<40x512xi32, #tpu.memory_space<vmem>>
    %dma_start3A_8 = arith.constant 0 : i32
    %dma_start3A_9 = tpu.memref_slice %arg6[%dma_start3A_8, %mul3A_2] : memref<200x16384xi32, #tpu.memory_space<hbm>> -> memref<40x512xi32, #tpu.memory_space<hbm>>
    %dma_start3A_10 = tpu.memref_slice %arg15[%dma_start3A_3] : memref<2x!tpu.dma_semaphore, #tpu.memory_space<semaphore_mem>> -> memref<1x!tpu.dma_semaphore, #tpu.memory_space<semaphore_mem>>
    %dma_start3A_11 = tpu.memref_squeeze %dma_start3A_10 : memref<1x!tpu.dma_semaphore, #tpu.memory_space<semaphore_mem>> -> memref<!tpu.dma_semaphore, #tpu.memory_space<semaphore_mem>>
    %dma_start3A_12 = arith.constant 0 : i32
    %dma_start3A_13 = arith.constant 0 : i32
    %dma_start3A_14 = tpu.memref_slice %arg13[%dma_start3A, %dma_start3A_12, %dma_start3A_13] : memref<2x40x512xi32, #tpu.memory_space<vmem>> -> memref<1x40x512xi32, #tpu.memory_space<vmem>>
    %dma_start3A_15 = tpu.memref_squeeze %dma_start3A_14 : memref<1x40x512xi32, #tpu.memory_space<vmem>> -> memref<40x512xi32, #tpu.memory_space<vmem>>
    %dma_start3A_16 = arith.constant 0 : i32
    %dma_start3A_17 = tpu.memref_slice %arg6[%dma_start3A_16, %mul3A_2] : memref<200x16384xi32, #tpu.memory_space<hbm>> -> memref<40x512xi32, #tpu.memory_space<hbm>>
    tpu.enqueue_dma source(%dma_start3A_17 : memref<40x512xi32, #tpu.memory_space<hbm>>) target(%dma_start3A_15 : memref<40x512xi32, #tpu.memory_space<vmem>>) target_semaphore(%dma_start3A_11 : memref<!tpu.dma_semaphore, #tpu.memory_space<semaphore_mem>>)
    %dma_start3A_18 = arith.constant 1 : i32
    %dma_start3A_19 = arith.constant 1 : i32
    %dma_start3A_20 = arith.constant 0 : i32
    %dma_start3A_21 = arith.constant 0 : i32
    %dma_start3A_22 = tpu.memref_slice %arg13[%dma_start3A_18, %dma_start3A_20, %dma_start3A_21] : memref<2x40x512xi32, #tpu.memory_space<vmem>> -> memref<1x40x512xi32, #tpu.memory_space<vmem>>
    %dma_start3A_23 = tpu.memref_squeeze %dma_start3A_22 : memref<1x40x512xi32, #tpu.memory_space<vmem>> -> memref<40x512xi32, #tpu.memory_space<vmem>>
    %dma_start3A_24 = arith.constant 40 : i32
    %dma_start3A_25 = tpu.memref_slice %arg6[%dma_start3A_24, %mul3A_2] : memref<200x16384xi32, #tpu.memory_space<hbm>> -> memref<40x512xi32, #tpu.memory_space<hbm>>
    %dma_start3A_26 = tpu.memref_slice %arg15[%dma_start3A_19] : memref<2x!tpu.dma_semaphore, #tpu.memory_space<semaphore_mem>> -> memref<1x!tpu.dma_semaphore, #tpu.memory_space<semaphore_mem>>
    %dma_start3A_27 = tpu.memref_squeeze %dma_start3A_26 : memref<1x!tpu.dma_semaphore, #tpu.memory_space<semaphore_mem>> -> memref<!tpu.dma_semaphore, #tpu.memory_space<semaphore_mem>>
    %dma_start3A_28 = arith.constant 0 : i32
    %dma_start3A_29 = arith.constant 0 : i32
    %dma_start3A_30 = tpu.memref_slice %arg13[%dma_start3A_18, %dma_start3A_28, %dma_start3A_29] : memref<2x40x512xi32, #tpu.memory_space<vmem>> -> memref<1x40x512xi32, #tpu.memory_space<vmem>>
    %dma_start3A_31 = tpu.memref_squeeze %dma_start3A_30 : memref<1x40x512xi32, #tpu.memory_space<vmem>> -> memref<40x512xi32, #tpu.memory_space<vmem>>
    %dma_start3A_32 = arith.constant 40 : i32
    %dma_start3A_33 = tpu.memref_slice %arg6[%dma_start3A_32, %mul3A_2] : memref<200x16384xi32, #tpu.memory_space<hbm>> -> memref<40x512xi32, #tpu.memory_space<hbm>>
    tpu.enqueue_dma source(%dma_start3A_33 : memref<40x512xi32, #tpu.memory_space<hbm>>) target(%dma_start3A_31 : memref<40x512xi32, #tpu.memory_space<vmem>>) target_semaphore(%dma_start3A_27 : memref<!tpu.dma_semaphore, #tpu.memory_space<semaphore_mem>>)
    tpu.enqueue_dma source(%arg2 : memref<10x128xf32, #tpu.memory_space<hbm>>) target(%arg8 : memref<10x128xf32, #tpu.memory_space<vmem>>) target_semaphore(%arg17 : memref<!tpu.dma_semaphore, #tpu.memory_space<semaphore_mem>>)
    tpu.enqueue_dma source(%arg3 : memref<10x128xf32, #tpu.memory_space<hbm>>) target(%arg9 : memref<10x128xf32, #tpu.memory_space<vmem>>) target_semaphore(%arg17 : memref<!tpu.dma_semaphore, #tpu.memory_space<semaphore_mem>>)
    tpu.enqueue_dma source(%arg4 : memref<10x16xf32, #tpu.memory_space<hbm>>) target(%arg10 : memref<10x16xf32, #tpu.memory_space<vmem>>) target_semaphore(%arg17 : memref<!tpu.dma_semaphore, #tpu.memory_space<semaphore_mem>>)
    tpu.enqueue_dma source(%arg5 : memref<16xf32, #tpu.memory_space<hbm>>) target(%arg11 : memref<16xf32, #tpu.memory_space<vmem>>) target_semaphore(%arg17 : memref<!tpu.dma_semaphore, #tpu.memory_space<semaphore_mem>>)
    tpu.wait_dma2 semaphore(%arg17 : memref<!tpu.dma_semaphore, #tpu.memory_space<semaphore_mem>>) src(%arg2 : memref<10x128xf32, #tpu.memory_space<hbm>>) dst(%arg8 : memref<10x128xf32, #tpu.memory_space<vmem>>)
    tpu.wait_dma2 semaphore(%arg17 : memref<!tpu.dma_semaphore, #tpu.memory_space<semaphore_mem>>) src(%arg3 : memref<10x128xf32, #tpu.memory_space<hbm>>) dst(%arg9 : memref<10x128xf32, #tpu.memory_space<vmem>>)
    tpu.wait_dma2 semaphore(%arg17 : memref<!tpu.dma_semaphore, #tpu.memory_space<semaphore_mem>>) src(%arg4 : memref<10x16xf32, #tpu.memory_space<hbm>>) dst(%arg10 : memref<10x16xf32, #tpu.memory_space<vmem>>)
    tpu.wait_dma2 semaphore(%arg17 : memref<!tpu.dma_semaphore, #tpu.memory_space<semaphore_mem>>) src(%arg5 : memref<16xf32, #tpu.memory_space<hbm>>) dst(%arg11 : memref<16xf32, #tpu.memory_space<vmem>>)
    %get3A = arith.constant 0 : index
    %get3A_34 = tpu.vector_load %arg11[%get3A] {strides = array<i32>} : memref<16xf32, #tpu.memory_space<vmem>>, vector<16xf32>,
    %get3A_35 = arith.constant 0 : i32
    %get3A_36 = arith.index_cast %get3A_35 : i32 to index
    %get3A_37 = arith.constant 0 : index
    %get3A_38 = tpu.vector_load %arg8[%get3A_36, %get3A_37] {strides = array<i32>} : memref<10x128xf32, #tpu.memory_space<vmem>>, vector<16xf32>,
    %get3A_39 = arith.constant 0 : i32
    %get3A_40 = arith.index_cast %get3A_39 : i32 to index
    %get3A_41 = arith.constant 0 : index
    %get3A_42 = tpu.vector_load %arg9[%get3A_40, %get3A_41] {strides = array<i32>} : memref<10x128xf32, #tpu.memory_space<vmem>>, vector<16xf32>,
    %add3A_43 = arith.addf %get3A_38, %get3A_42 : vector<16xf32>
    %get3A_44 = arith.constant 0 : i32
    %get3A_45 = arith.index_cast %get3A_44 : i32 to index
    %get3A_46 = arith.constant 0 : index
    %get3A_47 = tpu.vector_load %arg10[%get3A_45, %get3A_46] {strides = array<i32>} : memref<10x16xf32, #tpu.memory_space<vmem>>, vector<16xf32>,
    %mul3A_48 = arith.mulf %add3A_43, %get3A_47 : vector<16xf32>
    %add3A_49 = arith.addf %get3A_34, %mul3A_48 : vector<16xf32>
    %get3A_50 = arith.constant 1 : i32
    %get3A_51 = arith.index_cast %get3A_50 : i32 to index
    %get3A_52 = arith.constant 0 : index
    %get3A_53 = tpu.vector_load %arg8[%get3A_51, %get3A_52] {strides = array<i32>} : memref<10x128xf32, #tpu.memory_space<vmem>>, vector<16xf32>,
    %get3A_54 = arith.constant 1 : i32
    %get3A_55 = arith.index_cast %get3A_54 : i32 to index
    %get3A_56 = arith.constant 0 : index
    %get3A_57 = tpu.vector_load %arg9[%get3A_55, %get3A_56] {strides = array<i32>} : memref<10x128xf32, #tpu.memory_space<vmem>>, vector<16xf32>,
    %add3A_58 = arith.addf %get3A_53, %get3A_57 : vector<16xf32>
    %get3A_59 = arith.constant 1 : i32
    %get3A_60 = arith.index_cast %get3A_59 : i32 to index
    %get3A_61 = arith.constant 0 : index
    %get3A_62 = tpu.vector_load %arg10[%get3A_60, %get3A_61] {strides = array<i32>} : memref<10x16xf32, #tpu.memory_space<vmem>>, vector<16xf32>,
    %mul3A_63 = arith.mulf %add3A_58, %get3A_62 : vector<16xf32>
    %add3A_64 = arith.addf %add3A_49, %mul3A_63 : vector<16xf32>
    %get3A_65 = arith.constant 2 : i32
    %get3A_66 = arith.index_cast %get3A_65 : i32 to index
    %get3A_67 = arith.constant 0 : index
    %get3A_68 = tpu.vector_load %arg8[%get3A_66, %get3A_67] {strides = array<i32>} : memref<10x128xf32, #tpu.memory_space<vmem>>, vector<16xf32>,
    %get3A_69 = arith.constant 2 : i32
    %get3A_70 = arith.index_cast %get3A_69 : i32 to index
    %get3A_71 = arith.constant 0 : index
    %get3A_72 = tpu.vector_load %arg9[%get3A_70, %get3A_71] {strides = array<i32>} : memref<10x128xf32, #tpu.memory_space<vmem>>, vector<16xf32>,
    %add3A_73 = arith.addf %get3A_68, %get3A_72 : vector<16xf32>
    %get3A_74 = arith.constant 2 : i32
    %get3A_75 = arith.index_cast %get3A_74 : i32 to index
    %get3A_76 = arith.constant 0 : index
    %get3A_77 = tpu.vector_load %arg10[%get3A_75, %get3A_76] {strides = array<i32>} : memref<10x16xf32, #tpu.memory_space<vmem>>, vector<16xf32>,
    %mul3A_78 = arith.mulf %add3A_73, %get3A_77 : vector<16xf32>
    %add3A_79 = arith.addf %add3A_64, %mul3A_78 : vector<16xf32>
    %get3A_80 = arith.constant 3 : i32
    %get3A_81 = arith.index_cast %get3A_80 : i32 to index
    %get3A_82 = arith.constant 0 : index
    %get3A_83 = tpu.vector_load %arg8[%get3A_81, %get3A_82] {strides = array<i32>} : memref<10x128xf32, #tpu.memory_space<vmem>>, vector<16xf32>,
    %get3A_84 = arith.constant 3 : i32
    %get3A_85 = arith.index_cast %get3A_84 : i32 to index
    %get3A_86 = arith.constant 0 : index
    %get3A_87 = tpu.vector_load %arg9[%get3A_85, %get3A_86] {strides = array<i32>} : memref<10x128xf32, #tpu.memory_space<vmem>>, vector<16xf32>,
    %add3A_88 = arith.addf %get3A_83, %get3A_87 : vector<16xf32>
    %get3A_89 = arith.constant 3 : i32
    %get3A_90 = arith.index_cast %get3A_89 : i32 to index
    %get3A_91 = arith.constant 0 : index
    %get3A_92 = tpu.vector_load %arg10[%get3A_90, %get3A_91] {strides = array<i32>} : memref<10x16xf32, #tpu.memory_space<vmem>>, vector<16xf32>,
    %mul3A_93 = arith.mulf %add3A_88, %get3A_92 : vector<16xf32>
    %add3A_94 = arith.addf %add3A_79, %mul3A_93 : vector<16xf32>
    %get3A_95 = arith.constant 4 : i32
    %get3A_96 = arith.index_cast %get3A_95 : i32 to index
    %get3A_97 = arith.constant 0 : index
    %get3A_98 = tpu.vector_load %arg8[%get3A_96, %get3A_97] {strides = array<i32>} : memref<10x128xf32, #tpu.memory_space<vmem>>, vector<16xf32>,
    %get3A_99 = arith.constant 4 : i32
    %get3A_100 = arith.index_cast %get3A_99 : i32 to index
    %get3A_101 = arith.constant 0 : index
    %get3A_102 = tpu.vector_load %arg9[%get3A_100, %get3A_101] {strides = array<i32>} : memref<10x128xf32, #tpu.memory_space<vmem>>, vector<16xf32>,
    %add3A_103 = arith.addf %get3A_98, %get3A_102 : vector<16xf32>
    %get3A_104 = arith.constant 4 : i32
    %get3A_105 = arith.index_cast %get3A_104 : i32 to index
    %get3A_106 = arith.constant 0 : index
    %get3A_107 = tpu.vector_load %arg10[%get3A_105, %get3A_106] {strides = array<i32>} : memref<10x16xf32, #tpu.memory_space<vmem>>, vector<16xf32>,
    %mul3A_108 = arith.mulf %add3A_103, %get3A_107 : vector<16xf32>
    %add3A_109 = arith.addf %add3A_94, %mul3A_108 : vector<16xf32>
    %get3A_110 = arith.constant 5 : i32
    %get3A_111 = arith.index_cast %get3A_110 : i32 to index
    %get3A_112 = arith.constant 0 : index
    %get3A_113 = tpu.vector_load %arg8[%get3A_111, %get3A_112] {strides = array<i32>} : memref<10x128xf32, #tpu.memory_space<vmem>>, vector<16xf32>,
    %get3A_114 = arith.constant 5 : i32
    %get3A_115 = arith.index_cast %get3A_114 : i32 to index
    %get3A_116 = arith.constant 0 : index
    %get3A_117 = tpu.vector_load %arg9[%get3A_115, %get3A_116] {strides = array<i32>} : memref<10x128xf32, #tpu.memory_space<vmem>>, vector<16xf32>,
    %add3A_118 = arith.addf %get3A_113, %get3A_117 : vector<16xf32>
    %get3A_119 = arith.constant 5 : i32
    %get3A_120 = arith.index_cast %get3A_119 : i32 to index
    %get3A_121 = arith.constant 0 : index
    %get3A_122 = tpu.vector_load %arg10[%get3A_120, %get3A_121] {strides = array<i32>} : memref<10x16xf32, #tpu.memory_space<vmem>>, vector<16xf32>,
    %mul3A_123 = arith.mulf %add3A_118, %get3A_122 : vector<16xf32>
    %add3A_124 = arith.addf %add3A_109, %mul3A_123 : vector<16xf32>
    %get3A_125 = arith.constant 6 : i32
    %get3A_126 = arith.index_cast %get3A_125 : i32 to index
    %get3A_127 = arith.constant 0 : index
    %get3A_128 = tpu.vector_load %arg8[%get3A_126, %get3A_127] {strides = array<i32>} : memref<10x128xf32, #tpu.memory_space<vmem>>, vector<16xf32>,
    %get3A_129 = arith.constant 6 : i32
    %get3A_130 = arith.index_cast %get3A_129 : i32 to index
    %get3A_131 = arith.constant 0 : index
    %get3A_132 = tpu.vector_load %arg9[%get3A_130, %get3A_131] {strides = array<i32>} : memref<10x128xf32, #tpu.memory_space<vmem>>, vector<16xf32>,
    %add3A_133 = arith.addf %get3A_128, %get3A_132 : vector<16xf32>
    %get3A_134 = arith.constant 6 : i32
    %get3A_135 = arith.index_cast %get3A_134 : i32 to index
    %get3A_136 = arith.constant 0 : index
    %get3A_137 = tpu.vector_load %arg10[%get3A_135, %get3A_136] {strides = array<i32>} : memref<10x16xf32, #tpu.memory_space<vmem>>, vector<16xf32>,
    %mul3A_138 = arith.mulf %add3A_133, %get3A_137 : vector<16xf32>
    %add3A_139 = arith.addf %add3A_124, %mul3A_138 : vector<16xf32>
    %get3A_140 = arith.constant 7 : i32
    %get3A_141 = arith.index_cast %get3A_140 : i32 to index
    %get3A_142 = arith.constant 0 : index
    %get3A_143 = tpu.vector_load %arg8[%get3A_141, %get3A_142] {strides = array<i32>} : memref<10x128xf32, #tpu.memory_space<vmem>>, vector<16xf32>,
    %get3A_144 = arith.constant 7 : i32
    %get3A_145 = arith.index_cast %get3A_144 : i32 to index
    %get3A_146 = arith.constant 0 : index
    %get3A_147 = tpu.vector_load %arg9[%get3A_145, %get3A_146] {strides = array<i32>} : memref<10x128xf32, #tpu.memory_space<vmem>>, vector<16xf32>,
    %add3A_148 = arith.addf %get3A_143, %get3A_147 : vector<16xf32>
    %get3A_149 = arith.constant 7 : i32
    %get3A_150 = arith.index_cast %get3A_149 : i32 to index
    %get3A_151 = arith.constant 0 : index
    %get3A_152 = tpu.vector_load %arg10[%get3A_150, %get3A_151] {strides = array<i32>} : memref<10x16xf32, #tpu.memory_space<vmem>>, vector<16xf32>,
    %mul3A_153 = arith.mulf %add3A_148, %get3A_152 : vector<16xf32>
    %add3A_154 = arith.addf %add3A_139, %mul3A_153 : vector<16xf32>
    %get3A_155 = arith.constant 8 : i32
    %get3A_156 = arith.index_cast %get3A_155 : i32 to index
    %get3A_157 = arith.constant 0 : index
    %get3A_158 = tpu.vector_load %arg8[%get3A_156, %get3A_157] {strides = array<i32>} : memref<10x128xf32, #tpu.memory_space<vmem>>, vector<16xf32>,
    %get3A_159 = arith.constant 8 : i32
    %get3A_160 = arith.index_cast %get3A_159 : i32 to index
    %get3A_161 = arith.constant 0 : index
    %get3A_162 = tpu.vector_load %arg9[%get3A_160, %get3A_161] {strides = array<i32>} : memref<10x128xf32, #tpu.memory_space<vmem>>, vector<16xf32>,
    %add3A_163 = arith.addf %get3A_158, %get3A_162 : vector<16xf32>
    %get3A_164 = arith.constant 8 : i32
    %get3A_165 = arith.index_cast %get3A_164 : i32 to index
    %get3A_166 = arith.constant 0 : index
    %get3A_167 = tpu.vector_load %arg10[%get3A_165, %get3A_166] {strides = array<i32>} : memref<10x16xf32, #tpu.memory_space<vmem>>, vector<16xf32>,
    %mul3A_168 = arith.mulf %add3A_163, %get3A_167 : vector<16xf32>
    %add3A_169 = arith.addf %add3A_154, %mul3A_168 : vector<16xf32>
    %get3A_170 = arith.constant 9 : i32
    %get3A_171 = arith.index_cast %get3A_170 : i32 to index
    %get3A_172 = arith.constant 0 : index
    %get3A_173 = tpu.vector_load %arg8[%get3A_171, %get3A_172] {strides = array<i32>} : memref<10x128xf32, #tpu.memory_space<vmem>>, vector<16xf32>,
    %get3A_174 = arith.constant 9 : i32
    %get3A_175 = arith.index_cast %get3A_174 : i32 to index
    %get3A_176 = arith.constant 0 : index
    %get3A_177 = tpu.vector_load %arg9[%get3A_175, %get3A_176] {strides = array<i32>} : memref<10x128xf32, #tpu.memory_space<vmem>>, vector<16xf32>,
    %add3A_178 = arith.addf %get3A_173, %get3A_177 : vector<16xf32>
    %get3A_179 = arith.constant 9 : i32
    %get3A_180 = arith.index_cast %get3A_179 : i32 to index
    %get3A_181 = arith.constant 0 : index
    %get3A_182 = tpu.vector_load %arg10[%get3A_180, %get3A_181] {strides = array<i32>} : memref<10x16xf32, #tpu.memory_space<vmem>>, vector<16xf32>,
    %mul3A_183 = arith.mulf %add3A_178, %get3A_182 : vector<16xf32>
    %add3A_184 = arith.addf %add3A_169, %mul3A_183 : vector<16xf32>
    %swap3A = arith.constant 0 : index
    %swap3A_185 = tpu.vector_load %arg12[%swap3A] {strides = array<i32>} : memref<128xf32, #tpu.memory_space<vmem>>, vector<16xf32>,
    tpu.vector_store %arg12[%swap3A], %add3A_184 {strides = array<i32>} : memref<128xf32, #tpu.memory_space<vmem>>, vector<16xf32>,
    %get3A_186 = arith.constant 0 : index
    %get3A_187 = tpu.vector_load %arg11[%get3A_186] {strides = array<i32>} : memref<16xf32, #tpu.memory_space<vmem>>, vector<16xf32>,
    %get3A_188 = arith.constant 0 : i32
    %get3A_189 = arith.index_cast %get3A_188 : i32 to index
    %get3A_190 = arith.constant 16 : index
    %get3A_191 = tpu.vector_load %arg8[%get3A_189, %get3A_190] {strides = array<i32>} : memref<10x128xf32, #tpu.memory_space<vmem>>, vector<16xf32>,
    %get3A_192 = arith.constant 0 : i32
    %get3A_193 = arith.index_cast %get3A_192 : i32 to index
    %get3A_194 = arith.constant 16 : index
    %get3A_195 = tpu.vector_load %arg9[%get3A_193, %get3A_194] {strides = array<i32>} : memref<10x128xf32, #tpu.memory_space<vmem>>, vector<16xf32>,
    %add3A_196 = arith.addf %get3A_191, %get3A_195 : vector<16xf32>
    %get3A_197 = arith.constant 0 : i32
    %get3A_198 = arith.index_cast %get3A_197 : i32 to index
    %get3A_199 = arith.constant 0 : index
    %get3A_200 = tpu.vector_load %arg10[%get3A_198, %get3A_199] {strides = array<i32>} : memref<10x16xf32, #tpu.memory_space<vmem>>, vector<16xf32>,
    %mul3A_201 = arith.mulf %add3A_196, %get3A_200 : vector<16xf32>
    %add3A_202 = arith.addf %get3A_187, %mul3A_201 : vector<16xf32>
    %get3A_203 = arith.constant 1 : i32
    %get3A_204 = arith.index_cast %get3A_203 : i32 to index
    %get3A_205 = arith.constant 16 : index
    %get3A_206 = tpu.vector_load %arg8[%get3A_204, %get3A_205] {strides = array<i32>} : memref<10x128xf32, #tpu.memory_space<vmem>>, vector<16xf32>,
    %get3A_207 = arith.constant 1 : i32
    %get3A_208 = arith.index_cast %get3A_207 : i32 to index
    %get3A_209 = arith.constant 16 : index
    %get3A_210 = tpu.vector_load %arg9[%get3A_208, %get3A_209] {strides = array<i32>} : memref<10x128xf32, #tpu.memory_space<vmem>>, vector<16xf32>,
    %add3A_211 = arith.addf %get3A_206, %get3A_210 : vector<16xf32>
    %get3A_212 = arith.constant 1 : i32
    %get3A_213 = arith.index_cast %get3A_212 : i32 to index
    %get3A_214 = arith.constant 0 : index
    %get3A_215 = tpu.vector_load %arg10[%get3A_213, %get3A_214] {strides = array<i32>} : memref<10x16xf32, #tpu.memory_space<vmem>>, vector<16xf32>,
    %mul3A_216 = arith.mulf %add3A_211, %get3A_215 : vector<16xf32>
    %add3A_217 = arith.addf %add3A_202, %mul3A_216 : vector<16xf32>
    %get3A_218 = arith.constant 2 : i32
    %get3A_219 = arith.index_cast %get3A_218 : i32 to index
    %get3A_220 = arith.constant 16 : index
    %get3A_221 = tpu.vector_load %arg8[%get3A_219, %get3A_220] {strides = array<i32>} : memref<10x128xf32, #tpu.memory_space<vmem>>, vector<16xf32>,
    %get3A_222 = arith.constant 2 : i32
    %get3A_223 = arith.index_cast %get3A_222 : i32 to index
    %get3A_224 = arith.constant 16 : index
    %get3A_225 = tpu.vector_load %arg9[%get3A_223, %get3A_224] {strides = array<i32>} : memref<10x128xf32, #tpu.memory_space<vmem>>, vector<16xf32>,
    %add3A_226 = arith.addf %get3A_221, %get3A_225 : vector<16xf32>
    %get3A_227 = arith.constant 2 : i32
    %get3A_228 = arith.index_cast %get3A_227 : i32 to index
    %get3A_229 = arith.constant 0 : index
    %get3A_230 = tpu.vector_load %arg10[%get3A_228, %get3A_229] {strides = array<i32>} : memref<10x16xf32, #tpu.memory_space<vmem>>, vector<16xf32>,
    %mul3A_231 = arith.mulf %add3A_226, %get3A_230 : vector<16xf32>
    %add3A_232 = arith.addf %add3A_217, %mul3A_231 : vector<16xf32>
    %get3A_233 = arith.constant 3 : i32
    %get3A_234 = arith.index_cast %get3A_233 : i32 to index
    %get3A_235 = arith.constant 16 : index
    %get3A_236 = tpu.vector_load %arg8[%get3A_234, %get3A_235] {strides = array<i32>} : memref<10x128xf32, #tpu.memory_space<vmem>>, vector<16xf32>,
    %get3A_237 = arith.constant 3 : i32
    %get3A_238 = arith.index_cast %get3A_237 : i32 to index
    %get3A_239 = arith.constant 16 : index
    %get3A_240 = tpu.vector_load %arg9[%get3A_238, %get3A_239] {strides = array<i32>} : memref<10x128xf32, #tpu.memory_space<vmem>>, vector<16xf32>,
    %add3A_241 = arith.addf %get3A_236, %get3A_240 : vector<16xf32>
    %get3A_242 = arith.constant 3 : i32
    %get3A_243 = arith.index_cast %get3A_242 : i32 to index
    %get3A_244 = arith.constant 0 : index
    %get3A_245 = tpu.vector_load %arg10[%get3A_243, %get3A_244] {strides = array<i32>} : memref<10x16xf32, #tpu.memory_space<vmem>>, vector<16xf32>,
    %mul3A_246 = arith.mulf %add3A_241, %get3A_245 : vector<16xf32>
    %add3A_247 = arith.addf %add3A_232, %mul3A_246 : vector<16xf32>
    %get3A_248 = arith.constant 4 : i32
    %get3A_249 = arith.index_cast %get3A_248 : i32 to index
    %get3A_250 = arith.constant 16 : index
    %get3A_251 = tpu.vector_load %arg8[%get3A_249, %get3A_250] {strides = array<i32>} : memref<10x128xf32, #tpu.memory_space<vmem>>, vector<16xf32>,
    %get3A_252 = arith.constant 4 : i32
    %get3A_253 = arith.index_cast %get3A_252 : i32 to index
    %get3A_254 = arith.constant 16 : index
    %get3A_255 = tpu.vector_load %arg9[%get3A_253, %get3A_254] {strides = array<i32>} : memref<10x128xf32, #tpu.memory_space<vmem>>, vector<16xf32>,
    %add3A_256 = arith.addf %get3A_251, %get3A_255 : vector<16xf32>
    %get3A_257 = arith.constant 4 : i32
    %get3A_258 = arith.index_cast %get3A_257 : i32 to index
    %get3A_259 = arith.constant 0 : index
    %get3A_260 = tpu.vector_load %arg10[%get3A_258, %get3A_259] {strides = array<i32>} : memref<10x16xf32, #tpu.memory_space<vmem>>, vector<16xf32>,
    %mul3A_261 = arith.mulf %add3A_256, %get3A_260 : vector<16xf32>
    %add3A_262 = arith.addf %add3A_247, %mul3A_261 : vector<16xf32>
    %get3A_263 = arith.constant 5 : i32
    %get3A_264 = arith.index_cast %get3A_263 : i32 to index
    %get3A_265 = arith.constant 16 : index
    %get3A_266 = tpu.vector_load %arg8[%get3A_264, %get3A_265] {strides = array<i32>} : memref<10x128xf32, #tpu.memory_space<vmem>>, vector<16xf32>,
    %get3A_267 = arith.constant 5 : i32
    %get3A_268 = arith.index_cast %get3A_267 : i32 to index
    %get3A_269 = arith.constant 16 : index
    %get3A_270 = tpu.vector_load %arg9[%get3A_268, %get3A_269] {strides = array<i32>} : memref<10x128xf32, #tpu.memory_space<vmem>>, vector<16xf32>,
    %add3A_271 = arith.addf %get3A_266, %get3A_270 : vector<16xf32>
    %get3A_272 = arith.constant 5 : i32
    %get3A_273 = arith.index_cast %get3A_272 : i32 to index
    %get3A_274 = arith.constant 0 : index
    %get3A_275 = tpu.vector_load %arg10[%get3A_273, %get3A_274] {strides = array<i32>} : memref<10x16xf32, #tpu.memory_space<vmem>>, vector<16xf32>,
    %mul3A_276 = arith.mulf %add3A_271, %get3A_275 : vector<16xf32>
    %add3A_277 = arith.addf %add3A_262, %mul3A_276 : vector<16xf32>
    %get3A_278 = arith.constant 6 : i32
    %get3A_279 = arith.index_cast %get3A_278 : i32 to index
    %get3A_280 = arith.constant 16 : index
    %get3A_281 = tpu.vector_load %arg8[%get3A_279, %get3A_280] {strides = array<i32>} : memref<10x128xf32, #tpu.memory_space<vmem>>, vector<16xf32>,
    %get3A_282 = arith.constant 6 : i32
    %get3A_283 = arith.index_cast %get3A_282 : i32 to index
    %get3A_284 = arith.constant 16 : index
    %get3A_285 = tpu.vector_load %arg9[%get3A_283, %get3A_284] {strides = array<i32>} : memref<10x128xf32, #tpu.memory_space<vmem>>, vector<16xf32>,
    %add3A_286 = arith.addf %get3A_281, %get3A_285 : vector<16xf32>
    %get3A_287 = arith.constant 6 : i32
    %get3A_288 = arith.index_cast %get3A_287 : i32 to index
    %get3A_289 = arith.constant 0 : index
    %get3A_290 = tpu.vector_load %arg10[%get3A_288, %get3A_289] {strides = array<i32>} : memref<10x16xf32, #tpu.memory_space<vmem>>, vector<16xf32>,
    %mul3A_291 = arith.mulf %add3A_286, %get3A_290 : vector<16xf32>
    %add3A_292 = arith.addf %add3A_277, %mul3A_291 : vector<16xf32>
    %get3A_293 = arith.constant 7 : i32
    %get3A_294 = arith.index_cast %get3A_293 : i32 to index
    %get3A_295 = arith.constant 16 : index
    %get3A_296 = tpu.vector_load %arg8[%get3A_294, %get3A_295] {strides = array<i32>} : memref<10x128xf32, #tpu.memory_space<vmem>>, vector<16xf32>,
    %get3A_297 = arith.constant 7 : i32
    %get3A_298 = arith.index_cast %get3A_297 : i32 to index
    %get3A_299 = arith.constant 16 : index
    %get3A_300 = tpu.vector_load %arg9[%get3A_298, %get3A_299] {strides = array<i32>} : memref<10x128xf32, #tpu.memory_space<vmem>>, vector<16xf32>,
    %add3A_301 = arith.addf %get3A_296, %get3A_300 : vector<16xf32>
    %get3A_302 = arith.constant 7 : i32
    %get3A_303 = arith.index_cast %get3A_302 : i32 to index
    %get3A_304 = arith.constant 0 : index
    %get3A_305 = tpu.vector_load %arg10[%get3A_303, %get3A_304] {strides = array<i32>} : memref<10x16xf32, #tpu.memory_space<vmem>>, vector<16xf32>,
    %mul3A_306 = arith.mulf %add3A_301, %get3A_305 : vector<16xf32>
    %add3A_307 = arith.addf %add3A_292, %mul3A_306 : vector<16xf32>
    %get3A_308 = arith.constant 8 : i32
    %get3A_309 = arith.index_cast %get3A_308 : i32 to index
    %get3A_310 = arith.constant 16 : index
    %get3A_311 = tpu.vector_load %arg8[%get3A_309, %get3A_310] {strides = array<i32>} : memref<10x128xf32, #tpu.memory_space<vmem>>, vector<16xf32>,
    %get3A_312 = arith.constant 8 : i32
    %get3A_313 = arith.index_cast %get3A_312 : i32 to index
    %get3A_314 = arith.constant 16 : index
    %get3A_315 = tpu.vector_load %arg9[%get3A_313, %get3A_314] {strides = array<i32>} : memref<10x128xf32, #tpu.memory_space<vmem>>, vector<16xf32>,
    %add3A_316 = arith.addf %get3A_311, %get3A_315 : vector<16xf32>
    %get3A_317 = arith.constant 8 : i32
    %get3A_318 = arith.index_cast %get3A_317 : i32 to index
    %get3A_319 = arith.constant 0 : index
    %get3A_320 = tpu.vector_load %arg10[%get3A_318, %get3A_319] {strides = array<i32>} : memref<10x16xf32, #tpu.memory_space<vmem>>, vector<16xf32>,
    %mul3A_321 = arith.mulf %add3A_316, %get3A_320 : vector<16xf32>
    %add3A_322 = arith.addf %add3A_307, %mul3A_321 : vector<16xf32>
    %get3A_323 = arith.constant 9 : i32
    %get3A_324 = arith.index_cast %get3A_323 : i32 to index
    %get3A_325 = arith.constant 16 : index
    %get3A_326 = tpu.vector_load %arg8[%get3A_324, %get3A_325] {strides = array<i32>} : memref<10x128xf32, #tpu.memory_space<vmem>>, vector<16xf32>,
    %get3A_327 = arith.constant 9 : i32
    %get3A_328 = arith.index_cast %get3A_327 : i32 to index
    %get3A_329 = arith.constant 16 : index
    %get3A_330 = tpu.vector_load %arg9[%get3A_328, %get3A_329] {strides = array<i32>} : memref<10x128xf32, #tpu.memory_space<vmem>>, vector<16xf32>,
    %add3A_331 = arith.addf %get3A_326, %get3A_330 : vector<16xf32>
    %get3A_332 = arith.constant 9 : i32
    %get3A_333 = arith.index_cast %get3A_332 : i32 to index
    %get3A_334 = arith.constant 0 : index
    %get3A_335 = tpu.vector_load %arg10[%get3A_333, %get3A_334] {strides = array<i32>} : memref<10x16xf32, #tpu.memory_space<vmem>>, vector<16xf32>,
    %mul3A_336 = arith.mulf %add3A_331, %get3A_335 : vector<16xf32>
    %add3A_337 = arith.addf %add3A_322, %mul3A_336 : vector<16xf32>
    %swap3A_338 = arith.constant 16 : index
    %swap3A_339 = tpu.vector_load %arg12[%swap3A_338] {strides = array<i32>} : memref<128xf32, #tpu.memory_space<vmem>>, vector<16xf32>,
    tpu.vector_store %arg12[%swap3A_338], %add3A_337 {strides = array<i32>} : memref<128xf32, #tpu.memory_space<vmem>>, vector<16xf32>,
    %get3A_340 = arith.constant 0 : index
    %get3A_341 = tpu.vector_load %arg11[%get3A_340] {strides = array<i32>} : memref<16xf32, #tpu.memory_space<vmem>>, vector<16xf32>,
    %get3A_342 = arith.constant 0 : i32
    %get3A_343 = arith.index_cast %get3A_342 : i32 to index
    %get3A_344 = arith.constant 32 : index
    %get3A_345 = tpu.vector_load %arg8[%get3A_343, %get3A_344] {strides = array<i32>} : memref<10x128xf32, #tpu.memory_space<vmem>>, vector<16xf32>,
    %get3A_346 = arith.constant 0 : i32
    %get3A_347 = arith.index_cast %get3A_346 : i32 to index
    %get3A_348 = arith.constant 32 : index
    %get3A_349 = tpu.vector_load %arg9[%get3A_347, %get3A_348] {strides = array<i32>} : memref<10x128xf32, #tpu.memory_space<vmem>>, vector<16xf32>,
    %add3A_350 = arith.addf %get3A_345, %get3A_349 : vector<16xf32>
    %get3A_351 = arith.constant 0 : i32
    %get3A_352 = arith.index_cast %get3A_351 : i32 to index
    %get3A_353 = arith.constant 0 : index
    %get3A_354 = tpu.vector_load %arg10[%get3A_352, %get3A_353] {strides = array<i32>} : memref<10x16xf32, #tpu.memory_space<vmem>>, vector<16xf32>,
    %mul3A_355 = arith.mulf %add3A_350, %get3A_354 : vector<16xf32>
    %add3A_356 = arith.addf %get3A_341, %mul3A_355 : vector<16xf32>
    %get3A_357 = arith.constant 1 : i32
    %get3A_358 = arith.index_cast %get3A_357 : i32 to index
    %get3A_359 = arith.constant 32 : index
    %get3A_360 = tpu.vector_load %arg8[%get3A_358, %get3A_359] {strides = array<i32>} : memref<10x128xf32, #tpu.memory_space<vmem>>, vector<16xf32>,
    %get3A_361 = arith.constant 1 : i32
    %get3A_362 = arith.index_cast %get3A_361 : i32 to index
    %get3A_363 = arith.constant 32 : index
    %get3A_364 = tpu.vector_load %arg9[%get3A_362, %get3A_363] {strides = array<i32>} : memref<10x128xf32, #tpu.memory_space<vmem>>, vector<16xf32>,
    %add3A_365 = arith.addf %get3A_360, %get3A_364 : vector<16xf32>
    %get3A_366 = arith.constant 1 : i32
    %get3A_367 = arith.index_cast %get3A_366 : i32 to index
    %get3A_368 = arith.constant 0 : index
    %get3A_369 = tpu.vector_load %arg10[%get3A_367, %get3A_368] {strides = array<i32>} : memref<10x16xf32, #tpu.memory_space<vmem>>, vector<16xf32>,
    %mul3A_370 = arith.mulf %add3A_365, %get3A_369 : vector<16xf32>
    %add3A_371 = arith.addf %add3A_356, %mul3A_370 : vector<16xf32>
    %get3A_372 = arith.constant 2 : i32
    %get3A_373 = arith.index_cast %get3A_372 : i32 to index
    %get3A_374 = arith.constant 32 : index
    %get3A_375 = tpu.vector_load %arg8[%get3A_373, %get3A_374] {strides = array<i32>} : memref<10x128xf32, #tpu.memory_space<vmem>>, vector<16xf32>,
    %get3A_376 = arith.constant 2 : i32
    %get3A_377 = arith.index_cast %get3A_376 : i32 to index
    %get3A_378 = arith.constant 32 : index
    %get3A_379 = tpu.vector_load %arg9[%get3A_377, %get3A_378] {strides = array<i32>} : memref<10x128xf32, #tpu.memory_space<vmem>>, vector<16xf32>,
    %add3A_380 = arith.addf %get3A_375, %get3A_379 : vector<16xf32>
    %get3A_381 = arith.constant 2 : i32
    %get3A_382 = arith.index_cast %get3A_381 : i32 to index
    %get3A_383 = arith.constant 0 : index
    %get3A_384 = tpu.vector_load %arg10[%get3A_382, %get3A_383] {strides = array<i32>} : memref<10x16xf32, #tpu.memory_space<vmem>>, vector<16xf32>,
    %mul3A_385 = arith.mulf %add3A_380, %get3A_384 : vector<16xf32>
    %add3A_386 = arith.addf %add3A_371, %mul3A_385 : vector<16xf32>
    %get3A_387 = arith.constant 3 : i32
    %get3A_388 = arith.index_cast %get3A_387 : i32 to index
    %get3A_389 = arith.constant 32 : index
    %get3A_390 = tpu.vector_load %arg8[%get3A_388, %get3A_389] {strides = array<i32>} : memref<10x128xf32, #tpu.memory_space<vmem>>, vector<16xf32>,
    %get3A_391 = arith.constant 3 : i32
    %get3A_392 = arith.index_cast %get3A_391 : i32 to index
    %get3A_393 = arith.constant 32 : index
    %get3A_394 = tpu.vector_load %arg9[%get3A_392, %get3A_393] {strides = array<i32>} : memref<10x128xf32, #tpu.memory_space<vmem>>, vector<16xf32>,
    %add3A_395 = arith.addf %get3A_390, %get3A_394 : vector<16xf32>
    %get3A_396 = arith.constant 3 : i32
    %get3A_397 = arith.index_cast %get3A_396 : i32 to index
    %get3A_398 = arith.constant 0 : index
    %get3A_399 = tpu.vector_load %arg10[%get3A_397, %get3A_398] {strides = array<i32>} : memref<10x16xf32, #tpu.memory_space<vmem>>, vector<16xf32>,
    %mul3A_400 = arith.mulf %add3A_395, %get3A_399 : vector<16xf32>
    %add3A_401 = arith.addf %add3A_386, %mul3A_400 : vector<16xf32>
    %get3A_402 = arith.constant 4 : i32
    %get3A_403 = arith.index_cast %get3A_402 : i32 to index
    %get3A_404 = arith.constant 32 : index
    %get3A_405 = tpu.vector_load %arg8[%get3A_403, %get3A_404] {strides = array<i32>} : memref<10x128xf32, #tpu.memory_space<vmem>>, vector<16xf32>,
    %get3A_406 = arith.constant 4 : i32
    %get3A_407 = arith.index_cast %get3A_406 : i32 to index
    %get3A_408 = arith.constant 32 : index
    %get3A_409 = tpu.vector_load %arg9[%get3A_407, %get3A_408] {strides = array<i32>} : memref<10x128xf32, #tpu.memory_space<vmem>>, vector<16xf32>,
    %add3A_410 = arith.addf %get3A_405, %get3A_409 : vector<16xf32>
    %get3A_411 = arith.constant 4 : i32
    %get3A_412 = arith.index_cast %get3A_411 : i32 to index
    %get3A_413 = arith.constant 0 : index
    %get3A_414 = tpu.vector_load %arg10[%get3A_412, %get3A_413] {strides = array<i32>} : memref<10x16xf32, #tpu.memory_space<vmem>>, vector<16xf32>,
    %mul3A_415 = arith.mulf %add3A_410, %get3A_414 : vector<16xf32>
    %add3A_416 = arith.addf %add3A_401, %mul3A_415 : vector<16xf32>
    %get3A_417 = arith.constant 5 : i32
    %get3A_418 = arith.index_cast %get3A_417 : i32 to index
    %get3A_419 = arith.constant 32 : index
    %get3A_420 = tpu.vector_load %arg8[%get3A_418, %get3A_419] {strides = array<i32>} : memref<10x128xf32, #tpu.memory_space<vmem>>, vector<16xf32>,
    %get3A_421 = arith.constant 5 : i32
    %get3A_422 = arith.index_cast %get3A_421 : i32 to index
    %get3A_423 = arith.constant 32 : index
    %get3A_424 = tpu.vector_load %arg9[%get3A_422, %get3A_423] {strides = array<i32>} : memref<10x128xf32, #tpu.memory_space<vmem>>, vector<16xf32>,
    %add3A_425 = arith.addf %get3A_420, %get3A_424 : vector<16xf32>
    %get3A_426 = arith.constant 5 : i32
    %get3A_427 = arith.index_cast %get3A_426 : i32 to index
    %get3A_428 = arith.constant 0 : index
    %get3A_429 = tpu.vector_load %arg10[%get3A_427, %get3A_428] {strides = array<i32>} : memref<10x16xf32, #tpu.memory_space<vmem>>, vector<16xf32>,
    %mul3A_430 = arith.mulf %add3A_425, %get3A_429 : vector<16xf32>
    %add3A_431 = arith.addf %add3A_416, %mul3A_430 : vector<16xf32>
    %get3A_432 = arith.constant 6 : i32
    %get3A_433 = arith.index_cast %get3A_432 : i32 to index
    %get3A_434 = arith.constant 32 : index
    %get3A_435 = tpu.vector_load %arg8[%get3A_433, %get3A_434] {strides = array<i32>} : memref<10x128xf32, #tpu.memory_space<vmem>>, vector<16xf32>,
    %get3A_436 = arith.constant 6 : i32
    %get3A_437 = arith.index_cast %get3A_436 : i32 to index
    %get3A_438 = arith.constant 32 : index
    %get3A_439 = tpu.vector_load %arg9[%get3A_437, %get3A_438] {strides = array<i32>} : memref<10x128xf32, #tpu.memory_space<vmem>>, vector<16xf32>,
    %add3A_440 = arith.addf %get3A_435, %get3A_439 : vector<16xf32>
    %get3A_441 = arith.constant 6 : i32
    %get3A_442 = arith.index_cast %get3A_441 : i32 to index
    %get3A_443 = arith.constant 0 : index
    %get3A_444 = tpu.vector_load %arg10[%get3A_442, %get3A_443] {strides = array<i32>} : memref<10x16xf32, #tpu.memory_space<vmem>>, vector<16xf32>,
    %mul3A_445 = arith.mulf %add3A_440, %get3A_444 : vector<16xf32>
    %add3A_446 = arith.addf %add3A_431, %mul3A_445 : vector<16xf32>
    %get3A_447 = arith.constant 7 : i32
    %get3A_448 = arith.index_cast %get3A_447 : i32 to index
    %get3A_449 = arith.constant 32 : index
    %get3A_450 = tpu.vector_load %arg8[%get3A_448, %get3A_449] {strides = array<i32>} : memref<10x128xf32, #tpu.memory_space<vmem>>, vector<16xf32>,
    %get3A_451 = arith.constant 7 : i32
    %get3A_452 = arith.index_cast %get3A_451 : i32 to index
    %get3A_453 = arith.constant 32 : index
    %get3A_454 = tpu.vector_load %arg9[%get3A_452, %get3A_453] {strides = array<i32>} : memref<10x128xf32, #tpu.memory_space<vmem>>, vector<16xf32>,
    %add3A_455 = arith.addf %get3A_450, %get3A_454 : vector<16xf32>
    %get3A_456 = arith.constant 7 : i32
    %get3A_457 = arith.index_cast %get3A_456 : i32 to index
    %get3A_458 = arith.constant 0 : index
    %get3A_459 = tpu.vector_load %arg10[%get3A_457, %get3A_458] {strides = array<i32>} : memref<10x16xf32, #tpu.memory_space<vmem>>, vector<16xf32>,
    %mul3A_460 = arith.mulf %add3A_455, %get3A_459 : vector<16xf32>
    %add3A_461 = arith.addf %add3A_446, %mul3A_460 : vector<16xf32>
    %get3A_462 = arith.constant 8 : i32
    %get3A_463 = arith.index_cast %get3A_462 : i32 to index
    %get3A_464 = arith.constant 32 : index
    %get3A_465 = tpu.vector_load %arg8[%get3A_463, %get3A_464] {strides = array<i32>} : memref<10x128xf32, #tpu.memory_space<vmem>>, vector<16xf32>,
    %get3A_466 = arith.constant 8 : i32
    %get3A_467 = arith.index_cast %get3A_466 : i32 to index
    %get3A_468 = arith.constant 32 : index
    %get3A_469 = tpu.vector_load %arg9[%get3A_467, %get3A_468] {strides = array<i32>} : memref<10x128xf32, #tpu.memory_space<vmem>>, vector<16xf32>,
    %add3A_470 = arith.addf %get3A_465, %get3A_469 : vector<16xf32>
    %get3A_471 = arith.constant 8 : i32
    %get3A_472 = arith.index_cast %get3A_471 : i32 to index
    %get3A_473 = arith.constant 0 : index
    %get3A_474 = tpu.vector_load %arg10[%get3A_472, %get3A_473] {strides = array<i32>} : memref<10x16xf32, #tpu.memory_space<vmem>>, vector<16xf32>,
    %mul3A_475 = arith.mulf %add3A_470, %get3A_474 : vector<16xf32>
    %add3A_476 = arith.addf %add3A_461, %mul3A_475 : vector<16xf32>
    %get3A_477 = arith.constant 9 : i32
    %get3A_478 = arith.index_cast %get3A_477 : i32 to index
    %get3A_479 = arith.constant 32 : index
    %get3A_480 = tpu.vector_load %arg8[%get3A_478, %get3A_479] {strides = array<i32>} : memref<10x128xf32, #tpu.memory_space<vmem>>, vector<16xf32>,
    %get3A_481 = arith.constant 9 : i32
    %get3A_482 = arith.index_cast %get3A_481 : i32 to index
    %get3A_483 = arith.constant 32 : index
    %get3A_484 = tpu.vector_load %arg9[%get3A_482, %get3A_483] {strides = array<i32>} : memref<10x128xf32, #tpu.memory_space<vmem>>, vector<16xf32>,
    %add3A_485 = arith.addf %get3A_480, %get3A_484 : vector<16xf32>
    %get3A_486 = arith.constant 9 : i32
    %get3A_487 = arith.index_cast %get3A_486 : i32 to index
    %get3A_488 = arith.constant 0 : index
    %get3A_489 = tpu.vector_load %arg10[%get3A_487, %get3A_488] {strides = array<i32>} : memref<10x16xf32, #tpu.memory_space<vmem>>, vector<16xf32>,
    %mul3A_490 = arith.mulf %add3A_485, %get3A_489 : vector<16xf32>
    %add3A_491 = arith.addf %add3A_476, %mul3A_490 : vector<16xf32>
    %swap3A_492 = arith.constant 32 : index
    %swap3A_493 = tpu.vector_load %arg12[%swap3A_492] {strides = array<i32>} : memref<128xf32, #tpu.memory_space<vmem>>, vector<16xf32>,
    tpu.vector_store %arg12[%swap3A_492], %add3A_491 {strides = array<i32>} : memref<128xf32, #tpu.memory_space<vmem>>, vector<16xf32>,
    %get3A_494 = arith.constant 0 : index
    %get3A_495 = tpu.vector_load %arg11[%get3A_494] {strides = array<i32>} : memref<16xf32, #tpu.memory_space<vmem>>, vector<16xf32>,
    %get3A_496 = arith.constant 0 : i32
    %get3A_497 = arith.index_cast %get3A_496 : i32 to index
    %get3A_498 = arith.constant 48 : index
    %get3A_499 = tpu.vector_load %arg8[%get3A_497, %get3A_498] {strides = array<i32>} : memref<10x128xf32, #tpu.memory_space<vmem>>, vector<16xf32>,
    %get3A_500 = arith.constant 0 : i32
    %get3A_501 = arith.index_cast %get3A_500 : i32 to index
    %get3A_502 = arith.constant 48 : index
    %get3A_503 = tpu.vector_load %arg9[%get3A_501, %get3A_502] {strides = array<i32>} : memref<10x128xf32, #tpu.memory_space<vmem>>, vector<16xf32>,
    %add3A_504 = arith.addf %get3A_499, %get3A_503 : vector<16xf32>
    %get3A_505 = arith.constant 0 : i32
    %get3A_506 = arith.index_cast %get3A_505 : i32 to index
    %get3A_507 = arith.constant 0 : index
    %get3A_508 = tpu.vector_load %arg10[%get3A_506, %get3A_507] {strides = array<i32>} : memref<10x16xf32, #tpu.memory_space<vmem>>, vector<16xf32>,
    %mul3A_509 = arith.mulf %add3A_504, %get3A_508 : vector<16xf32>
    %add3A_510 = arith.addf %get3A_495, %mul3A_509 : vector<16xf32>
    %get3A_511 = arith.constant 1 : i32
    %get3A_512 = arith.index_cast %get3A_511 : i32 to index
    %get3A_513 = arith.constant 48 : index
    %get3A_514 = tpu.vector_load %arg8[%get3A_512, %get3A_513] {strides = array<i32>} : memref<10x128xf32, #tpu.memory_space<vmem>>, vector<16xf32>,
    %get3A_515 = arith.constant 1 : i32
    %get3A_516 = arith.index_cast %get3A_515 : i32 to index
    %get3A_517 = arith.constant 48 : index
    %get3A_518 = tpu.vector_load %arg9[%get3A_516, %get3A_517] {strides = array<i32>} : memref<10x128xf32, #tpu.memory_space<vmem>>, vector<16xf32>,
    %add3A_519 = arith.addf %get3A_514, %get3A_518 : vector<16xf32>
    %get3A_520 = arith.constant 1 : i32
    %get3A_521 = arith.index_cast %get3A_520 : i32 to index
    %get3A_522 = arith.constant 0 : index
    %get3A_523 = tpu.vector_load %arg10[%get3A_521, %get3A_522] {strides = array<i32>} : memref<10x16xf32, #tpu.memory_space<vmem>>, vector<16xf32>,
    %mul3A_524 = arith.mulf %add3A_519, %get3A_523 : vector<16xf32>
    %add3A_525 = arith.addf %add3A_510, %mul3A_524 : vector<16xf32>
    %get3A_526 = arith.constant 2 : i32
    %get3A_527 = arith.index_cast %get3A_526 : i32 to index
    %get3A_528 = arith.constant 48 : index
    %get3A_529 = tpu.vector_load %arg8[%get3A_527, %get3A_528] {strides = array<i32>} : memref<10x128xf32, #tpu.memory_space<vmem>>, vector<16xf32>,
    %get3A_530 = arith.constant 2 : i32
    %get3A_531 = arith.index_cast %get3A_530 : i32 to index
    %get3A_532 = arith.constant 48 : index
    %get3A_533 = tpu.vector_load %arg9[%get3A_531, %get3A_532] {strides = array<i32>} : memref<10x128xf32, #tpu.memory_space<vmem>>, vector<16xf32>,
    %add3A_534 = arith.addf %get3A_529, %get3A_533 : vector<16xf32>
    %get3A_535 = arith.constant 2 : i32
    %get3A_536 = arith.index_cast %get3A_535 : i32 to index
    %get3A_537 = arith.constant 0 : index
    %get3A_538 = tpu.vector_load %arg10[%get3A_536, %get3A_537] {strides = array<i32>} : memref<10x16xf32, #tpu.memory_space<vmem>>, vector<16xf32>,
    %mul3A_539 = arith.mulf %add3A_534, %get3A_538 : vector<16xf32>
    %add3A_540 = arith.addf %add3A_525, %mul3A_539 : vector<16xf32>
    %get3A_541 = arith.constant 3 : i32
    %get3A_542 = arith.index_cast %get3A_541 : i32 to index
    %get3A_543 = arith.constant 48 : index
    %get3A_544 = tpu.vector_load %arg8[%get3A_542, %get3A_543] {strides = array<i32>} : memref<10x128xf32, #tpu.memory_space<vmem>>, vector<16xf32>,
    %get3A_545 = arith.constant 3 : i32
    %get3A_546 = arith.index_cast %get3A_545 : i32 to index
    %get3A_547 = arith.constant 48 : index
    %get3A_548 = tpu.vector_load %arg9[%get3A_546, %get3A_547] {strides = array<i32>} : memref<10x128xf32, #tpu.memory_space<vmem>>, vector<16xf32>,
    %add3A_549 = arith.addf %get3A_544, %get3A_548 : vector<16xf32>
    %get3A_550 = arith.constant 3 : i32
    %get3A_551 = arith.index_cast %get3A_550 : i32 to index
    %get3A_552 = arith.constant 0 : index
    %get3A_553 = tpu.vector_load %arg10[%get3A_551, %get3A_552] {strides = array<i32>} : memref<10x16xf32, #tpu.memory_space<vmem>>, vector<16xf32>,
    %mul3A_554 = arith.mulf %add3A_549, %get3A_553 : vector<16xf32>
    %add3A_555 = arith.addf %add3A_540, %mul3A_554 : vector<16xf32>
    %get3A_556 = arith.constant 4 : i32
    %get3A_557 = arith.index_cast %get3A_556 : i32 to index
    %get3A_558 = arith.constant 48 : index
    %get3A_559 = tpu.vector_load %arg8[%get3A_557, %get3A_558] {strides = array<i32>} : memref<10x128xf32, #tpu.memory_space<vmem>>, vector<16xf32>,
    %get3A_560 = arith.constant 4 : i32
    %get3A_561 = arith.index_cast %get3A_560 : i32 to index
    %get3A_562 = arith.constant 48 : index
    %get3A_563 = tpu.vector_load %arg9[%get3A_561, %get3A_562] {strides = array<i32>} : memref<10x128xf32, #tpu.memory_space<vmem>>, vector<16xf32>,
    %add3A_564 = arith.addf %get3A_559, %get3A_563 : vector<16xf32>
    %get3A_565 = arith.constant 4 : i32
    %get3A_566 = arith.index_cast %get3A_565 : i32 to index
    %get3A_567 = arith.constant 0 : index
    %get3A_568 = tpu.vector_load %arg10[%get3A_566, %get3A_567] {strides = array<i32>} : memref<10x16xf32, #tpu.memory_space<vmem>>, vector<16xf32>,
    %mul3A_569 = arith.mulf %add3A_564, %get3A_568 : vector<16xf32>
    %add3A_570 = arith.addf %add3A_555, %mul3A_569 : vector<16xf32>
    %get3A_571 = arith.constant 5 : i32
    %get3A_572 = arith.index_cast %get3A_571 : i32 to index
    %get3A_573 = arith.constant 48 : index
    %get3A_574 = tpu.vector_load %arg8[%get3A_572, %get3A_573] {strides = array<i32>} : memref<10x128xf32, #tpu.memory_space<vmem>>, vector<16xf32>,
    %get3A_575 = arith.constant 5 : i32
    %get3A_576 = arith.index_cast %get3A_575 : i32 to index
    %get3A_577 = arith.constant 48 : index
    %get3A_578 = tpu.vector_load %arg9[%get3A_576, %get3A_577] {strides = array<i32>} : memref<10x128xf32, #tpu.memory_space<vmem>>, vector<16xf32>,
    %add3A_579 = arith.addf %get3A_574, %get3A_578 : vector<16xf32>
    %get3A_580 = arith.constant 5 : i32
    %get3A_581 = arith.index_cast %get3A_580 : i32 to index
    %get3A_582 = arith.constant 0 : index
    %get3A_583 = tpu.vector_load %arg10[%get3A_581, %get3A_582] {strides = array<i32>} : memref<10x16xf32, #tpu.memory_space<vmem>>, vector<16xf32>,
    %mul3A_584 = arith.mulf %add3A_579, %get3A_583 : vector<16xf32>
    %add3A_585 = arith.addf %add3A_570, %mul3A_584 : vector<16xf32>
    %get3A_586 = arith.constant 6 : i32
    %get3A_587 = arith.index_cast %get3A_586 : i32 to index
    %get3A_588 = arith.constant 48 : index
    %get3A_589 = tpu.vector_load %arg8[%get3A_587, %get3A_588] {strides = array<i32>} : memref<10x128xf32, #tpu.memory_space<vmem>>, vector<16xf32>,
    %get3A_590 = arith.constant 6 : i32
    %get3A_591 = arith.index_cast %get3A_590 : i32 to index
    %get3A_592 = arith.constant 48 : index
    %get3A_593 = tpu.vector_load %arg9[%get3A_591, %get3A_592] {strides = array<i32>} : memref<10x128xf32, #tpu.memory_space<vmem>>, vector<16xf32>,
    %add3A_594 = arith.addf %get3A_589, %get3A_593 : vector<16xf32>
    %get3A_595 = arith.constant 6 : i32
    %get3A_596 = arith.index_cast %get3A_595 : i32 to index
    %get3A_597 = arith.constant 0 : index
    %get3A_598 = tpu.vector_load %arg10[%get3A_596, %get3A_597] {strides = array<i32>} : memref<10x16xf32, #tpu.memory_space<vmem>>, vector<16xf32>,
    %mul3A_599 = arith.mulf %add3A_594, %get3A_598 : vector<16xf32>
    %add3A_600 = arith.addf %add3A_585, %mul3A_599 : vector<16xf32>
    %get3A_601 = arith.constant 7 : i32
    %get3A_602 = arith.index_cast %get3A_601 : i32 to index
    %get3A_603 = arith.constant 48 : index
    %get3A_604 = tpu.vector_load %arg8[%get3A_602, %get3A_603] {strides = array<i32>} : memref<10x128xf32, #tpu.memory_space<vmem>>, vector<16xf32>,
    %get3A_605 = arith.constant 7 : i32
    %get3A_606 = arith.index_cast %get3A_605 : i32 to index
    %get3A_607 = arith.constant 48 : index
    %get3A_608 = tpu.vector_load %arg9[%get3A_606, %get3A_607] {strides = array<i32>} : memref<10x128xf32, #tpu.memory_space<vmem>>, vector<16xf32>,
    %add3A_609 = arith.addf %get3A_604, %get3A_608 : vector<16xf32>
    %get3A_610 = arith.constant 7 : i32
    %get3A_611 = arith.index_cast %get3A_610 : i32 to index
    %get3A_612 = arith.constant 0 : index
    %get3A_613 = tpu.vector_load %arg10[%get3A_611, %get3A_612] {strides = array<i32>} : memref<10x16xf32, #tpu.memory_space<vmem>>, vector<16xf32>,
    %mul3A_614 = arith.mulf %add3A_609, %get3A_613 : vector<16xf32>
    %add3A_615 = arith.addf %add3A_600, %mul3A_614 : vector<16xf32>
    %get3A_616 = arith.constant 8 : i32
    %get3A_617 = arith.index_cast %get3A_616 : i32 to index
    %get3A_618 = arith.constant 48 : index
    %get3A_619 = tpu.vector_load %arg8[%get3A_617, %get3A_618] {strides = array<i32>} : memref<10x128xf32, #tpu.memory_space<vmem>>, vector<16xf32>,
    %get3A_620 = arith.constant 8 : i32
    %get3A_621 = arith.index_cast %get3A_620 : i32 to index
    %get3A_622 = arith.constant 48 : index
    %get3A_623 = tpu.vector_load %arg9[%get3A_621, %get3A_622] {strides = array<i32>} : memref<10x128xf32, #tpu.memory_space<vmem>>, vector<16xf32>,
    %add3A_624 = arith.addf %get3A_619, %get3A_623 : vector<16xf32>
    %get3A_625 = arith.constant 8 : i32
    %get3A_626 = arith.index_cast %get3A_625 : i32 to index
    %get3A_627 = arith.constant 0 : index
    %get3A_628 = tpu.vector_load %arg10[%get3A_626, %get3A_627] {strides = array<i32>} : memref<10x16xf32, #tpu.memory_space<vmem>>, vector<16xf32>,
    %mul3A_629 = arith.mulf %add3A_624, %get3A_628 : vector<16xf32>
    %add3A_630 = arith.addf %add3A_615, %mul3A_629 : vector<16xf32>
    %get3A_631 = arith.constant 9 : i32
    %get3A_632 = arith.index_cast %get3A_631 : i32 to index
    %get3A_633 = arith.constant 48 : index
    %get3A_634 = tpu.vector_load %arg8[%get3A_632, %get3A_633] {strides = array<i32>} : memref<10x128xf32, #tpu.memory_space<vmem>>, vector<16xf32>,
    %get3A_635 = arith.constant 9 : i32
    %get3A_636 = arith.index_cast %get3A_635 : i32 to index
    %get3A_637 = arith.constant 48 : index
    %get3A_638 = tpu.vector_load %arg9[%get3A_636, %get3A_637] {strides = array<i32>} : memref<10x128xf32, #tpu.memory_space<vmem>>, vector<16xf32>,
    %add3A_639 = arith.addf %get3A_634, %get3A_638 : vector<16xf32>
    %get3A_640 = arith.constant 9 : i32
    %get3A_641 = arith.index_cast %get3A_640 : i32 to index
    %get3A_642 = arith.constant 0 : index
    %get3A_643 = tpu.vector_load %arg10[%get3A_641, %get3A_642] {strides = array<i32>} : memref<10x16xf32, #tpu.memory_space<vmem>>, vector<16xf32>,
    %mul3A_644 = arith.mulf %add3A_639, %get3A_643 : vector<16xf32>
    %add3A_645 = arith.addf %add3A_630, %mul3A_644 : vector<16xf32>
    %swap3A_646 = arith.constant 48 : index
    %swap3A_647 = tpu.vector_load %arg12[%swap3A_646] {strides = array<i32>} : memref<128xf32, #tpu.memory_space<vmem>>, vector<16xf32>,
    tpu.vector_store %arg12[%swap3A_646], %add3A_645 {strides = array<i32>} : memref<128xf32, #tpu.memory_space<vmem>>, vector<16xf32>,
    %get3A_648 = arith.constant 0 : index
    %get3A_649 = tpu.vector_load %arg11[%get3A_648] {strides = array<i32>} : memref<16xf32, #tpu.memory_space<vmem>>, vector<16xf32>,
    %get3A_650 = arith.constant 0 : i32
    %get3A_651 = arith.index_cast %get3A_650 : i32 to index
    %get3A_652 = arith.constant 64 : index
    %get3A_653 = tpu.vector_load %arg8[%get3A_651, %get3A_652] {strides = array<i32>} : memref<10x128xf32, #tpu.memory_space<vmem>>, vector<16xf32>,
    %get3A_654 = arith.constant 0 : i32
    %get3A_655 = arith.index_cast %get3A_654 : i32 to index
    %get3A_656 = arith.constant 64 : index
    %get3A_657 = tpu.vector_load %arg9[%get3A_655, %get3A_656] {strides = array<i32>} : memref<10x128xf32, #tpu.memory_space<vmem>>, vector<16xf32>,
    %add3A_658 = arith.addf %get3A_653, %get3A_657 : vector<16xf32>
    %get3A_659 = arith.constant 0 : i32
    %get3A_660 = arith.index_cast %get3A_659 : i32 to index
    %get3A_661 = arith.constant 0 : index
    %get3A_662 = tpu.vector_load %arg10[%get3A_660, %get3A_661] {strides = array<i32>} : memref<10x16xf32, #tpu.memory_space<vmem>>, vector<16xf32>,
    %mul3A_663 = arith.mulf %add3A_658, %get3A_662 : vector<16xf32>
    %add3A_664 = arith.addf %get3A_649, %mul3A_663 : vector<16xf32>
    %get3A_665 = arith.constant 1 : i32
    %get3A_666 = arith.index_cast %get3A_665 : i32 to index
    %get3A_667 = arith.constant 64 : index
    %get3A_668 = tpu.vector_load %arg8[%get3A_666, %get3A_667] {strides = array<i32>} : memref<10x128xf32, #tpu.memory_space<vmem>>, vector<16xf32>,
    %get3A_669 = arith.constant 1 : i32
    %get3A_670 = arith.index_cast %get3A_669 : i32 to index
    %get3A_671 = arith.constant 64 : index
    %get3A_672 = tpu.vector_load %arg9[%get3A_670, %get3A_671] {strides = array<i32>} : memref<10x128xf32, #tpu.memory_space<vmem>>, vector<16xf32>,
    %add3A_673 = arith.addf %get3A_668, %get3A_672 : vector<16xf32>
    %get3A_674 = arith.constant 1 : i32
    %get3A_675 = arith.index_cast %get3A_674 : i32 to index
    %get3A_676 = arith.constant 0 : index
    %get3A_677 = tpu.vector_load %arg10[%get3A_675, %get3A_676] {strides = array<i32>} : memref<10x16xf32, #tpu.memory_space<vmem>>, vector<16xf32>,
    %mul3A_678 = arith.mulf %add3A_673, %get3A_677 : vector<16xf32>
    %add3A_679 = arith.addf %add3A_664, %mul3A_678 : vector<16xf32>
    %get3A_680 = arith.constant 2 : i32
    %get3A_681 = arith.index_cast %get3A_680 : i32 to index
    %get3A_682 = arith.constant 64 : index
    %get3A_683 = tpu.vector_load %arg8[%get3A_681, %get3A_682] {strides = array<i32>} : memref<10x128xf32, #tpu.memory_space<vmem>>, vector<16xf32>,
    %get3A_684 = arith.constant 2 : i32
    %get3A_685 = arith.index_cast %get3A_684 : i32 to index
    %get3A_686 = arith.constant 64 : index
    %get3A_687 = tpu.vector_load %arg9[%get3A_685, %get3A_686] {strides = array<i32>} : memref<10x128xf32, #tpu.memory_space<vmem>>, vector<16xf32>,
    %add3A_688 = arith.addf %get3A_683, %get3A_687 : vector<16xf32>
    %get3A_689 = arith.constant 2 : i32
    %get3A_690 = arith.index_cast %get3A_689 : i32 to index
    %get3A_691 = arith.constant 0 : index
    %get3A_692 = tpu.vector_load %arg10[%get3A_690, %get3A_691] {strides = array<i32>} : memref<10x16xf32, #tpu.memory_space<vmem>>, vector<16xf32>,
    %mul3A_693 = arith.mulf %add3A_688, %get3A_692 : vector<16xf32>
    %add3A_694 = arith.addf %add3A_679, %mul3A_693 : vector<16xf32>
    %get3A_695 = arith.constant 3 : i32
    %get3A_696 = arith.index_cast %get3A_695 : i32 to index
    %get3A_697 = arith.constant 64 : index
    %get3A_698 = tpu.vector_load %arg8[%get3A_696, %get3A_697] {strides = array<i32>} : memref<10x128xf32, #tpu.memory_space<vmem>>, vector<16xf32>,
    %get3A_699 = arith.constant 3 : i32
    %get3A_700 = arith.index_cast %get3A_699 : i32 to index
    %get3A_701 = arith.constant 64 : index
    %get3A_702 = tpu.vector_load %arg9[%get3A_700, %get3A_701] {strides = array<i32>} : memref<10x128xf32, #tpu.memory_space<vmem>>, vector<16xf32>,
    %add3A_703 = arith.addf %get3A_698, %get3A_702 : vector<16xf32>
    %get3A_704 = arith.constant 3 : i32
    %get3A_705 = arith.index_cast %get3A_704 : i32 to index
    %get3A_706 = arith.constant 0 : index
    %get3A_707 = tpu.vector_load %arg10[%get3A_705, %get3A_706] {strides = array<i32>} : memref<10x16xf32, #tpu.memory_space<vmem>>, vector<16xf32>,
    %mul3A_708 = arith.mulf %add3A_703, %get3A_707 : vector<16xf32>
    %add3A_709 = arith.addf %add3A_694, %mul3A_708 : vector<16xf32>
    %get3A_710 = arith.constant 4 : i32
    %get3A_711 = arith.index_cast %get3A_710 : i32 to index
    %get3A_712 = arith.constant 64 : index
    %get3A_713 = tpu.vector_load %arg8[%get3A_711, %get3A_712] {strides = array<i32>} : memref<10x128xf32, #tpu.memory_space<vmem>>, vector<16xf32>,
    %get3A_714 = arith.constant 4 : i32
    %get3A_715 = arith.index_cast %get3A_714 : i32 to index
    %get3A_716 = arith.constant 64 : index
    %get3A_717 = tpu.vector_load %arg9[%get3A_715, %get3A_716] {strides = array<i32>} : memref<10x128xf32, #tpu.memory_space<vmem>>, vector<16xf32>,
    %add3A_718 = arith.addf %get3A_713, %get3A_717 : vector<16xf32>
    %get3A_719 = arith.constant 4 : i32
    %get3A_720 = arith.index_cast %get3A_719 : i32 to index
    %get3A_721 = arith.constant 0 : index
    %get3A_722 = tpu.vector_load %arg10[%get3A_720, %get3A_721] {strides = array<i32>} : memref<10x16xf32, #tpu.memory_space<vmem>>, vector<16xf32>,
    %mul3A_723 = arith.mulf %add3A_718, %get3A_722 : vector<16xf32>
    %add3A_724 = arith.addf %add3A_709, %mul3A_723 : vector<16xf32>
    %get3A_725 = arith.constant 5 : i32
    %get3A_726 = arith.index_cast %get3A_725 : i32 to index
    %get3A_727 = arith.constant 64 : index
    %get3A_728 = tpu.vector_load %arg8[%get3A_726, %get3A_727] {strides = array<i32>} : memref<10x128xf32, #tpu.memory_space<vmem>>, vector<16xf32>,
    %get3A_729 = arith.constant 5 : i32
    %get3A_730 = arith.index_cast %get3A_729 : i32 to index
    %get3A_731 = arith.constant 64 : index
    %get3A_732 = tpu.vector_load %arg9[%get3A_730, %get3A_731] {strides = array<i32>} : memref<10x128xf32, #tpu.memory_space<vmem>>, vector<16xf32>,
    %add3A_733 = arith.addf %get3A_728, %get3A_732 : vector<16xf32>
    %get3A_734 = arith.constant 5 : i32
    %get3A_735 = arith.index_cast %get3A_734 : i32 to index
    %get3A_736 = arith.constant 0 : index
    %get3A_737 = tpu.vector_load %arg10[%get3A_735, %get3A_736] {strides = array<i32>} : memref<10x16xf32, #tpu.memory_space<vmem>>, vector<16xf32>,
    %mul3A_738 = arith.mulf %add3A_733, %get3A_737 : vector<16xf32>
    %add3A_739 = arith.addf %add3A_724, %mul3A_738 : vector<16xf32>
    %get3A_740 = arith.constant 6 : i32
    %get3A_741 = arith.index_cast %get3A_740 : i32 to index
    %get3A_742 = arith.constant 64 : index
    %get3A_743 = tpu.vector_load %arg8[%get3A_741, %get3A_742] {strides = array<i32>} : memref<10x128xf32, #tpu.memory_space<vmem>>, vector<16xf32>,
    %get3A_744 = arith.constant 6 : i32
    %get3A_745 = arith.index_cast %get3A_744 : i32 to index
    %get3A_746 = arith.constant 64 : index
    %get3A_747 = tpu.vector_load %arg9[%get3A_745, %get3A_746] {strides = array<i32>} : memref<10x128xf32, #tpu.memory_space<vmem>>, vector<16xf32>,
    %add3A_748 = arith.addf %get3A_743, %get3A_747 : vector<16xf32>
    %get3A_749 = arith.constant 6 : i32
    %get3A_750 = arith.index_cast %get3A_749 : i32 to index
    %get3A_751 = arith.constant 0 : index
    %get3A_752 = tpu.vector_load %arg10[%get3A_750, %get3A_751] {strides = array<i32>} : memref<10x16xf32, #tpu.memory_space<vmem>>, vector<16xf32>,
    %mul3A_753 = arith.mulf %add3A_748, %get3A_752 : vector<16xf32>
    %add3A_754 = arith.addf %add3A_739, %mul3A_753 : vector<16xf32>
    %get3A_755 = arith.constant 7 : i32
    %get3A_756 = arith.index_cast %get3A_755 : i32 to index
    %get3A_757 = arith.constant 64 : index
    %get3A_758 = tpu.vector_load %arg8[%get3A_756, %get3A_757] {strides = array<i32>} : memref<10x128xf32, #tpu.memory_space<vmem>>, vector<16xf32>,
    %get3A_759 = arith.constant 7 : i32
    %get3A_760 = arith.index_cast %get3A_759 : i32 to index
    %get3A_761 = arith.constant 64 : index
    %get3A_762 = tpu.vector_load %arg9[%get3A_760, %get3A_761] {strides = array<i32>} : memref<10x128xf32, #tpu.memory_space<vmem>>, vector<16xf32>,
    %add3A_763 = arith.addf %get3A_758, %get3A_762 : vector<16xf32>
    %get3A_764 = arith.constant 7 : i32
    %get3A_765 = arith.index_cast %get3A_764 : i32 to index
    %get3A_766 = arith.constant 0 : index
    %get3A_767 = tpu.vector_load %arg10[%get3A_765, %get3A_766] {strides = array<i32>} : memref<10x16xf32, #tpu.memory_space<vmem>>, vector<16xf32>,
    %mul3A_768 = arith.mulf %add3A_763, %get3A_767 : vector<16xf32>
    %add3A_769 = arith.addf %add3A_754, %mul3A_768 : vector<16xf32>
    %get3A_770 = arith.constant 8 : i32
    %get3A_771 = arith.index_cast %get3A_770 : i32 to index
    %get3A_772 = arith.constant 64 : index
    %get3A_773 = tpu.vector_load %arg8[%get3A_771, %get3A_772] {strides = array<i32>} : memref<10x128xf32, #tpu.memory_space<vmem>>, vector<16xf32>,
    %get3A_774 = arith.constant 8 : i32
    %get3A_775 = arith.index_cast %get3A_774 : i32 to index
    %get3A_776 = arith.constant 64 : index
    %get3A_777 = tpu.vector_load %arg9[%get3A_775, %get3A_776] {strides = array<i32>} : memref<10x128xf32, #tpu.memory_space<vmem>>, vector<16xf32>,
    %add3A_778 = arith.addf %get3A_773, %get3A_777 : vector<16xf32>
    %get3A_779 = arith.constant 8 : i32
    %get3A_780 = arith.index_cast %get3A_779 : i32 to index
    %get3A_781 = arith.constant 0 : index
    %get3A_782 = tpu.vector_load %arg10[%get3A_780, %get3A_781] {strides = array<i32>} : memref<10x16xf32, #tpu.memory_space<vmem>>, vector<16xf32>,
    %mul3A_783 = arith.mulf %add3A_778, %get3A_782 : vector<16xf32>
    %add3A_784 = arith.addf %add3A_769, %mul3A_783 : vector<16xf32>
    %get3A_785 = arith.constant 9 : i32
    %get3A_786 = arith.index_cast %get3A_785 : i32 to index
    %get3A_787 = arith.constant 64 : index
    %get3A_788 = tpu.vector_load %arg8[%get3A_786, %get3A_787] {strides = array<i32>} : memref<10x128xf32, #tpu.memory_space<vmem>>, vector<16xf32>,
    %get3A_789 = arith.constant 9 : i32
    %get3A_790 = arith.index_cast %get3A_789 : i32 to index
    %get3A_791 = arith.constant 64 : index
    %get3A_792 = tpu.vector_load %arg9[%get3A_790, %get3A_791] {strides = array<i32>} : memref<10x128xf32, #tpu.memory_space<vmem>>, vector<16xf32>,
    %add3A_793 = arith.addf %get3A_788, %get3A_792 : vector<16xf32>
    %get3A_794 = arith.constant 9 : i32
    %get3A_795 = arith.index_cast %get3A_794 : i32 to index
    %get3A_796 = arith.constant 0 : index
    %get3A_797 = tpu.vector_load %arg10[%get3A_795, %get3A_796] {strides = array<i32>} : memref<10x16xf32, #tpu.memory_space<vmem>>, vector<16xf32>,
    %mul3A_798 = arith.mulf %add3A_793, %get3A_797 : vector<16xf32>
    %add3A_799 = arith.addf %add3A_784, %mul3A_798 : vector<16xf32>
    %swap3A_800 = arith.constant 64 : index
    %swap3A_801 = tpu.vector_load %arg12[%swap3A_800] {strides = array<i32>} : memref<128xf32, #tpu.memory_space<vmem>>, vector<16xf32>,
    tpu.vector_store %arg12[%swap3A_800], %add3A_799 {strides = array<i32>} : memref<128xf32, #tpu.memory_space<vmem>>, vector<16xf32>,
    %get3A_802 = arith.constant 0 : index
    %get3A_803 = tpu.vector_load %arg11[%get3A_802] {strides = array<i32>} : memref<16xf32, #tpu.memory_space<vmem>>, vector<16xf32>,
    %get3A_804 = arith.constant 0 : i32
    %get3A_805 = arith.index_cast %get3A_804 : i32 to index
    %get3A_806 = arith.constant 80 : index
    %get3A_807 = tpu.vector_load %arg8[%get3A_805, %get3A_806] {strides = array<i32>} : memref<10x128xf32, #tpu.memory_space<vmem>>, vector<16xf32>,
    %get3A_808 = arith.constant 0 : i32
    %get3A_809 = arith.index_cast %get3A_808 : i32 to index
    %get3A_810 = arith.constant 80 : index
    %get3A_811 = tpu.vector_load %arg9[%get3A_809, %get3A_810] {strides = array<i32>} : memref<10x128xf32, #tpu.memory_space<vmem>>, vector<16xf32>,
    %add3A_812 = arith.addf %get3A_807, %get3A_811 : vector<16xf32>
    %get3A_813 = arith.constant 0 : i32
    %get3A_814 = arith.index_cast %get3A_813 : i32 to index
    %get3A_815 = arith.constant 0 : index
    %get3A_816 = tpu.vector_load %arg10[%get3A_814, %get3A_815] {strides = array<i32>} : memref<10x16xf32, #tpu.memory_space<vmem>>, vector<16xf32>,
    %mul3A_817 = arith.mulf %add3A_812, %get3A_816 : vector<16xf32>
    %add3A_818 = arith.addf %get3A_803, %mul3A_817 : vector<16xf32>
    %get3A_819 = arith.constant 1 : i32
    %get3A_820 = arith.index_cast %get3A_819 : i32 to index
    %get3A_821 = arith.constant 80 : index
    %get3A_822 = tpu.vector_load %arg8[%get3A_820, %get3A_821] {strides = array<i32>} : memref<10x128xf32, #tpu.memory_space<vmem>>, vector<16xf32>,
    %get3A_823 = arith.constant 1 : i32
    %get3A_824 = arith.index_cast %get3A_823 : i32 to index
    %get3A_825 = arith.constant 80 : index
    %get3A_826 = tpu.vector_load %arg9[%get3A_824, %get3A_825] {strides = array<i32>} : memref<10x128xf32, #tpu.memory_space<vmem>>, vector<16xf32>,
    %add3A_827 = arith.addf %get3A_822, %get3A_826 : vector<16xf32>
    %get3A_828 = arith.constant 1 : i32
    %get3A_829 = arith.index_cast %get3A_828 : i32 to index
    %get3A_830 = arith.constant 0 : index
    %get3A_831 = tpu.vector_load %arg10[%get3A_829, %get3A_830] {strides = array<i32>} : memref<10x16xf32, #tpu.memory_space<vmem>>, vector<16xf32>,
    %mul3A_832 = arith.mulf %add3A_827, %get3A_831 : vector<16xf32>
    %add3A_833 = arith.addf %add3A_818, %mul3A_832 : vector<16xf32>
    %get3A_834 = arith.constant 2 : i32
    %get3A_835 = arith.index_cast %get3A_834 : i32 to index
    %get3A_836 = arith.constant 80 : index
    %get3A_837 = tpu.vector_load %arg8[%get3A_835, %get3A_836] {strides = array<i32>} : memref<10x128xf32, #tpu.memory_space<vmem>>, vector<16xf32>,
    %get3A_838 = arith.constant 2 : i32
    %get3A_839 = arith.index_cast %get3A_838 : i32 to index
    %get3A_840 = arith.constant 80 : index
    %get3A_841 = tpu.vector_load %arg9[%get3A_839, %get3A_840] {strides = array<i32>} : memref<10x128xf32, #tpu.memory_space<vmem>>, vector<16xf32>,
    %add3A_842 = arith.addf %get3A_837, %get3A_841 : vector<16xf32>
    %get3A_843 = arith.constant 2 : i32
    %get3A_844 = arith.index_cast %get3A_843 : i32 to index
    %get3A_845 = arith.constant 0 : index
    %get3A_846 = tpu.vector_load %arg10[%get3A_844, %get3A_845] {strides = array<i32>} : memref<10x16xf32, #tpu.memory_space<vmem>>, vector<16xf32>,
    %mul3A_847 = arith.mulf %add3A_842, %get3A_846 : vector<16xf32>
    %add3A_848 = arith.addf %add3A_833, %mul3A_847 : vector<16xf32>
    %get3A_849 = arith.constant 3 : i32
    %get3A_850 = arith.index_cast %get3A_849 : i32 to index
    %get3A_851 = arith.constant 80 : index
    %get3A_852 = tpu.vector_load %arg8[%get3A_850, %get3A_851] {strides = array<i32>} : memref<10x128xf32, #tpu.memory_space<vmem>>, vector<16xf32>,
    %get3A_853 = arith.constant 3 : i32
    %get3A_854 = arith.index_cast %get3A_853 : i32 to index
    %get3A_855 = arith.constant 80 : index
    %get3A_856 = tpu.vector_load %arg9[%get3A_854, %get3A_855] {strides = array<i32>} : memref<10x128xf32, #tpu.memory_space<vmem>>, vector<16xf32>,
    %add3A_857 = arith.addf %get3A_852, %get3A_856 : vector<16xf32>
    %get3A_858 = arith.constant 3 : i32
    %get3A_859 = arith.index_cast %get3A_858 : i32 to index
    %get3A_860 = arith.constant 0 : index
    %get3A_861 = tpu.vector_load %arg10[%get3A_859, %get3A_860] {strides = array<i32>} : memref<10x16xf32, #tpu.memory_space<vmem>>, vector<16xf32>,
    %mul3A_862 = arith.mulf %add3A_857, %get3A_861 : vector<16xf32>
    %add3A_863 = arith.addf %add3A_848, %mul3A_862 : vector<16xf32>
    %get3A_864 = arith.constant 4 : i32
    %get3A_865 = arith.index_cast %get3A_864 : i32 to index
    %get3A_866 = arith.constant 80 : index
    %get3A_867 = tpu.vector_load %arg8[%get3A_865, %get3A_866] {strides = array<i32>} : memref<10x128xf32, #tpu.memory_space<vmem>>, vector<16xf32>,
    %get3A_868 = arith.constant 4 : i32
    %get3A_869 = arith.index_cast %get3A_868 : i32 to index
    %get3A_870 = arith.constant 80 : index
    %get3A_871 = tpu.vector_load %arg9[%get3A_869, %get3A_870] {strides = array<i32>} : memref<10x128xf32, #tpu.memory_space<vmem>>, vector<16xf32>,
    %add3A_872 = arith.addf %get3A_867, %get3A_871 : vector<16xf32>
    %get3A_873 = arith.constant 4 : i32
    %get3A_874 = arith.index_cast %get3A_873 : i32 to index
    %get3A_875 = arith.constant 0 : index
    %get3A_876 = tpu.vector_load %arg10[%get3A_874, %get3A_875] {strides = array<i32>} : memref<10x16xf32, #tpu.memory_space<vmem>>, vector<16xf32>,
    %mul3A_877 = arith.mulf %add3A_872, %get3A_876 : vector<16xf32>
    %add3A_878 = arith.addf %add3A_863, %mul3A_877 : vector<16xf32>
    %get3A_879 = arith.constant 5 : i32
    %get3A_880 = arith.index_cast %get3A_879 : i32 to index
    %get3A_881 = arith.constant 80 : index
    %get3A_882 = tpu.vector_load %arg8[%get3A_880, %get3A_881] {strides = array<i32>} : memref<10x128xf32, #tpu.memory_space<vmem>>, vector<16xf32>,
    %get3A_883 = arith.constant 5 : i32
    %get3A_884 = arith.index_cast %get3A_883 : i32 to index
    %get3A_885 = arith.constant 80 : index
    %get3A_886 = tpu.vector_load %arg9[%get3A_884, %get3A_885] {strides = array<i32>} : memref<10x128xf32, #tpu.memory_space<vmem>>, vector<16xf32>,
    %add3A_887 = arith.addf %get3A_882, %get3A_886 : vector<16xf32>
    %get3A_888 = arith.constant 5 : i32
    %get3A_889 = arith.index_cast %get3A_888 : i32 to index
    %get3A_890 = arith.constant 0 : index
    %get3A_891 = tpu.vector_load %arg10[%get3A_889, %get3A_890] {strides = array<i32>} : memref<10x16xf32, #tpu.memory_space<vmem>>, vector<16xf32>,
    %mul3A_892 = arith.mulf %add3A_887, %get3A_891 : vector<16xf32>
    %add3A_893 = arith.addf %add3A_878, %mul3A_892 : vector<16xf32>
    %get3A_894 = arith.constant 6 : i32
    %get3A_895 = arith.index_cast %get3A_894 : i32 to index
    %get3A_896 = arith.constant 80 : index
    %get3A_897 = tpu.vector_load %arg8[%get3A_895, %get3A_896] {strides = array<i32>} : memref<10x128xf32, #tpu.memory_space<vmem>>, vector<16xf32>,
    %get3A_898 = arith.constant 6 : i32
    %get3A_899 = arith.index_cast %get3A_898 : i32 to index
    %get3A_900 = arith.constant 80 : index
    %get3A_901 = tpu.vector_load %arg9[%get3A_899, %get3A_900] {strides = array<i32>} : memref<10x128xf32, #tpu.memory_space<vmem>>, vector<16xf32>,
    %add3A_902 = arith.addf %get3A_897, %get3A_901 : vector<16xf32>
    %get3A_903 = arith.constant 6 : i32
    %get3A_904 = arith.index_cast %get3A_903 : i32 to index
    %get3A_905 = arith.constant 0 : index
    %get3A_906 = tpu.vector_load %arg10[%get3A_904, %get3A_905] {strides = array<i32>} : memref<10x16xf32, #tpu.memory_space<vmem>>, vector<16xf32>,
    %mul3A_907 = arith.mulf %add3A_902, %get3A_906 : vector<16xf32>
    %add3A_908 = arith.addf %add3A_893, %mul3A_907 : vector<16xf32>
    %get3A_909 = arith.constant 7 : i32
    %get3A_910 = arith.index_cast %get3A_909 : i32 to index
    %get3A_911 = arith.constant 80 : index
    %get3A_912 = tpu.vector_load %arg8[%get3A_910, %get3A_911] {strides = array<i32>} : memref<10x128xf32, #tpu.memory_space<vmem>>, vector<16xf32>,
    %get3A_913 = arith.constant 7 : i32
    %get3A_914 = arith.index_cast %get3A_913 : i32 to index
    %get3A_915 = arith.constant 80 : index
    %get3A_916 = tpu.vector_load %arg9[%get3A_914, %get3A_915] {strides = array<i32>} : memref<10x128xf32, #tpu.memory_space<vmem>>, vector<16xf32>,
    %add3A_917 = arith.addf %get3A_912, %get3A_916 : vector<16xf32>
    %get3A_918 = arith.constant 7 : i32
    %get3A_919 = arith.index_cast %get3A_918 : i32 to index
    %get3A_920 = arith.constant 0 : index
    %get3A_921 = tpu.vector_load %arg10[%get3A_919, %get3A_920] {strides = array<i32>} : memref<10x16xf32, #tpu.memory_space<vmem>>, vector<16xf32>,
    %mul3A_922 = arith.mulf %add3A_917, %get3A_921 : vector<16xf32>
    %add3A_923 = arith.addf %add3A_908, %mul3A_922 : vector<16xf32>
    %get3A_924 = arith.constant 8 : i32
    %get3A_925 = arith.index_cast %get3A_924 : i32 to index
    %get3A_926 = arith.constant 80 : index
    %get3A_927 = tpu.vector_load %arg8[%get3A_925, %get3A_926] {strides = array<i32>} : memref<10x128xf32, #tpu.memory_space<vmem>>, vector<16xf32>,
    %get3A_928 = arith.constant 8 : i32
    %get3A_929 = arith.index_cast %get3A_928 : i32 to index
    %get3A_930 = arith.constant 80 : index
    %get3A_931 = tpu.vector_load %arg9[%get3A_929, %get3A_930] {strides = array<i32>} : memref<10x128xf32, #tpu.memory_space<vmem>>, vector<16xf32>,
    %add3A_932 = arith.addf %get3A_927, %get3A_931 : vector<16xf32>
    %get3A_933 = arith.constant 8 : i32
    %get3A_934 = arith.index_cast %get3A_933 : i32 to index
    %get3A_935 = arith.constant 0 : index
    %get3A_936 = tpu.vector_load %arg10[%get3A_934, %get3A_935] {strides = array<i32>} : memref<10x16xf32, #tpu.memory_space<vmem>>, vector<16xf32>,
    %mul3A_937 = arith.mulf %add3A_932, %get3A_936 : vector<16xf32>
    %add3A_938 = arith.addf %add3A_923, %mul3A_937 : vector<16xf32>
    %get3A_939 = arith.constant 9 : i32
    %get3A_940 = arith.index_cast %get3A_939 : i32 to index
    %get3A_941 = arith.constant 80 : index
    %get3A_942 = tpu.vector_load %arg8[%get3A_940, %get3A_941] {strides = array<i32>} : memref<10x128xf32, #tpu.memory_space<vmem>>, vector<16xf32>,
    %get3A_943 = arith.constant 9 : i32
    %get3A_944 = arith.index_cast %get3A_943 : i32 to index
    %get3A_945 = arith.constant 80 : index
    %get3A_946 = tpu.vector_load %arg9[%get3A_944, %get3A_945] {strides = array<i32>} : memref<10x128xf32, #tpu.memory_space<vmem>>, vector<16xf32>,
    %add3A_947 = arith.addf %get3A_942, %get3A_946 : vector<16xf32>
    %get3A_948 = arith.constant 9 : i32
    %get3A_949 = arith.index_cast %get3A_948 : i32 to index
    %get3A_950 = arith.constant 0 : index
    %get3A_951 = tpu.vector_load %arg10[%get3A_949, %get3A_950] {strides = array<i32>} : memref<10x16xf32, #tpu.memory_space<vmem>>, vector<16xf32>,
    %mul3A_952 = arith.mulf %add3A_947, %get3A_951 : vector<16xf32>
    %add3A_953 = arith.addf %add3A_938, %mul3A_952 : vector<16xf32>
    %swap3A_954 = arith.constant 80 : index
    %swap3A_955 = tpu.vector_load %arg12[%swap3A_954] {strides = array<i32>} : memref<128xf32, #tpu.memory_space<vmem>>, vector<16xf32>,
    tpu.vector_store %arg12[%swap3A_954], %add3A_953 {strides = array<i32>} : memref<128xf32, #tpu.memory_space<vmem>>, vector<16xf32>,
    %get3A_956 = arith.constant 0 : index
    %get3A_957 = tpu.vector_load %arg11[%get3A_956] {strides = array<i32>} : memref<16xf32, #tpu.memory_space<vmem>>, vector<16xf32>,
    %get3A_958 = arith.constant 0 : i32
    %get3A_959 = arith.index_cast %get3A_958 : i32 to index
    %get3A_960 = arith.constant 96 : index
    %get3A_961 = tpu.vector_load %arg8[%get3A_959, %get3A_960] {strides = array<i32>} : memref<10x128xf32, #tpu.memory_space<vmem>>, vector<16xf32>,
    %get3A_962 = arith.constant 0 : i32
    %get3A_963 = arith.index_cast %get3A_962 : i32 to index
    %get3A_964 = arith.constant 96 : index
    %get3A_965 = tpu.vector_load %arg9[%get3A_963, %get3A_964] {strides = array<i32>} : memref<10x128xf32, #tpu.memory_space<vmem>>, vector<16xf32>,
    %add3A_966 = arith.addf %get3A_961, %get3A_965 : vector<16xf32>
    %get3A_967 = arith.constant 0 : i32
    %get3A_968 = arith.index_cast %get3A_967 : i32 to index
    %get3A_969 = arith.constant 0 : index
    %get3A_970 = tpu.vector_load %arg10[%get3A_968, %get3A_969] {strides = array<i32>} : memref<10x16xf32, #tpu.memory_space<vmem>>, vector<16xf32>,
    %mul3A_971 = arith.mulf %add3A_966, %get3A_970 : vector<16xf32>
    %add3A_972 = arith.addf %get3A_957, %mul3A_971 : vector<16xf32>
    %get3A_973 = arith.constant 1 : i32
    %get3A_974 = arith.index_cast %get3A_973 : i32 to index
    %get3A_975 = arith.constant 96 : index
    %get3A_976 = tpu.vector_load %arg8[%get3A_974, %get3A_975] {strides = array<i32>} : memref<10x128xf32, #tpu.memory_space<vmem>>, vector<16xf32>,
    %get3A_977 = arith.constant 1 : i32
    %get3A_978 = arith.index_cast %get3A_977 : i32 to index
    %get3A_979 = arith.constant 96 : index
    %get3A_980 = tpu.vector_load %arg9[%get3A_978, %get3A_979] {strides = array<i32>} : memref<10x128xf32, #tpu.memory_space<vmem>>, vector<16xf32>,
    %add3A_981 = arith.addf %get3A_976, %get3A_980 : vector<16xf32>
    %get3A_982 = arith.constant 1 : i32
    %get3A_983 = arith.index_cast %get3A_982 : i32 to index
    %get3A_984 = arith.constant 0 : index
    %get3A_985 = tpu.vector_load %arg10[%get3A_983, %get3A_984] {strides = array<i32>} : memref<10x16xf32, #tpu.memory_space<vmem>>, vector<16xf32>,
    %mul3A_986 = arith.mulf %add3A_981, %get3A_985 : vector<16xf32>
    %add3A_987 = arith.addf %add3A_972, %mul3A_986 : vector<16xf32>
    %get3A_988 = arith.constant 2 : i32
    %get3A_989 = arith.index_cast %get3A_988 : i32 to index
    %get3A_990 = arith.constant 96 : index
    %get3A_991 = tpu.vector_load %arg8[%get3A_989, %get3A_990] {strides = array<i32>} : memref<10x128xf32, #tpu.memory_space<vmem>>, vector<16xf32>,
    %get3A_992 = arith.constant 2 : i32
    %get3A_993 = arith.index_cast %get3A_992 : i32 to index
    %get3A_994 = arith.constant 96 : index
    %get3A_995 = tpu.vector_load %arg9[%get3A_993, %get3A_994] {strides = array<i32>} : memref<10x128xf32, #tpu.memory_space<vmem>>, vector<16xf32>,
    %add3A_996 = arith.addf %get3A_991, %get3A_995 : vector<16xf32>
    %get3A_997 = arith.constant 2 : i32
    %get3A_998 = arith.index_cast %get3A_997 : i32 to index
    %get3A_999 = arith.constant 0 : index
    %get3A_1000 = tpu.vector_load %arg10[%get3A_998, %get3A_999] {strides = array<i32>} : memref<10x16xf32, #tpu.memory_space<vmem>>, vector<16xf32>,
    %mul3A_1001 = arith.mulf %add3A_996, %get3A_1000 : vector<16xf32>
    %add3A_1002 = arith.addf %add3A_987, %mul3A_1001 : vector<16xf32>
    %get3A_1003 = arith.constant 3 : i32
    %get3A_1004 = arith.index_cast %get3A_1003 : i32 to index
    %get3A_1005 = arith.constant 96 : index
    %get3A_1006 = tpu.vector_load %arg8[%get3A_1004, %get3A_1005] {strides = array<i32>} : memref<10x128xf32, #tpu.memory_space<vmem>>, vector<16xf32>,
    %get3A_1007 = arith.constant 3 : i32
    %get3A_1008 = arith.index_cast %get3A_1007 : i32 to index
    %get3A_1009 = arith.constant 96 : index
    %get3A_1010 = tpu.vector_load %arg9[%get3A_1008, %get3A_1009] {strides = array<i32>} : memref<10x128xf32, #tpu.memory_space<vmem>>, vector<16xf32>,
    %add3A_1011 = arith.addf %get3A_1006, %get3A_1010 : vector<16xf32>
    %get3A_1012 = arith.constant 3 : i32
    %get3A_1013 = arith.index_cast %get3A_1012 : i32 to index
    %get3A_1014 = arith.constant 0 : index
    %get3A_1015 = tpu.vector_load %arg10[%get3A_1013, %get3A_1014] {strides = array<i32>} : memref<10x16xf32, #tpu.memory_space<vmem>>, vector<16xf32>,
    %mul3A_1016 = arith.mulf %add3A_1011, %get3A_1015 : vector<16xf32>
    %add3A_1017 = arith.addf %add3A_1002, %mul3A_1016 : vector<16xf32>
    %get3A_1018 = arith.constant 4 : i32
    %get3A_1019 = arith.index_cast %get3A_1018 : i32 to index
    %get3A_1020 = arith.constant 96 : index
    %get3A_1021 = tpu.vector_load %arg8[%get3A_1019, %get3A_1020] {strides = array<i32>} : memref<10x128xf32, #tpu.memory_space<vmem>>, vector<16xf32>,
    %get3A_1022 = arith.constant 4 : i32
    %get3A_1023 = arith.index_cast %get3A_1022 : i32 to index
    %get3A_1024 = arith.constant 96 : index
    %get3A_1025 = tpu.vector_load %arg9[%get3A_1023, %get3A_1024] {strides = array<i32>} : memref<10x128xf32, #tpu.memory_space<vmem>>, vector<16xf32>,
    %add3A_1026 = arith.addf %get3A_1021, %get3A_1025 : vector<16xf32>
    %get3A_1027 = arith.constant 4 : i32
    %get3A_1028 = arith.index_cast %get3A_1027 : i32 to index
    %get3A_1029 = arith.constant 0 : index
    %get3A_1030 = tpu.vector_load %arg10[%get3A_1028, %get3A_1029] {strides = array<i32>} : memref<10x16xf32, #tpu.memory_space<vmem>>, vector<16xf32>,
    %mul3A_1031 = arith.mulf %add3A_1026, %get3A_1030 : vector<16xf32>
    %add3A_1032 = arith.addf %add3A_1017, %mul3A_1031 : vector<16xf32>
    %get3A_1033 = arith.constant 5 : i32
    %get3A_1034 = arith.index_cast %get3A_1033 : i32 to index
    %get3A_1035 = arith.constant 96 : index
    %get3A_1036 = tpu.vector_load %arg8[%get3A_1034, %get3A_1035] {strides = array<i32>} : memref<10x128xf32, #tpu.memory_space<vmem>>, vector<16xf32>,
    %get3A_1037 = arith.constant 5 : i32
    %get3A_1038 = arith.index_cast %get3A_1037 : i32 to index
    %get3A_1039 = arith.constant 96 : index
    %get3A_1040 = tpu.vector_load %arg9[%get3A_1038, %get3A_1039] {strides = array<i32>} : memref<10x128xf32, #tpu.memory_space<vmem>>, vector<16xf32>,
    %add3A_1041 = arith.addf %get3A_1036, %get3A_1040 : vector<16xf32>
    %get3A_1042 = arith.constant 5 : i32
    %get3A_1043 = arith.index_cast %get3A_1042 : i32 to index
    %get3A_1044 = arith.constant 0 : index
    %get3A_1045 = tpu.vector_load %arg10[%get3A_1043, %get3A_1044] {strides = array<i32>} : memref<10x16xf32, #tpu.memory_space<vmem>>, vector<16xf32>,
    %mul3A_1046 = arith.mulf %add3A_1041, %get3A_1045 : vector<16xf32>
    %add3A_1047 = arith.addf %add3A_1032, %mul3A_1046 : vector<16xf32>
    %get3A_1048 = arith.constant 6 : i32
    %get3A_1049 = arith.index_cast %get3A_1048 : i32 to index
    %get3A_1050 = arith.constant 96 : index
    %get3A_1051 = tpu.vector_load %arg8[%get3A_1049, %get3A_1050] {strides = array<i32>} : memref<10x128xf32, #tpu.memory_space<vmem>>, vector<16xf32>,
    %get3A_1052 = arith.constant 6 : i32
    %get3A_1053 = arith.index_cast %get3A_1052 : i32 to index
    %get3A_1054 = arith.constant 96 : index
    %get3A_1055 = tpu.vector_load %arg9[%get3A_1053, %get3A_1054] {strides = array<i32>} : memref<10x128xf32, #tpu.memory_space<vmem>>, vector<16xf32>,
    %add3A_1056 = arith.addf %get3A_1051, %get3A_1055 : vector<16xf32>
    %get3A_1057 = arith.constant 6 : i32
    %get3A_1058 = arith.index_cast %get3A_1057 : i32 to index
    %get3A_1059 = arith.constant 0 : index
    %get3A_1060 = tpu.vector_load %arg10[%get3A_1058, %get3A_1059] {strides = array<i32>} : memref<10x16xf32, #tpu.memory_space<vmem>>, vector<16xf32>,
    %mul3A_1061 = arith.mulf %add3A_1056, %get3A_1060 : vector<16xf32>
    %add3A_1062 = arith.addf %add3A_1047, %mul3A_1061 : vector<16xf32>
    %get3A_1063 = arith.constant 7 : i32
    %get3A_1064 = arith.index_cast %get3A_1063 : i32 to index
    %get3A_1065 = arith.constant 96 : index
    %get3A_1066 = tpu.vector_load %arg8[%get3A_1064, %get3A_1065] {strides = array<i32>} : memref<10x128xf32, #tpu.memory_space<vmem>>, vector<16xf32>,
    %get3A_1067 = arith.constant 7 : i32
    %get3A_1068 = arith.index_cast %get3A_1067 : i32 to index
    %get3A_1069 = arith.constant 96 : index
    %get3A_1070 = tpu.vector_load %arg9[%get3A_1068, %get3A_1069] {strides = array<i32>} : memref<10x128xf32, #tpu.memory_space<vmem>>, vector<16xf32>,
    %add3A_1071 = arith.addf %get3A_1066, %get3A_1070 : vector<16xf32>
    %get3A_1072 = arith.constant 7 : i32
    %get3A_1073 = arith.index_cast %get3A_1072 : i32 to index
    %get3A_1074 = arith.constant 0 : index
    %get3A_1075 = tpu.vector_load %arg10[%get3A_1073, %get3A_1074] {strides = array<i32>} : memref<10x16xf32, #tpu.memory_space<vmem>>, vector<16xf32>,
    %mul3A_1076 = arith.mulf %add3A_1071, %get3A_1075 : vector<16xf32>
    %add3A_1077 = arith.addf %add3A_1062, %mul3A_1076 : vector<16xf32>
    %get3A_1078 = arith.constant 8 : i32
    %get3A_1079 = arith.index_cast %get3A_1078 : i32 to index
    %get3A_1080 = arith.constant 96 : index
    %get3A_1081 = tpu.vector_load %arg8[%get3A_1079, %get3A_1080] {strides = array<i32>} : memref<10x128xf32, #tpu.memory_space<vmem>>, vector<16xf32>,
    %get3A_1082 = arith.constant 8 : i32
    %get3A_1083 = arith.index_cast %get3A_1082 : i32 to index
    %get3A_1084 = arith.constant 96 : index
    %get3A_1085 = tpu.vector_load %arg9[%get3A_1083, %get3A_1084] {strides = array<i32>} : memref<10x128xf32, #tpu.memory_space<vmem>>, vector<16xf32>,
    %add3A_1086 = arith.addf %get3A_1081, %get3A_1085 : vector<16xf32>
    %get3A_1087 = arith.constant 8 : i32
    %get3A_1088 = arith.index_cast %get3A_1087 : i32 to index
    %get3A_1089 = arith.constant 0 : index
    %get3A_1090 = tpu.vector_load %arg10[%get3A_1088, %get3A_1089] {strides = array<i32>} : memref<10x16xf32, #tpu.memory_space<vmem>>, vector<16xf32>,
    %mul3A_1091 = arith.mulf %add3A_1086, %get3A_1090 : vector<16xf32>
    %add3A_1092 = arith.addf %add3A_1077, %mul3A_1091 : vector<16xf32>
    %get3A_1093 = arith.constant 9 : i32
    %get3A_1094 = arith.index_cast %get3A_1093 : i32 to index
    %get3A_1095 = arith.constant 96 : index
    %get3A_1096 = tpu.vector_load %arg8[%get3A_1094, %get3A_1095] {strides = array<i32>} : memref<10x128xf32, #tpu.memory_space<vmem>>, vector<16xf32>,
    %get3A_1097 = arith.constant 9 : i32
    %get3A_1098 = arith.index_cast %get3A_1097 : i32 to index
    %get3A_1099 = arith.constant 96 : index
    %get3A_1100 = tpu.vector_load %arg9[%get3A_1098, %get3A_1099] {strides = array<i32>} : memref<10x128xf32, #tpu.memory_space<vmem>>, vector<16xf32>,
    %add3A_1101 = arith.addf %get3A_1096, %get3A_1100 : vector<16xf32>
    %get3A_1102 = arith.constant 9 : i32
    %get3A_1103 = arith.index_cast %get3A_1102 : i32 to index
    %get3A_1104 = arith.constant 0 : index
    %get3A_1105 = tpu.vector_load %arg10[%get3A_1103, %get3A_1104] {strides = array<i32>} : memref<10x16xf32, #tpu.memory_space<vmem>>, vector<16xf32>,
    %mul3A_1106 = arith.mulf %add3A_1101, %get3A_1105 : vector<16xf32>
    %add3A_1107 = arith.addf %add3A_1092, %mul3A_1106 : vector<16xf32>
    %swap3A_1108 = arith.constant 96 : index
    %swap3A_1109 = tpu.vector_load %arg12[%swap3A_1108] {strides = array<i32>} : memref<128xf32, #tpu.memory_space<vmem>>, vector<16xf32>,
    tpu.vector_store %arg12[%swap3A_1108], %add3A_1107 {strides = array<i32>} : memref<128xf32, #tpu.memory_space<vmem>>, vector<16xf32>,
    %get3A_1110 = arith.constant 0 : index
    %get3A_1111 = tpu.vector_load %arg11[%get3A_1110] {strides = array<i32>} : memref<16xf32, #tpu.memory_space<vmem>>, vector<16xf32>,
    %get3A_1112 = arith.constant 0 : i32
    %get3A_1113 = arith.index_cast %get3A_1112 : i32 to index
    %get3A_1114 = arith.constant 112 : index
    %get3A_1115 = tpu.vector_load %arg8[%get3A_1113, %get3A_1114] {strides = array<i32>} : memref<10x128xf32, #tpu.memory_space<vmem>>, vector<16xf32>,
    %get3A_1116 = arith.constant 0 : i32
    %get3A_1117 = arith.index_cast %get3A_1116 : i32 to index
    %get3A_1118 = arith.constant 112 : index
    %get3A_1119 = tpu.vector_load %arg9[%get3A_1117, %get3A_1118] {strides = array<i32>} : memref<10x128xf32, #tpu.memory_space<vmem>>, vector<16xf32>,
    %add3A_1120 = arith.addf %get3A_1115, %get3A_1119 : vector<16xf32>
    %get3A_1121 = arith.constant 0 : i32
    %get3A_1122 = arith.index_cast %get3A_1121 : i32 to index
    %get3A_1123 = arith.constant 0 : index
    %get3A_1124 = tpu.vector_load %arg10[%get3A_1122, %get3A_1123] {strides = array<i32>} : memref<10x16xf32, #tpu.memory_space<vmem>>, vector<16xf32>,
    %mul3A_1125 = arith.mulf %add3A_1120, %get3A_1124 : vector<16xf32>
    %add3A_1126 = arith.addf %get3A_1111, %mul3A_1125 : vector<16xf32>
    %get3A_1127 = arith.constant 1 : i32
    %get3A_1128 = arith.index_cast %get3A_1127 : i32 to index
    %get3A_1129 = arith.constant 112 : index
    %get3A_1130 = tpu.vector_load %arg8[%get3A_1128, %get3A_1129] {strides = array<i32>} : memref<10x128xf32, #tpu.memory_space<vmem>>, vector<16xf32>,
    %get3A_1131 = arith.constant 1 : i32
    %get3A_1132 = arith.index_cast %get3A_1131 : i32 to index
    %get3A_1133 = arith.constant 112 : index
    %get3A_1134 = tpu.vector_load %arg9[%get3A_1132, %get3A_1133] {strides = array<i32>} : memref<10x128xf32, #tpu.memory_space<vmem>>, vector<16xf32>,
    %add3A_1135 = arith.addf %get3A_1130, %get3A_1134 : vector<16xf32>
    %get3A_1136 = arith.constant 1 : i32
    %get3A_1137 = arith.index_cast %get3A_1136 : i32 to index
    %get3A_1138 = arith.constant 0 : index
    %get3A_1139 = tpu.vector_load %arg10[%get3A_1137, %get3A_1138] {strides = array<i32>} : memref<10x16xf32, #tpu.memory_space<vmem>>, vector<16xf32>,
    %mul3A_1140 = arith.mulf %add3A_1135, %get3A_1139 : vector<16xf32>
    %add3A_1141 = arith.addf %add3A_1126, %mul3A_1140 : vector<16xf32>
    %get3A_1142 = arith.constant 2 : i32
    %get3A_1143 = arith.index_cast %get3A_1142 : i32 to index
    %get3A_1144 = arith.constant 112 : index
    %get3A_1145 = tpu.vector_load %arg8[%get3A_1143, %get3A_1144] {strides = array<i32>} : memref<10x128xf32, #tpu.memory_space<vmem>>, vector<16xf32>,
    %get3A_1146 = arith.constant 2 : i32
    %get3A_1147 = arith.index_cast %get3A_1146 : i32 to index
    %get3A_1148 = arith.constant 112 : index
    %get3A_1149 = tpu.vector_load %arg9[%get3A_1147, %get3A_1148] {strides = array<i32>} : memref<10x128xf32, #tpu.memory_space<vmem>>, vector<16xf32>,
    %add3A_1150 = arith.addf %get3A_1145, %get3A_1149 : vector<16xf32>
    %get3A_1151 = arith.constant 2 : i32
    %get3A_1152 = arith.index_cast %get3A_1151 : i32 to index
    %get3A_1153 = arith.constant 0 : index
    %get3A_1154 = tpu.vector_load %arg10[%get3A_1152, %get3A_1153] {strides = array<i32>} : memref<10x16xf32, #tpu.memory_space<vmem>>, vector<16xf32>,
    %mul3A_1155 = arith.mulf %add3A_1150, %get3A_1154 : vector<16xf32>
    %add3A_1156 = arith.addf %add3A_1141, %mul3A_1155 : vector<16xf32>
    %get3A_1157 = arith.constant 3 : i32
    %get3A_1158 = arith.index_cast %get3A_1157 : i32 to index
    %get3A_1159 = arith.constant 112 : index
    %get3A_1160 = tpu.vector_load %arg8[%get3A_1158, %get3A_1159] {strides = array<i32>} : memref<10x128xf32, #tpu.memory_space<vmem>>, vector<16xf32>,
    %get3A_1161 = arith.constant 3 : i32
    %get3A_1162 = arith.index_cast %get3A_1161 : i32 to index
    %get3A_1163 = arith.constant 112 : index
    %get3A_1164 = tpu.vector_load %arg9[%get3A_1162, %get3A_1163] {strides = array<i32>} : memref<10x128xf32, #tpu.memory_space<vmem>>, vector<16xf32>,
    %add3A_1165 = arith.addf %get3A_1160, %get3A_1164 : vector<16xf32>
    %get3A_1166 = arith.constant 3 : i32
    %get3A_1167 = arith.index_cast %get3A_1166 : i32 to index
    %get3A_1168 = arith.constant 0 : index
    %get3A_1169 = tpu.vector_load %arg10[%get3A_1167, %get3A_1168] {strides = array<i32>} : memref<10x16xf32, #tpu.memory_space<vmem>>, vector<16xf32>,
    %mul3A_1170 = arith.mulf %add3A_1165, %get3A_1169 : vector<16xf32>
    %add3A_1171 = arith.addf %add3A_1156, %mul3A_1170 : vector<16xf32>
    %get3A_1172 = arith.constant 4 : i32
    %get3A_1173 = arith.index_cast %get3A_1172 : i32 to index
    %get3A_1174 = arith.constant 112 : index
    %get3A_1175 = tpu.vector_load %arg8[%get3A_1173, %get3A_1174] {strides = array<i32>} : memref<10x128xf32, #tpu.memory_space<vmem>>, vector<16xf32>,
    %get3A_1176 = arith.constant 4 : i32
    %get3A_1177 = arith.index_cast %get3A_1176 : i32 to index
    %get3A_1178 = arith.constant 112 : index
    %get3A_1179 = tpu.vector_load %arg9[%get3A_1177, %get3A_1178] {strides = array<i32>} : memref<10x128xf32, #tpu.memory_space<vmem>>, vector<16xf32>,
    %add3A_1180 = arith.addf %get3A_1175, %get3A_1179 : vector<16xf32>
    %get3A_1181 = arith.constant 4 : i32
    %get3A_1182 = arith.index_cast %get3A_1181 : i32 to index
    %get3A_1183 = arith.constant 0 : index
    %get3A_1184 = tpu.vector_load %arg10[%get3A_1182, %get3A_1183] {strides = array<i32>} : memref<10x16xf32, #tpu.memory_space<vmem>>, vector<16xf32>,
    %mul3A_1185 = arith.mulf %add3A_1180, %get3A_1184 : vector<16xf32>
    %add3A_1186 = arith.addf %add3A_1171, %mul3A_1185 : vector<16xf32>
    %get3A_1187 = arith.constant 5 : i32
    %get3A_1188 = arith.index_cast %get3A_1187 : i32 to index
    %get3A_1189 = arith.constant 112 : index
    %get3A_1190 = tpu.vector_load %arg8[%get3A_1188, %get3A_1189] {strides = array<i32>} : memref<10x128xf32, #tpu.memory_space<vmem>>, vector<16xf32>,
    %get3A_1191 = arith.constant 5 : i32
    %get3A_1192 = arith.index_cast %get3A_1191 : i32 to index
    %get3A_1193 = arith.constant 112 : index
    %get3A_1194 = tpu.vector_load %arg9[%get3A_1192, %get3A_1193] {strides = array<i32>} : memref<10x128xf32, #tpu.memory_space<vmem>>, vector<16xf32>,
    %add3A_1195 = arith.addf %get3A_1190, %get3A_1194 : vector<16xf32>
    %get3A_1196 = arith.constant 5 : i32
    %get3A_1197 = arith.index_cast %get3A_1196 : i32 to index
    %get3A_1198 = arith.constant 0 : index
    %get3A_1199 = tpu.vector_load %arg10[%get3A_1197, %get3A_1198] {strides = array<i32>} : memref<10x16xf32, #tpu.memory_space<vmem>>, vector<16xf32>,
    %mul3A_1200 = arith.mulf %add3A_1195, %get3A_1199 : vector<16xf32>
    %add3A_1201 = arith.addf %add3A_1186, %mul3A_1200 : vector<16xf32>
    %get3A_1202 = arith.constant 6 : i32
    %get3A_1203 = arith.index_cast %get3A_1202 : i32 to index
    %get3A_1204 = arith.constant 112 : index
    %get3A_1205 = tpu.vector_load %arg8[%get3A_1203, %get3A_1204] {strides = array<i32>} : memref<10x128xf32, #tpu.memory_space<vmem>>, vector<16xf32>,
    %get3A_1206 = arith.constant 6 : i32
    %get3A_1207 = arith.index_cast %get3A_1206 : i32 to index
    %get3A_1208 = arith.constant 112 : index
    %get3A_1209 = tpu.vector_load %arg9[%get3A_1207, %get3A_1208] {strides = array<i32>} : memref<10x128xf32, #tpu.memory_space<vmem>>, vector<16xf32>,
    %add3A_1210 = arith.addf %get3A_1205, %get3A_1209 : vector<16xf32>
    %get3A_1211 = arith.constant 6 : i32
    %get3A_1212 = arith.index_cast %get3A_1211 : i32 to index
    %get3A_1213 = arith.constant 0 : index
    %get3A_1214 = tpu.vector_load %arg10[%get3A_1212, %get3A_1213] {strides = array<i32>} : memref<10x16xf32, #tpu.memory_space<vmem>>, vector<16xf32>,
    %mul3A_1215 = arith.mulf %add3A_1210, %get3A_1214 : vector<16xf32>
    %add3A_1216 = arith.addf %add3A_1201, %mul3A_1215 : vector<16xf32>
    %get3A_1217 = arith.constant 7 : i32
    %get3A_1218 = arith.index_cast %get3A_1217 : i32 to index
    %get3A_1219 = arith.constant 112 : index
    %get3A_1220 = tpu.vector_load %arg8[%get3A_1218, %get3A_1219] {strides = array<i32>} : memref<10x128xf32, #tpu.memory_space<vmem>>, vector<16xf32>,
    %get3A_1221 = arith.constant 7 : i32
    %get3A_1222 = arith.index_cast %get3A_1221 : i32 to index
    %get3A_1223 = arith.constant 112 : index
    %get3A_1224 = tpu.vector_load %arg9[%get3A_1222, %get3A_1223] {strides = array<i32>} : memref<10x128xf32, #tpu.memory_space<vmem>>, vector<16xf32>,
    %add3A_1225 = arith.addf %get3A_1220, %get3A_1224 : vector<16xf32>
    %get3A_1226 = arith.constant 7 : i32
    %get3A_1227 = arith.index_cast %get3A_1226 : i32 to index
    %get3A_1228 = arith.constant 0 : index
    %get3A_1229 = tpu.vector_load %arg10[%get3A_1227, %get3A_1228] {strides = array<i32>} : memref<10x16xf32, #tpu.memory_space<vmem>>, vector<16xf32>,
    %mul3A_1230 = arith.mulf %add3A_1225, %get3A_1229 : vector<16xf32>
    %add3A_1231 = arith.addf %add3A_1216, %mul3A_1230 : vector<16xf32>
    %get3A_1232 = arith.constant 8 : i32
    %get3A_1233 = arith.index_cast %get3A_1232 : i32 to index
    %get3A_1234 = arith.constant 112 : index
    %get3A_1235 = tpu.vector_load %arg8[%get3A_1233, %get3A_1234] {strides = array<i32>} : memref<10x128xf32, #tpu.memory_space<vmem>>, vector<16xf32>,
    %get3A_1236 = arith.constant 8 : i32
    %get3A_1237 = arith.index_cast %get3A_1236 : i32 to index
    %get3A_1238 = arith.constant 112 : index
    %get3A_1239 = tpu.vector_load %arg9[%get3A_1237, %get3A_1238] {strides = array<i32>} : memref<10x128xf32, #tpu.memory_space<vmem>>, vector<16xf32>,
    %add3A_1240 = arith.addf %get3A_1235, %get3A_1239 : vector<16xf32>
    %get3A_1241 = arith.constant 8 : i32
    %get3A_1242 = arith.index_cast %get3A_1241 : i32 to index
    %get3A_1243 = arith.constant 0 : index
    %get3A_1244 = tpu.vector_load %arg10[%get3A_1242, %get3A_1243] {strides = array<i32>} : memref<10x16xf32, #tpu.memory_space<vmem>>, vector<16xf32>,
    %mul3A_1245 = arith.mulf %add3A_1240, %get3A_1244 : vector<16xf32>
    %add3A_1246 = arith.addf %add3A_1231, %mul3A_1245 : vector<16xf32>
    %get3A_1247 = arith.constant 9 : i32
    %get3A_1248 = arith.index_cast %get3A_1247 : i32 to index
    %get3A_1249 = arith.constant 112 : index
    %get3A_1250 = tpu.vector_load %arg8[%get3A_1248, %get3A_1249] {strides = array<i32>} : memref<10x128xf32, #tpu.memory_space<vmem>>, vector<16xf32>,
    %get3A_1251 = arith.constant 9 : i32
    %get3A_1252 = arith.index_cast %get3A_1251 : i32 to index
    %get3A_1253 = arith.constant 112 : index
    %get3A_1254 = tpu.vector_load %arg9[%get3A_1252, %get3A_1253] {strides = array<i32>} : memref<10x128xf32, #tpu.memory_space<vmem>>, vector<16xf32>,
    %add3A_1255 = arith.addf %get3A_1250, %get3A_1254 : vector<16xf32>
    %get3A_1256 = arith.constant 9 : i32
    %get3A_1257 = arith.index_cast %get3A_1256 : i32 to index
    %get3A_1258 = arith.constant 0 : index
    %get3A_1259 = tpu.vector_load %arg10[%get3A_1257, %get3A_1258] {strides = array<i32>} : memref<10x16xf32, #tpu.memory_space<vmem>>, vector<16xf32>,
    %mul3A_1260 = arith.mulf %add3A_1255, %get3A_1259 : vector<16xf32>
    %add3A_1261 = arith.addf %add3A_1246, %mul3A_1260 : vector<16xf32>
    %swap3A_1262 = arith.constant 112 : index
    %swap3A_1263 = tpu.vector_load %arg12[%swap3A_1262] {strides = array<i32>} : memref<128xf32, #tpu.memory_space<vmem>>, vector<16xf32>,
    tpu.vector_store %arg12[%swap3A_1262], %add3A_1261 {strides = array<i32>} : memref<128xf32, #tpu.memory_space<vmem>>, vector<16xf32>,
    %dma_wait3A = arith.constant 0 : i32
    %dma_wait3A_1264 = arith.constant 0 : i32
    %dma_wait3A_1265 = arith.constant 0 : i32
    %dma_wait3A_1266 = arith.constant 0 : i32
    %dma_wait3A_1267 = tpu.memref_slice %arg13[%dma_wait3A, %dma_wait3A_1265, %dma_wait3A_1266] : memref<2x40x512xi32, #tpu.memory_space<vmem>> -> memref<1x40x512xi32, #tpu.memory_space<vmem>>
    %dma_wait3A_1268 = tpu.memref_squeeze %dma_wait3A_1267 : memref<1x40x512xi32, #tpu.memory_space<vmem>> -> memref<40x512xi32, #tpu.memory_space<vmem>>
    %dma_wait3A_1269 = arith.constant 0 : i32
    %dma_wait3A_1270 = tpu.memref_slice %arg6[%dma_wait3A_1269, %mul3A_2] : memref<200x16384xi32, #tpu.memory_space<hbm>> -> memref<40x512xi32, #tpu.memory_space<hbm>>
    %dma_wait3A_1271 = tpu.memref_slice %arg15[%dma_wait3A_1264] : memref<2x!tpu.dma_semaphore, #tpu.memory_space<semaphore_mem>> -> memref<1x!tpu.dma_semaphore, #tpu.memory_space<semaphore_mem>>
    %dma_wait3A_1272 = tpu.memref_squeeze %dma_wait3A_1271 : memref<1x!tpu.dma_semaphore, #tpu.memory_space<semaphore_mem>> -> memref<!tpu.dma_semaphore, #tpu.memory_space<semaphore_mem>>
    %dma_wait3A_1273 = arith.constant 0 : i32
    %dma_wait3A_1274 = arith.constant 0 : i32
    %dma_wait3A_1275 = tpu.memref_slice %arg13[%dma_wait3A, %dma_wait3A_1273, %dma_wait3A_1274] : memref<2x40x512xi32, #tpu.memory_space<vmem>> -> memref<1x40x512xi32, #tpu.memory_space<vmem>>
    %dma_wait3A_1276 = tpu.memref_squeeze %dma_wait3A_1275 : memref<1x40x512xi32, #tpu.memory_space<vmem>> -> memref<40x512xi32, #tpu.memory_space<vmem>>
    %dma_wait3A_1277 = arith.constant 0 : i32
    %dma_wait3A_1278 = tpu.memref_slice %arg6[%dma_wait3A_1277, %mul3A_2] : memref<200x16384xi32, #tpu.memory_space<hbm>> -> memref<40x512xi32, #tpu.memory_space<hbm>>
    tpu.wait_dma2 semaphore(%dma_wait3A_1272 : memref<!tpu.dma_semaphore, #tpu.memory_space<semaphore_mem>>) src(%dma_wait3A_1278 : memref<40x512xi32, #tpu.memory_space<hbm>>) dst(%dma_wait3A_1276 : memref<40x512xi32, #tpu.memory_space<vmem>>)
    %parallel_loop3A = arith.constant 0 : i32
    %parallel_loop3A_1279 = arith.constant 20480 : i32
    %parallel_loop3A_1280 = arith.constant 16 : i32
    scf.for %parallel_loop3A_1565 = %parallel_loop3A to %parallel_loop3A_1279 step %parallel_loop3A_1280  : i32 {
      %parallel_loop3A_1566 = arith.constant 512 : i32
      %parallel_loop3A_1567 = arith.divsi %parallel_loop3A_1565, %parallel_loop3A_1566 : i32
      %parallel_loop3A_1568 = arith.constant 0 : i32
      %parallel_loop3A_1569 = arith.cmpi sgt, %parallel_loop3A_1565, %parallel_loop3A_1568 : i32
      %parallel_loop3A_1570 = arith.extui %parallel_loop3A_1569 : i1 to i32
      %parallel_loop3A_1571 = arith.constant 0 : i32
      %parallel_loop3A_1572 = arith.cmpi slt, %parallel_loop3A_1565, %parallel_loop3A_1571 : i32
      %parallel_loop3A_1573 = arith.extui %parallel_loop3A_1572 : i1 to i32
      %parallel_loop3A_1574 = arith.subi %parallel_loop3A_1570, %parallel_loop3A_1573 : i32
      %parallel_loop3A_1575 = arith.constant 0 : i32
      %parallel_loop3A_1576 = arith.cmpi sgt, %parallel_loop3A_1566, %parallel_loop3A_1575 : i32
      %parallel_loop3A_1577 = arith.extui %parallel_loop3A_1576 : i1 to i32
      %parallel_loop3A_1578 = arith.constant 0 : i32
      %parallel_loop3A_1579 = arith.cmpi slt, %parallel_loop3A_1566, %parallel_loop3A_1578 : i32
      %parallel_loop3A_1580 = arith.extui %parallel_loop3A_1579 : i1 to i32
      %parallel_loop3A_1581 = arith.subi %parallel_loop3A_1577, %parallel_loop3A_1580 : i32
      %parallel_loop3A_1582 = arith.cmpi ne, %parallel_loop3A_1574, %parallel_loop3A_1581 : i32
      %parallel_loop3A_1583 = arith.remsi %parallel_loop3A_1565, %parallel_loop3A_1566 : i32
      %parallel_loop3A_1584 = arith.constant 0 : i32
      %parallel_loop3A_1585 = arith.cmpi ne, %parallel_loop3A_1583, %parallel_loop3A_1584 : i32
      %parallel_loop3A_1586 = arith.andi %parallel_loop3A_1582, %parallel_loop3A_1585 : i1
      %parallel_loop3A_1587 = arith.constant 1 : i32
      %parallel_loop3A_1588 = arith.subi %parallel_loop3A_1567, %parallel_loop3A_1587 : i32
      %parallel_loop3A_1589 = arith.select %parallel_loop3A_1586, %parallel_loop3A_1588, %parallel_loop3A_1567 : i32
      %parallel_loop3A_1590 = arith.constant 512 : i32
      %parallel_loop3A_1591 = arith.constant 0 : i32
      %parallel_loop3A_1592 = arith.cmpi eq, %parallel_loop3A_1590, %parallel_loop3A_1591 : i32
      %parallel_loop3A_1593 = arith.constant 1 : i32
      %parallel_loop3A_1594 = arith.select %parallel_loop3A_1592, %parallel_loop3A_1593, %parallel_loop3A_1590 : i32
      %parallel_loop3A_1595 = arith.remsi %parallel_loop3A_1565, %parallel_loop3A_1594 : i32
      %parallel_loop3A_1596 = arith.constant 0 : i32
      %parallel_loop3A_1597 = arith.cmpi ne, %parallel_loop3A_1595, %parallel_loop3A_1596 : i32
      %parallel_loop3A_1598 = arith.constant 0 : i32
      %parallel_loop3A_1599 = arith.cmpi slt, %parallel_loop3A_1595, %parallel_loop3A_1598 : i32
      %parallel_loop3A_1600 = arith.constant 0 : i32
      %parallel_loop3A_1601 = arith.cmpi slt, %parallel_loop3A_1594, %parallel_loop3A_1600 : i32
      %parallel_loop3A_1602 = arith.xori %parallel_loop3A_1599, %parallel_loop3A_1601 : i1
      %parallel_loop3A_1603 = arith.andi %parallel_loop3A_1602, %parallel_loop3A_1597 : i1
      %parallel_loop3A_1604 = arith.addi %parallel_loop3A_1595, %parallel_loop3A_1594 : i32
      %parallel_loop3A_1605 = arith.select %parallel_loop3A_1603, %parallel_loop3A_1604, %parallel_loop3A_1595 : i32
      %parallel_loop3A_1606 = tpu.assume_multiple %parallel_loop3A_1605, 16 : i32
      %parallel_loop3A_1607 = arith.constant 0 : i32
      %parallel_loop3A_1608 = arith.index_cast %parallel_loop3A_1607 : i32 to index
      %parallel_loop3A_1609 = arith.index_cast %parallel_loop3A_1589 : i32 to index
      %parallel_loop3A_1610 = arith.index_cast %parallel_loop3A_1606 : i32 to index
      %parallel_loop3A_1611 = tpu.vector_load %arg13[%parallel_loop3A_1608, %parallel_loop3A_1609, %parallel_loop3A_1610] {strides = array<i32>} : memref<2x40x512xi32, #tpu.memory_space<vmem>>, vector<16xi32>,
      %parallel_loop3A_1612 = tpu.vector_load_idx %arg12[%parallel_loop3A_1611] : memref<128xf32, #tpu.memory_space<vmem>>[vector<16xi32>], vector<16xf32>,
      %parallel_loop3A_1613 = arith.constant 0 : i32
      %parallel_loop3A_1614 = arith.index_cast %parallel_loop3A_1613 : i32 to index
      %parallel_loop3A_1615 = arith.index_cast %parallel_loop3A_1589 : i32 to index
      %parallel_loop3A_1616 = arith.index_cast %parallel_loop3A_1606 : i32 to index
      %parallel_loop3A_1617 = tpu.vector_load %arg14[%parallel_loop3A_1614, %parallel_loop3A_1615, %parallel_loop3A_1616] {strides = array<i32>} : memref<2x40x512xf32, #tpu.memory_space<vmem>>, vector<16xf32>,
      tpu.vector_store %arg14[%parallel_loop3A_1614, %parallel_loop3A_1615, %parallel_loop3A_1616], %parallel_loop3A_1612 {strides = array<i32>} : memref<2x40x512xf32, #tpu.memory_space<vmem>>, vector<16xf32>,
    } {sc.loop_unroll_factor = 8 : i64, sc.parallel_access}
    %dma_start3A_1281 = arith.constant 0 : i32
    %dma_start3A_1282 = arith.constant 0 : i32
    %dma_start3A_1283 = arith.constant 0 : i32
    %dma_start3A_1284 = arith.constant 0 : i32
    %dma_start3A_1285 = tpu.memref_slice %arg14[%dma_start3A_1281, %dma_start3A_1283, %dma_start3A_1284] : memref<2x40x512xf32, #tpu.memory_space<vmem>> -> memref<1x40x512xf32, #tpu.memory_space<vmem>>
    %dma_start3A_1286 = tpu.memref_squeeze %dma_start3A_1285 : memref<1x40x512xf32, #tpu.memory_space<vmem>> -> memref<40x512xf32, #tpu.memory_space<vmem>>
    %dma_start3A_1287 = arith.constant 0 : i32
    %dma_start3A_1288 = tpu.memref_slice %arg7[%dma_start3A_1287, %mul3A_2] : memref<200x16384xf32, #tpu.memory_space<hbm>> -> memref<40x512xf32, #tpu.memory_space<hbm>>
    %dma_start3A_1289 = tpu.memref_slice %arg16[%dma_start3A_1282] : memref<2x!tpu.dma_semaphore, #tpu.memory_space<semaphore_mem>> -> memref<1x!tpu.dma_semaphore, #tpu.memory_space<semaphore_mem>>
    %dma_start3A_1290 = tpu.memref_squeeze %dma_start3A_1289 : memref<1x!tpu.dma_semaphore, #tpu.memory_space<semaphore_mem>> -> memref<!tpu.dma_semaphore, #tpu.memory_space<semaphore_mem>>
    %dma_start3A_1291 = arith.constant 0 : i32
    %dma_start3A_1292 = tpu.memref_slice %arg7[%dma_start3A_1291, %mul3A_2] : memref<200x16384xf32, #tpu.memory_space<hbm>> -> memref<40x512xf32, #tpu.memory_space<hbm>>
    %dma_start3A_1293 = arith.constant 0 : i32
    %dma_start3A_1294 = arith.constant 0 : i32
    %dma_start3A_1295 = tpu.memref_slice %arg14[%dma_start3A_1281, %dma_start3A_1293, %dma_start3A_1294] : memref<2x40x512xf32, #tpu.memory_space<vmem>> -> memref<1x40x512xf32, #tpu.memory_space<vmem>>
    %dma_start3A_1296 = tpu.memref_squeeze %dma_start3A_1295 : memref<1x40x512xf32, #tpu.memory_space<vmem>> -> memref<40x512xf32, #tpu.memory_space<vmem>>
    tpu.enqueue_dma source(%dma_start3A_1296 : memref<40x512xf32, #tpu.memory_space<vmem>>) target(%dma_start3A_1292 : memref<40x512xf32, #tpu.memory_space<hbm>>) target_semaphore(%dma_start3A_1290 : memref<!tpu.dma_semaphore, #tpu.memory_space<semaphore_mem>>)
    %dma_start3A_1297 = arith.constant 0 : i32
    %dma_start3A_1298 = arith.constant 0 : i32
    %dma_start3A_1299 = arith.constant 0 : i32
    %dma_start3A_1300 = arith.constant 0 : i32
    %dma_start3A_1301 = tpu.memref_slice %arg13[%dma_start3A_1297, %dma_start3A_1299, %dma_start3A_1300] : memref<2x40x512xi32, #tpu.memory_space<vmem>> -> memref<1x40x512xi32, #tpu.memory_space<vmem>>
    %dma_start3A_1302 = tpu.memref_squeeze %dma_start3A_1301 : memref<1x40x512xi32, #tpu.memory_space<vmem>> -> memref<40x512xi32, #tpu.memory_space<vmem>>
    %dma_start3A_1303 = arith.constant 80 : i32
    %dma_start3A_1304 = tpu.memref_slice %arg6[%dma_start3A_1303, %mul3A_2] : memref<200x16384xi32, #tpu.memory_space<hbm>> -> memref<40x512xi32, #tpu.memory_space<hbm>>
    %dma_start3A_1305 = tpu.memref_slice %arg15[%dma_start3A_1298] : memref<2x!tpu.dma_semaphore, #tpu.memory_space<semaphore_mem>> -> memref<1x!tpu.dma_semaphore, #tpu.memory_space<semaphore_mem>>
    %dma_start3A_1306 = tpu.memref_squeeze %dma_start3A_1305 : memref<1x!tpu.dma_semaphore, #tpu.memory_space<semaphore_mem>> -> memref<!tpu.dma_semaphore, #tpu.memory_space<semaphore_mem>>
    %dma_start3A_1307 = arith.constant 0 : i32
    %dma_start3A_1308 = arith.constant 0 : i32
    %dma_start3A_1309 = tpu.memref_slice %arg13[%dma_start3A_1297, %dma_start3A_1307, %dma_start3A_1308] : memref<2x40x512xi32, #tpu.memory_space<vmem>> -> memref<1x40x512xi32, #tpu.memory_space<vmem>>
    %dma_start3A_1310 = tpu.memref_squeeze %dma_start3A_1309 : memref<1x40x512xi32, #tpu.memory_space<vmem>> -> memref<40x512xi32, #tpu.memory_space<vmem>>
    %dma_start3A_1311 = arith.constant 80 : i32
    %dma_start3A_1312 = tpu.memref_slice %arg6[%dma_start3A_1311, %mul3A_2] : memref<200x16384xi32, #tpu.memory_space<hbm>> -> memref<40x512xi32, #tpu.memory_space<hbm>>
    tpu.enqueue_dma source(%dma_start3A_1312 : memref<40x512xi32, #tpu.memory_space<hbm>>) target(%dma_start3A_1310 : memref<40x512xi32, #tpu.memory_space<vmem>>) target_semaphore(%dma_start3A_1306 : memref<!tpu.dma_semaphore, #tpu.memory_space<semaphore_mem>>)
    %dma_wait3A_1313 = arith.constant 1 : i32
    %dma_wait3A_1314 = arith.constant 1 : i32
    %dma_wait3A_1315 = arith.constant 0 : i32
    %dma_wait3A_1316 = arith.constant 0 : i32
    %dma_wait3A_1317 = tpu.memref_slice %arg13[%dma_wait3A_1313, %dma_wait3A_1315, %dma_wait3A_1316] : memref<2x40x512xi32, #tpu.memory_space<vmem>> -> memref<1x40x512xi32, #tpu.memory_space<vmem>>
    %dma_wait3A_1318 = tpu.memref_squeeze %dma_wait3A_1317 : memref<1x40x512xi32, #tpu.memory_space<vmem>> -> memref<40x512xi32, #tpu.memory_space<vmem>>
    %dma_wait3A_1319 = arith.constant 40 : i32
    %dma_wait3A_1320 = tpu.memref_slice %arg6[%dma_wait3A_1319, %mul3A_2] : memref<200x16384xi32, #tpu.memory_space<hbm>> -> memref<40x512xi32, #tpu.memory_space<hbm>>
    %dma_wait3A_1321 = tpu.memref_slice %arg15[%dma_wait3A_1314] : memref<2x!tpu.dma_semaphore, #tpu.memory_space<semaphore_mem>> -> memref<1x!tpu.dma_semaphore, #tpu.memory_space<semaphore_mem>>
    %dma_wait3A_1322 = tpu.memref_squeeze %dma_wait3A_1321 : memref<1x!tpu.dma_semaphore, #tpu.memory_space<semaphore_mem>> -> memref<!tpu.dma_semaphore, #tpu.memory_space<semaphore_mem>>
    %dma_wait3A_1323 = arith.constant 0 : i32
    %dma_wait3A_1324 = arith.constant 0 : i32
    %dma_wait3A_1325 = tpu.memref_slice %arg13[%dma_wait3A_1313, %dma_wait3A_1323, %dma_wait3A_1324] : memref<2x40x512xi32, #tpu.memory_space<vmem>> -> memref<1x40x512xi32, #tpu.memory_space<vmem>>
    %dma_wait3A_1326 = tpu.memref_squeeze %dma_wait3A_1325 : memref<1x40x512xi32, #tpu.memory_space<vmem>> -> memref<40x512xi32, #tpu.memory_space<vmem>>
    %dma_wait3A_1327 = arith.constant 40 : i32
    %dma_wait3A_1328 = tpu.memref_slice %arg6[%dma_wait3A_1327, %mul3A_2] : memref<200x16384xi32, #tpu.memory_space<hbm>> -> memref<40x512xi32, #tpu.memory_space<hbm>>
    tpu.wait_dma2 semaphore(%dma_wait3A_1322 : memref<!tpu.dma_semaphore, #tpu.memory_space<semaphore_mem>>) src(%dma_wait3A_1328 : memref<40x512xi32, #tpu.memory_space<hbm>>) dst(%dma_wait3A_1326 : memref<40x512xi32, #tpu.memory_space<vmem>>)
    %parallel_loop3A_1329 = arith.constant 0 : i32
    %parallel_loop3A_1330 = arith.constant 20480 : i32
    %parallel_loop3A_1331 = arith.constant 16 : i32
    scf.for %parallel_loop3A_1565 = %parallel_loop3A_1329 to %parallel_loop3A_1330 step %parallel_loop3A_1331  : i32 {
      %parallel_loop3A_1566 = arith.constant 512 : i32
      %parallel_loop3A_1567 = arith.divsi %parallel_loop3A_1565, %parallel_loop3A_1566 : i32
      %parallel_loop3A_1568 = arith.constant 0 : i32
      %parallel_loop3A_1569 = arith.cmpi sgt, %parallel_loop3A_1565, %parallel_loop3A_1568 : i32
      %parallel_loop3A_1570 = arith.extui %parallel_loop3A_1569 : i1 to i32
      %parallel_loop3A_1571 = arith.constant 0 : i32
      %parallel_loop3A_1572 = arith.cmpi slt, %parallel_loop3A_1565, %parallel_loop3A_1571 : i32
      %parallel_loop3A_1573 = arith.extui %parallel_loop3A_1572 : i1 to i32
      %parallel_loop3A_1574 = arith.subi %parallel_loop3A_1570, %parallel_loop3A_1573 : i32
      %parallel_loop3A_1575 = arith.constant 0 : i32
      %parallel_loop3A_1576 = arith.cmpi sgt, %parallel_loop3A_1566, %parallel_loop3A_1575 : i32
      %parallel_loop3A_1577 = arith.extui %parallel_loop3A_1576 : i1 to i32
      %parallel_loop3A_1578 = arith.constant 0 : i32
      %parallel_loop3A_1579 = arith.cmpi slt, %parallel_loop3A_1566, %parallel_loop3A_1578 : i32
      %parallel_loop3A_1580 = arith.extui %parallel_loop3A_1579 : i1 to i32
      %parallel_loop3A_1581 = arith.subi %parallel_loop3A_1577, %parallel_loop3A_1580 : i32
      %parallel_loop3A_1582 = arith.cmpi ne, %parallel_loop3A_1574, %parallel_loop3A_1581 : i32
      %parallel_loop3A_1583 = arith.remsi %parallel_loop3A_1565, %parallel_loop3A_1566 : i32
      %parallel_loop3A_1584 = arith.constant 0 : i32
      %parallel_loop3A_1585 = arith.cmpi ne, %parallel_loop3A_1583, %parallel_loop3A_1584 : i32
      %parallel_loop3A_1586 = arith.andi %parallel_loop3A_1582, %parallel_loop3A_1585 : i1
      %parallel_loop3A_1587 = arith.constant 1 : i32
      %parallel_loop3A_1588 = arith.subi %parallel_loop3A_1567, %parallel_loop3A_1587 : i32
      %parallel_loop3A_1589 = arith.select %parallel_loop3A_1586, %parallel_loop3A_1588, %parallel_loop3A_1567 : i32
      %parallel_loop3A_1590 = arith.constant 512 : i32
      %parallel_loop3A_1591 = arith.constant 0 : i32
      %parallel_loop3A_1592 = arith.cmpi eq, %parallel_loop3A_1590, %parallel_loop3A_1591 : i32
      %parallel_loop3A_1593 = arith.constant 1 : i32
      %parallel_loop3A_1594 = arith.select %parallel_loop3A_1592, %parallel_loop3A_1593, %parallel_loop3A_1590 : i32
      %parallel_loop3A_1595 = arith.remsi %parallel_loop3A_1565, %parallel_loop3A_1594 : i32
      %parallel_loop3A_1596 = arith.constant 0 : i32
      %parallel_loop3A_1597 = arith.cmpi ne, %parallel_loop3A_1595, %parallel_loop3A_1596 : i32
      %parallel_loop3A_1598 = arith.constant 0 : i32
      %parallel_loop3A_1599 = arith.cmpi slt, %parallel_loop3A_1595, %parallel_loop3A_1598 : i32
      %parallel_loop3A_1600 = arith.constant 0 : i32
      %parallel_loop3A_1601 = arith.cmpi slt, %parallel_loop3A_1594, %parallel_loop3A_1600 : i32
      %parallel_loop3A_1602 = arith.xori %parallel_loop3A_1599, %parallel_loop3A_1601 : i1
      %parallel_loop3A_1603 = arith.andi %parallel_loop3A_1602, %parallel_loop3A_1597 : i1
      %parallel_loop3A_1604 = arith.addi %parallel_loop3A_1595, %parallel_loop3A_1594 : i32
      %parallel_loop3A_1605 = arith.select %parallel_loop3A_1603, %parallel_loop3A_1604, %parallel_loop3A_1595 : i32
      %parallel_loop3A_1606 = tpu.assume_multiple %parallel_loop3A_1605, 16 : i32
      %parallel_loop3A_1607 = arith.constant 1 : i32
      %parallel_loop3A_1608 = arith.index_cast %parallel_loop3A_1607 : i32 to index
      %parallel_loop3A_1609 = arith.index_cast %parallel_loop3A_1589 : i32 to index
      %parallel_loop3A_1610 = arith.index_cast %parallel_loop3A_1606 : i32 to index
      %parallel_loop3A_1611 = tpu.vector_load %arg13[%parallel_loop3A_1608, %parallel_loop3A_1609, %parallel_loop3A_1610] {strides = array<i32>} : memref<2x40x512xi32, #tpu.memory_space<vmem>>, vector<16xi32>,
      %parallel_loop3A_1612 = tpu.vector_load_idx %arg12[%parallel_loop3A_1611] : memref<128xf32, #tpu.memory_space<vmem>>[vector<16xi32>], vector<16xf32>,
      %parallel_loop3A_1613 = arith.constant 1 : i32
      %parallel_loop3A_1614 = arith.index_cast %parallel_loop3A_1613 : i32 to index
      %parallel_loop3A_1615 = arith.index_cast %parallel_loop3A_1589 : i32 to index
      %parallel_loop3A_1616 = arith.index_cast %parallel_loop3A_1606 : i32 to index
      %parallel_loop3A_1617 = tpu.vector_load %arg14[%parallel_loop3A_1614, %parallel_loop3A_1615, %parallel_loop3A_1616] {strides = array<i32>} : memref<2x40x512xf32, #tpu.memory_space<vmem>>, vector<16xf32>,
      tpu.vector_store %arg14[%parallel_loop3A_1614, %parallel_loop3A_1615, %parallel_loop3A_1616], %parallel_loop3A_1612 {strides = array<i32>} : memref<2x40x512xf32, #tpu.memory_space<vmem>>, vector<16xf32>,
    } {sc.loop_unroll_factor = 8 : i64, sc.parallel_access}
    %dma_start3A_1332 = arith.constant 1 : i32
    %dma_start3A_1333 = arith.constant 1 : i32
    %dma_start3A_1334 = arith.constant 0 : i32
    %dma_start3A_1335 = arith.constant 0 : i32
    %dma_start3A_1336 = tpu.memref_slice %arg14[%dma_start3A_1332, %dma_start3A_1334, %dma_start3A_1335] : memref<2x40x512xf32, #tpu.memory_space<vmem>> -> memref<1x40x512xf32, #tpu.memory_space<vmem>>
    %dma_start3A_1337 = tpu.memref_squeeze %dma_start3A_1336 : memref<1x40x512xf32, #tpu.memory_space<vmem>> -> memref<40x512xf32, #tpu.memory_space<vmem>>
    %dma_start3A_1338 = arith.constant 40 : i32
    %dma_start3A_1339 = tpu.memref_slice %arg7[%dma_start3A_1338, %mul3A_2] : memref<200x16384xf32, #tpu.memory_space<hbm>> -> memref<40x512xf32, #tpu.memory_space<hbm>>
    %dma_start3A_1340 = tpu.memref_slice %arg16[%dma_start3A_1333] : memref<2x!tpu.dma_semaphore, #tpu.memory_space<semaphore_mem>> -> memref<1x!tpu.dma_semaphore, #tpu.memory_space<semaphore_mem>>
    %dma_start3A_1341 = tpu.memref_squeeze %dma_start3A_1340 : memref<1x!tpu.dma_semaphore, #tpu.memory_space<semaphore_mem>> -> memref<!tpu.dma_semaphore, #tpu.memory_space<semaphore_mem>>
    %dma_start3A_1342 = arith.constant 40 : i32
    %dma_start3A_1343 = tpu.memref_slice %arg7[%dma_start3A_1342, %mul3A_2] : memref<200x16384xf32, #tpu.memory_space<hbm>> -> memref<40x512xf32, #tpu.memory_space<hbm>>
    %dma_start3A_1344 = arith.constant 0 : i32
    %dma_start3A_1345 = arith.constant 0 : i32
    %dma_start3A_1346 = tpu.memref_slice %arg14[%dma_start3A_1332, %dma_start3A_1344, %dma_start3A_1345] : memref<2x40x512xf32, #tpu.memory_space<vmem>> -> memref<1x40x512xf32, #tpu.memory_space<vmem>>
    %dma_start3A_1347 = tpu.memref_squeeze %dma_start3A_1346 : memref<1x40x512xf32, #tpu.memory_space<vmem>> -> memref<40x512xf32, #tpu.memory_space<vmem>>
    tpu.enqueue_dma source(%dma_start3A_1347 : memref<40x512xf32, #tpu.memory_space<vmem>>) target(%dma_start3A_1343 : memref<40x512xf32, #tpu.memory_space<hbm>>) target_semaphore(%dma_start3A_1341 : memref<!tpu.dma_semaphore, #tpu.memory_space<semaphore_mem>>)
    %dma_start3A_1348 = arith.constant 1 : i32
    %dma_start3A_1349 = arith.constant 1 : i32
    %dma_start3A_1350 = arith.constant 0 : i32
    %dma_start3A_1351 = arith.constant 0 : i32
    %dma_start3A_1352 = tpu.memref_slice %arg13[%dma_start3A_1348, %dma_start3A_1350, %dma_start3A_1351] : memref<2x40x512xi32, #tpu.memory_space<vmem>> -> memref<1x40x512xi32, #tpu.memory_space<vmem>>
    %dma_start3A_1353 = tpu.memref_squeeze %dma_start3A_1352 : memref<1x40x512xi32, #tpu.memory_space<vmem>> -> memref<40x512xi32, #tpu.memory_space<vmem>>
    %dma_start3A_1354 = arith.constant 120 : i32
    %dma_start3A_1355 = tpu.memref_slice %arg6[%dma_start3A_1354, %mul3A_2] : memref<200x16384xi32, #tpu.memory_space<hbm>> -> memref<40x512xi32, #tpu.memory_space<hbm>>
    %dma_start3A_1356 = tpu.memref_slice %arg15[%dma_start3A_1349] : memref<2x!tpu.dma_semaphore, #tpu.memory_space<semaphore_mem>> -> memref<1x!tpu.dma_semaphore, #tpu.memory_space<semaphore_mem>>
    %dma_start3A_1357 = tpu.memref_squeeze %dma_start3A_1356 : memref<1x!tpu.dma_semaphore, #tpu.memory_space<semaphore_mem>> -> memref<!tpu.dma_semaphore, #tpu.memory_space<semaphore_mem>>
    %dma_start3A_1358 = arith.constant 0 : i32
    %dma_start3A_1359 = arith.constant 0 : i32
    %dma_start3A_1360 = tpu.memref_slice %arg13[%dma_start3A_1348, %dma_start3A_1358, %dma_start3A_1359] : memref<2x40x512xi32, #tpu.memory_space<vmem>> -> memref<1x40x512xi32, #tpu.memory_space<vmem>>
    %dma_start3A_1361 = tpu.memref_squeeze %dma_start3A_1360 : memref<1x40x512xi32, #tpu.memory_space<vmem>> -> memref<40x512xi32, #tpu.memory_space<vmem>>
    %dma_start3A_1362 = arith.constant 120 : i32
    %dma_start3A_1363 = tpu.memref_slice %arg6[%dma_start3A_1362, %mul3A_2] : memref<200x16384xi32, #tpu.memory_space<hbm>> -> memref<40x512xi32, #tpu.memory_space<hbm>>
    tpu.enqueue_dma source(%dma_start3A_1363 : memref<40x512xi32, #tpu.memory_space<hbm>>) target(%dma_start3A_1361 : memref<40x512xi32, #tpu.memory_space<vmem>>) target_semaphore(%dma_start3A_1357 : memref<!tpu.dma_semaphore, #tpu.memory_space<semaphore_mem>>)
    %dma_wait3A_1364 = arith.constant 0 : i32
    %dma_wait3A_1365 = arith.constant 0 : i32
    %dma_wait3A_1366 = arith.constant 0 : i32
    %dma_wait3A_1367 = arith.constant 0 : i32
    %dma_wait3A_1368 = tpu.memref_slice %arg13[%dma_wait3A_1364, %dma_wait3A_1366, %dma_wait3A_1367] : memref<2x40x512xi32, #tpu.memory_space<vmem>> -> memref<1x40x512xi32, #tpu.memory_space<vmem>>
    %dma_wait3A_1369 = tpu.memref_squeeze %dma_wait3A_1368 : memref<1x40x512xi32, #tpu.memory_space<vmem>> -> memref<40x512xi32, #tpu.memory_space<vmem>>
    %dma_wait3A_1370 = arith.constant 80 : i32
    %dma_wait3A_1371 = tpu.memref_slice %arg6[%dma_wait3A_1370, %mul3A_2] : memref<200x16384xi32, #tpu.memory_space<hbm>> -> memref<40x512xi32, #tpu.memory_space<hbm>>
    %dma_wait3A_1372 = tpu.memref_slice %arg15[%dma_wait3A_1365] : memref<2x!tpu.dma_semaphore, #tpu.memory_space<semaphore_mem>> -> memref<1x!tpu.dma_semaphore, #tpu.memory_space<semaphore_mem>>
    %dma_wait3A_1373 = tpu.memref_squeeze %dma_wait3A_1372 : memref<1x!tpu.dma_semaphore, #tpu.memory_space<semaphore_mem>> -> memref<!tpu.dma_semaphore, #tpu.memory_space<semaphore_mem>>
    %dma_wait3A_1374 = arith.constant 0 : i32
    %dma_wait3A_1375 = arith.constant 0 : i32
    %dma_wait3A_1376 = tpu.memref_slice %arg13[%dma_wait3A_1364, %dma_wait3A_1374, %dma_wait3A_1375] : memref<2x40x512xi32, #tpu.memory_space<vmem>> -> memref<1x40x512xi32, #tpu.memory_space<vmem>>
    %dma_wait3A_1377 = tpu.memref_squeeze %dma_wait3A_1376 : memref<1x40x512xi32, #tpu.memory_space<vmem>> -> memref<40x512xi32, #tpu.memory_space<vmem>>
    %dma_wait3A_1378 = arith.constant 80 : i32
    %dma_wait3A_1379 = tpu.memref_slice %arg6[%dma_wait3A_1378, %mul3A_2] : memref<200x16384xi32, #tpu.memory_space<hbm>> -> memref<40x512xi32, #tpu.memory_space<hbm>>
    tpu.wait_dma2 semaphore(%dma_wait3A_1373 : memref<!tpu.dma_semaphore, #tpu.memory_space<semaphore_mem>>) src(%dma_wait3A_1379 : memref<40x512xi32, #tpu.memory_space<hbm>>) dst(%dma_wait3A_1377 : memref<40x512xi32, #tpu.memory_space<vmem>>)
    %dma_wait3A_1380 = arith.constant 0 : i32
    %dma_wait3A_1381 = arith.constant 0 : i32
    %dma_wait3A_1382 = arith.constant 0 : i32
    %dma_wait3A_1383 = arith.constant 0 : i32
    %dma_wait3A_1384 = tpu.memref_slice %arg14[%dma_wait3A_1380, %dma_wait3A_1382, %dma_wait3A_1383] : memref<2x40x512xf32, #tpu.memory_space<vmem>> -> memref<1x40x512xf32, #tpu.memory_space<vmem>>
    %dma_wait3A_1385 = tpu.memref_squeeze %dma_wait3A_1384 : memref<1x40x512xf32, #tpu.memory_space<vmem>> -> memref<40x512xf32, #tpu.memory_space<vmem>>
    %dma_wait3A_1386 = arith.constant 0 : i32
    %dma_wait3A_1387 = tpu.memref_slice %arg7[%dma_wait3A_1386, %mul3A_2] : memref<200x16384xf32, #tpu.memory_space<hbm>> -> memref<40x512xf32, #tpu.memory_space<hbm>>
    %dma_wait3A_1388 = tpu.memref_slice %arg16[%dma_wait3A_1381] : memref<2x!tpu.dma_semaphore, #tpu.memory_space<semaphore_mem>> -> memref<1x!tpu.dma_semaphore, #tpu.memory_space<semaphore_mem>>
    %dma_wait3A_1389 = tpu.memref_squeeze %dma_wait3A_1388 : memref<1x!tpu.dma_semaphore, #tpu.memory_space<semaphore_mem>> -> memref<!tpu.dma_semaphore, #tpu.memory_space<semaphore_mem>>
    %dma_wait3A_1390 = arith.constant 0 : i32
    %dma_wait3A_1391 = tpu.memref_slice %arg7[%dma_wait3A_1390, %mul3A_2] : memref<200x16384xf32, #tpu.memory_space<hbm>> -> memref<40x512xf32, #tpu.memory_space<hbm>>
    %dma_wait3A_1392 = arith.constant 0 : i32
    %dma_wait3A_1393 = arith.constant 0 : i32
    %dma_wait3A_1394 = tpu.memref_slice %arg14[%dma_wait3A_1380, %dma_wait3A_1392, %dma_wait3A_1393] : memref<2x40x512xf32, #tpu.memory_space<vmem>> -> memref<1x40x512xf32, #tpu.memory_space<vmem>>
    %dma_wait3A_1395 = tpu.memref_squeeze %dma_wait3A_1394 : memref<1x40x512xf32, #tpu.memory_space<vmem>> -> memref<40x512xf32, #tpu.memory_space<vmem>>
    tpu.wait_dma2 semaphore(%dma_wait3A_1389 : memref<!tpu.dma_semaphore, #tpu.memory_space<semaphore_mem>>) src(%dma_wait3A_1395 : memref<40x512xf32, #tpu.memory_space<vmem>>) dst(%dma_wait3A_1391 : memref<40x512xf32, #tpu.memory_space<hbm>>)
    %parallel_loop3A_1396 = arith.constant 0 : i32
    %parallel_loop3A_1397 = arith.constant 20480 : i32
    %parallel_loop3A_1398 = arith.constant 16 : i32
    scf.for %parallel_loop3A_1565 = %parallel_loop3A_1396 to %parallel_loop3A_1397 step %parallel_loop3A_1398  : i32 {
      %parallel_loop3A_1566 = arith.constant 512 : i32
      %parallel_loop3A_1567 = arith.divsi %parallel_loop3A_1565, %parallel_loop3A_1566 : i32
      %parallel_loop3A_1568 = arith.constant 0 : i32
      %parallel_loop3A_1569 = arith.cmpi sgt, %parallel_loop3A_1565, %parallel_loop3A_1568 : i32
      %parallel_loop3A_1570 = arith.extui %parallel_loop3A_1569 : i1 to i32
      %parallel_loop3A_1571 = arith.constant 0 : i32
      %parallel_loop3A_1572 = arith.cmpi slt, %parallel_loop3A_1565, %parallel_loop3A_1571 : i32
      %parallel_loop3A_1573 = arith.extui %parallel_loop3A_1572 : i1 to i32
      %parallel_loop3A_1574 = arith.subi %parallel_loop3A_1570, %parallel_loop3A_1573 : i32
      %parallel_loop3A_1575 = arith.constant 0 : i32
      %parallel_loop3A_1576 = arith.cmpi sgt, %parallel_loop3A_1566, %parallel_loop3A_1575 : i32
      %parallel_loop3A_1577 = arith.extui %parallel_loop3A_1576 : i1 to i32
      %parallel_loop3A_1578 = arith.constant 0 : i32
      %parallel_loop3A_1579 = arith.cmpi slt, %parallel_loop3A_1566, %parallel_loop3A_1578 : i32
      %parallel_loop3A_1580 = arith.extui %parallel_loop3A_1579 : i1 to i32
      %parallel_loop3A_1581 = arith.subi %parallel_loop3A_1577, %parallel_loop3A_1580 : i32
      %parallel_loop3A_1582 = arith.cmpi ne, %parallel_loop3A_1574, %parallel_loop3A_1581 : i32
      %parallel_loop3A_1583 = arith.remsi %parallel_loop3A_1565, %parallel_loop3A_1566 : i32
      %parallel_loop3A_1584 = arith.constant 0 : i32
      %parallel_loop3A_1585 = arith.cmpi ne, %parallel_loop3A_1583, %parallel_loop3A_1584 : i32
      %parallel_loop3A_1586 = arith.andi %parallel_loop3A_1582, %parallel_loop3A_1585 : i1
      %parallel_loop3A_1587 = arith.constant 1 : i32
      %parallel_loop3A_1588 = arith.subi %parallel_loop3A_1567, %parallel_loop3A_1587 : i32
      %parallel_loop3A_1589 = arith.select %parallel_loop3A_1586, %parallel_loop3A_1588, %parallel_loop3A_1567 : i32
      %parallel_loop3A_1590 = arith.constant 512 : i32
      %parallel_loop3A_1591 = arith.constant 0 : i32
      %parallel_loop3A_1592 = arith.cmpi eq, %parallel_loop3A_1590, %parallel_loop3A_1591 : i32
      %parallel_loop3A_1593 = arith.constant 1 : i32
      %parallel_loop3A_1594 = arith.select %parallel_loop3A_1592, %parallel_loop3A_1593, %parallel_loop3A_1590 : i32
      %parallel_loop3A_1595 = arith.remsi %parallel_loop3A_1565, %parallel_loop3A_1594 : i32
      %parallel_loop3A_1596 = arith.constant 0 : i32
      %parallel_loop3A_1597 = arith.cmpi ne, %parallel_loop3A_1595, %parallel_loop3A_1596 : i32
      %parallel_loop3A_1598 = arith.constant 0 : i32
      %parallel_loop3A_1599 = arith.cmpi slt, %parallel_loop3A_1595, %parallel_loop3A_1598 : i32
      %parallel_loop3A_1600 = arith.constant 0 : i32
      %parallel_loop3A_1601 = arith.cmpi slt, %parallel_loop3A_1594, %parallel_loop3A_1600 : i32
      %parallel_loop3A_1602 = arith.xori %parallel_loop3A_1599, %parallel_loop3A_1601 : i1
      %parallel_loop3A_1603 = arith.andi %parallel_loop3A_1602, %parallel_loop3A_1597 : i1
      %parallel_loop3A_1604 = arith.addi %parallel_loop3A_1595, %parallel_loop3A_1594 : i32
      %parallel_loop3A_1605 = arith.select %parallel_loop3A_1603, %parallel_loop3A_1604, %parallel_loop3A_1595 : i32
      %parallel_loop3A_1606 = tpu.assume_multiple %parallel_loop3A_1605, 16 : i32
      %parallel_loop3A_1607 = arith.constant 0 : i32
      %parallel_loop3A_1608 = arith.index_cast %parallel_loop3A_1607 : i32 to index
      %parallel_loop3A_1609 = arith.index_cast %parallel_loop3A_1589 : i32 to index
      %parallel_loop3A_1610 = arith.index_cast %parallel_loop3A_1606 : i32 to index
      %parallel_loop3A_1611 = tpu.vector_load %arg13[%parallel_loop3A_1608, %parallel_loop3A_1609, %parallel_loop3A_1610] {strides = array<i32>} : memref<2x40x512xi32, #tpu.memory_space<vmem>>, vector<16xi32>,
      %parallel_loop3A_1612 = tpu.vector_load_idx %arg12[%parallel_loop3A_1611] : memref<128xf32, #tpu.memory_space<vmem>>[vector<16xi32>], vector<16xf32>,
      %parallel_loop3A_1613 = arith.constant 0 : i32
      %parallel_loop3A_1614 = arith.index_cast %parallel_loop3A_1613 : i32 to index
      %parallel_loop3A_1615 = arith.index_cast %parallel_loop3A_1589 : i32 to index
      %parallel_loop3A_1616 = arith.index_cast %parallel_loop3A_1606 : i32 to index
      %parallel_loop3A_1617 = tpu.vector_load %arg14[%parallel_loop3A_1614, %parallel_loop3A_1615, %parallel_loop3A_1616] {strides = array<i32>} : memref<2x40x512xf32, #tpu.memory_space<vmem>>, vector<16xf32>,
      tpu.vector_store %arg14[%parallel_loop3A_1614, %parallel_loop3A_1615, %parallel_loop3A_1616], %parallel_loop3A_1612 {strides = array<i32>} : memref<2x40x512xf32, #tpu.memory_space<vmem>>, vector<16xf32>,
    } {sc.loop_unroll_factor = 8 : i64, sc.parallel_access}
    %dma_start3A_1399 = arith.constant 0 : i32
    %dma_start3A_1400 = arith.constant 0 : i32
    %dma_start3A_1401 = arith.constant 0 : i32
    %dma_start3A_1402 = arith.constant 0 : i32
    %dma_start3A_1403 = tpu.memref_slice %arg14[%dma_start3A_1399, %dma_start3A_1401, %dma_start3A_1402] : memref<2x40x512xf32, #tpu.memory_space<vmem>> -> memref<1x40x512xf32, #tpu.memory_space<vmem>>
    %dma_start3A_1404 = tpu.memref_squeeze %dma_start3A_1403 : memref<1x40x512xf32, #tpu.memory_space<vmem>> -> memref<40x512xf32, #tpu.memory_space<vmem>>
    %dma_start3A_1405 = arith.constant 80 : i32
    %dma_start3A_1406 = tpu.memref_slice %arg7[%dma_start3A_1405, %mul3A_2] : memref<200x16384xf32, #tpu.memory_space<hbm>> -> memref<40x512xf32, #tpu.memory_space<hbm>>
    %dma_start3A_1407 = tpu.memref_slice %arg16[%dma_start3A_1400] : memref<2x!tpu.dma_semaphore, #tpu.memory_space<semaphore_mem>> -> memref<1x!tpu.dma_semaphore, #tpu.memory_space<semaphore_mem>>
    %dma_start3A_1408 = tpu.memref_squeeze %dma_start3A_1407 : memref<1x!tpu.dma_semaphore, #tpu.memory_space<semaphore_mem>> -> memref<!tpu.dma_semaphore, #tpu.memory_space<semaphore_mem>>
    %dma_start3A_1409 = arith.constant 80 : i32
    %dma_start3A_1410 = tpu.memref_slice %arg7[%dma_start3A_1409, %mul3A_2] : memref<200x16384xf32, #tpu.memory_space<hbm>> -> memref<40x512xf32, #tpu.memory_space<hbm>>
    %dma_start3A_1411 = arith.constant 0 : i32
    %dma_start3A_1412 = arith.constant 0 : i32
    %dma_start3A_1413 = tpu.memref_slice %arg14[%dma_start3A_1399, %dma_start3A_1411, %dma_start3A_1412] : memref<2x40x512xf32, #tpu.memory_space<vmem>> -> memref<1x40x512xf32, #tpu.memory_space<vmem>>
    %dma_start3A_1414 = tpu.memref_squeeze %dma_start3A_1413 : memref<1x40x512xf32, #tpu.memory_space<vmem>> -> memref<40x512xf32, #tpu.memory_space<vmem>>
    tpu.enqueue_dma source(%dma_start3A_1414 : memref<40x512xf32, #tpu.memory_space<vmem>>) target(%dma_start3A_1410 : memref<40x512xf32, #tpu.memory_space<hbm>>) target_semaphore(%dma_start3A_1408 : memref<!tpu.dma_semaphore, #tpu.memory_space<semaphore_mem>>)
    %dma_start3A_1415 = arith.constant 0 : i32
    %dma_start3A_1416 = arith.constant 0 : i32
    %dma_start3A_1417 = arith.constant 0 : i32
    %dma_start3A_1418 = arith.constant 0 : i32
    %dma_start3A_1419 = tpu.memref_slice %arg13[%dma_start3A_1415, %dma_start3A_1417, %dma_start3A_1418] : memref<2x40x512xi32, #tpu.memory_space<vmem>> -> memref<1x40x512xi32, #tpu.memory_space<vmem>>
    %dma_start3A_1420 = tpu.memref_squeeze %dma_start3A_1419 : memref<1x40x512xi32, #tpu.memory_space<vmem>> -> memref<40x512xi32, #tpu.memory_space<vmem>>
    %dma_start3A_1421 = arith.constant 160 : i32
    %dma_start3A_1422 = tpu.memref_slice %arg6[%dma_start3A_1421, %mul3A_2] : memref<200x16384xi32, #tpu.memory_space<hbm>> -> memref<40x512xi32, #tpu.memory_space<hbm>>
    %dma_start3A_1423 = tpu.memref_slice %arg15[%dma_start3A_1416] : memref<2x!tpu.dma_semaphore, #tpu.memory_space<semaphore_mem>> -> memref<1x!tpu.dma_semaphore, #tpu.memory_space<semaphore_mem>>
    %dma_start3A_1424 = tpu.memref_squeeze %dma_start3A_1423 : memref<1x!tpu.dma_semaphore, #tpu.memory_space<semaphore_mem>> -> memref<!tpu.dma_semaphore, #tpu.memory_space<semaphore_mem>>
    %dma_start3A_1425 = arith.constant 0 : i32
    %dma_start3A_1426 = arith.constant 0 : i32
    %dma_start3A_1427 = tpu.memref_slice %arg13[%dma_start3A_1415, %dma_start3A_1425, %dma_start3A_1426] : memref<2x40x512xi32, #tpu.memory_space<vmem>> -> memref<1x40x512xi32, #tpu.memory_space<vmem>>
    %dma_start3A_1428 = tpu.memref_squeeze %dma_start3A_1427 : memref<1x40x512xi32, #tpu.memory_space<vmem>> -> memref<40x512xi32, #tpu.memory_space<vmem>>
    %dma_start3A_1429 = arith.constant 160 : i32
    %dma_start3A_1430 = tpu.memref_slice %arg6[%dma_start3A_1429, %mul3A_2] : memref<200x16384xi32, #tpu.memory_space<hbm>> -> memref<40x512xi32, #tpu.memory_space<hbm>>
    tpu.enqueue_dma source(%dma_start3A_1430 : memref<40x512xi32, #tpu.memory_space<hbm>>) target(%dma_start3A_1428 : memref<40x512xi32, #tpu.memory_space<vmem>>) target_semaphore(%dma_start3A_1424 : memref<!tpu.dma_semaphore, #tpu.memory_space<semaphore_mem>>)
    %dma_wait3A_1431 = arith.constant 1 : i32
    %dma_wait3A_1432 = arith.constant 1 : i32
    %dma_wait3A_1433 = arith.constant 0 : i32
    %dma_wait3A_1434 = arith.constant 0 : i32
    %dma_wait3A_1435 = tpu.memref_slice %arg13[%dma_wait3A_1431, %dma_wait3A_1433, %dma_wait3A_1434] : memref<2x40x512xi32, #tpu.memory_space<vmem>> -> memref<1x40x512xi32, #tpu.memory_space<vmem>>
    %dma_wait3A_1436 = tpu.memref_squeeze %dma_wait3A_1435 : memref<1x40x512xi32, #tpu.memory_space<vmem>> -> memref<40x512xi32, #tpu.memory_space<vmem>>
    %dma_wait3A_1437 = arith.constant 120 : i32
    %dma_wait3A_1438 = tpu.memref_slice %arg6[%dma_wait3A_1437, %mul3A_2] : memref<200x16384xi32, #tpu.memory_space<hbm>> -> memref<40x512xi32, #tpu.memory_space<hbm>>
    %dma_wait3A_1439 = tpu.memref_slice %arg15[%dma_wait3A_1432] : memref<2x!tpu.dma_semaphore, #tpu.memory_space<semaphore_mem>> -> memref<1x!tpu.dma_semaphore, #tpu.memory_space<semaphore_mem>>
    %dma_wait3A_1440 = tpu.memref_squeeze %dma_wait3A_1439 : memref<1x!tpu.dma_semaphore, #tpu.memory_space<semaphore_mem>> -> memref<!tpu.dma_semaphore, #tpu.memory_space<semaphore_mem>>
    %dma_wait3A_1441 = arith.constant 0 : i32
    %dma_wait3A_1442 = arith.constant 0 : i32
    %dma_wait3A_1443 = tpu.memref_slice %arg13[%dma_wait3A_1431, %dma_wait3A_1441, %dma_wait3A_1442] : memref<2x40x512xi32, #tpu.memory_space<vmem>> -> memref<1x40x512xi32, #tpu.memory_space<vmem>>
    %dma_wait3A_1444 = tpu.memref_squeeze %dma_wait3A_1443 : memref<1x40x512xi32, #tpu.memory_space<vmem>> -> memref<40x512xi32, #tpu.memory_space<vmem>>
    %dma_wait3A_1445 = arith.constant 120 : i32
    %dma_wait3A_1446 = tpu.memref_slice %arg6[%dma_wait3A_1445, %mul3A_2] : memref<200x16384xi32, #tpu.memory_space<hbm>> -> memref<40x512xi32, #tpu.memory_space<hbm>>
    tpu.wait_dma2 semaphore(%dma_wait3A_1440 : memref<!tpu.dma_semaphore, #tpu.memory_space<semaphore_mem>>) src(%dma_wait3A_1446 : memref<40x512xi32, #tpu.memory_space<hbm>>) dst(%dma_wait3A_1444 : memref<40x512xi32, #tpu.memory_space<vmem>>)
    %dma_wait3A_1447 = arith.constant 1 : i32
    %dma_wait3A_1448 = arith.constant 1 : i32
    %dma_wait3A_1449 = arith.constant 0 : i32
    %dma_wait3A_1450 = arith.constant 0 : i32
    %dma_wait3A_1451 = tpu.memref_slice %arg14[%dma_wait3A_1447, %dma_wait3A_1449, %dma_wait3A_1450] : memref<2x40x512xf32, #tpu.memory_space<vmem>> -> memref<1x40x512xf32, #tpu.memory_space<vmem>>
    %dma_wait3A_1452 = tpu.memref_squeeze %dma_wait3A_1451 : memref<1x40x512xf32, #tpu.memory_space<vmem>> -> memref<40x512xf32, #tpu.memory_space<vmem>>
    %dma_wait3A_1453 = arith.constant 40 : i32
    %dma_wait3A_1454 = tpu.memref_slice %arg7[%dma_wait3A_1453, %mul3A_2] : memref<200x16384xf32, #tpu.memory_space<hbm>> -> memref<40x512xf32, #tpu.memory_space<hbm>>
    %dma_wait3A_1455 = tpu.memref_slice %arg16[%dma_wait3A_1448] : memref<2x!tpu.dma_semaphore, #tpu.memory_space<semaphore_mem>> -> memref<1x!tpu.dma_semaphore, #tpu.memory_space<semaphore_mem>>
    %dma_wait3A_1456 = tpu.memref_squeeze %dma_wait3A_1455 : memref<1x!tpu.dma_semaphore, #tpu.memory_space<semaphore_mem>> -> memref<!tpu.dma_semaphore, #tpu.memory_space<semaphore_mem>>
    %dma_wait3A_1457 = arith.constant 40 : i32
    %dma_wait3A_1458 = tpu.memref_slice %arg7[%dma_wait3A_1457, %mul3A_2] : memref<200x16384xf32, #tpu.memory_space<hbm>> -> memref<40x512xf32, #tpu.memory_space<hbm>>
    %dma_wait3A_1459 = arith.constant 0 : i32
    %dma_wait3A_1460 = arith.constant 0 : i32
    %dma_wait3A_1461 = tpu.memref_slice %arg14[%dma_wait3A_1447, %dma_wait3A_1459, %dma_wait3A_1460] : memref<2x40x512xf32, #tpu.memory_space<vmem>> -> memref<1x40x512xf32, #tpu.memory_space<vmem>>
    %dma_wait3A_1462 = tpu.memref_squeeze %dma_wait3A_1461 : memref<1x40x512xf32, #tpu.memory_space<vmem>> -> memref<40x512xf32, #tpu.memory_space<vmem>>
    tpu.wait_dma2 semaphore(%dma_wait3A_1456 : memref<!tpu.dma_semaphore, #tpu.memory_space<semaphore_mem>>) src(%dma_wait3A_1462 : memref<40x512xf32, #tpu.memory_space<vmem>>) dst(%dma_wait3A_1458 : memref<40x512xf32, #tpu.memory_space<hbm>>)
    %parallel_loop3A_1463 = arith.constant 0 : i32
    %parallel_loop3A_1464 = arith.constant 20480 : i32
    %parallel_loop3A_1465 = arith.constant 16 : i32
    scf.for %parallel_loop3A_1565 = %parallel_loop3A_1463 to %parallel_loop3A_1464 step %parallel_loop3A_1465  : i32 {
      %parallel_loop3A_1566 = arith.constant 512 : i32
      %parallel_loop3A_1567 = arith.divsi %parallel_loop3A_1565, %parallel_loop3A_1566 : i32
      %parallel_loop3A_1568 = arith.constant 0 : i32
      %parallel_loop3A_1569 = arith.cmpi sgt, %parallel_loop3A_1565, %parallel_loop3A_1568 : i32
      %parallel_loop3A_1570 = arith.extui %parallel_loop3A_1569 : i1 to i32
      %parallel_loop3A_1571 = arith.constant 0 : i32
      %parallel_loop3A_1572 = arith.cmpi slt, %parallel_loop3A_1565, %parallel_loop3A_1571 : i32
      %parallel_loop3A_1573 = arith.extui %parallel_loop3A_1572 : i1 to i32
      %parallel_loop3A_1574 = arith.subi %parallel_loop3A_1570, %parallel_loop3A_1573 : i32
      %parallel_loop3A_1575 = arith.constant 0 : i32
      %parallel_loop3A_1576 = arith.cmpi sgt, %parallel_loop3A_1566, %parallel_loop3A_1575 : i32
      %parallel_loop3A_1577 = arith.extui %parallel_loop3A_1576 : i1 to i32
      %parallel_loop3A_1578 = arith.constant 0 : i32
      %parallel_loop3A_1579 = arith.cmpi slt, %parallel_loop3A_1566, %parallel_loop3A_1578 : i32
      %parallel_loop3A_1580 = arith.extui %parallel_loop3A_1579 : i1 to i32
      %parallel_loop3A_1581 = arith.subi %parallel_loop3A_1577, %parallel_loop3A_1580 : i32
      %parallel_loop3A_1582 = arith.cmpi ne, %parallel_loop3A_1574, %parallel_loop3A_1581 : i32
      %parallel_loop3A_1583 = arith.remsi %parallel_loop3A_1565, %parallel_loop3A_1566 : i32
      %parallel_loop3A_1584 = arith.constant 0 : i32
      %parallel_loop3A_1585 = arith.cmpi ne, %parallel_loop3A_1583, %parallel_loop3A_1584 : i32
      %parallel_loop3A_1586 = arith.andi %parallel_loop3A_1582, %parallel_loop3A_1585 : i1
      %parallel_loop3A_1587 = arith.constant 1 : i32
      %parallel_loop3A_1588 = arith.subi %parallel_loop3A_1567, %parallel_loop3A_1587 : i32
      %parallel_loop3A_1589 = arith.select %parallel_loop3A_1586, %parallel_loop3A_1588, %parallel_loop3A_1567 : i32
      %parallel_loop3A_1590 = arith.constant 512 : i32
      %parallel_loop3A_1591 = arith.constant 0 : i32
      %parallel_loop3A_1592 = arith.cmpi eq, %parallel_loop3A_1590, %parallel_loop3A_1591 : i32
      %parallel_loop3A_1593 = arith.constant 1 : i32
      %parallel_loop3A_1594 = arith.select %parallel_loop3A_1592, %parallel_loop3A_1593, %parallel_loop3A_1590 : i32
      %parallel_loop3A_1595 = arith.remsi %parallel_loop3A_1565, %parallel_loop3A_1594 : i32
      %parallel_loop3A_1596 = arith.constant 0 : i32
      %parallel_loop3A_1597 = arith.cmpi ne, %parallel_loop3A_1595, %parallel_loop3A_1596 : i32
      %parallel_loop3A_1598 = arith.constant 0 : i32
      %parallel_loop3A_1599 = arith.cmpi slt, %parallel_loop3A_1595, %parallel_loop3A_1598 : i32
      %parallel_loop3A_1600 = arith.constant 0 : i32
      %parallel_loop3A_1601 = arith.cmpi slt, %parallel_loop3A_1594, %parallel_loop3A_1600 : i32
      %parallel_loop3A_1602 = arith.xori %parallel_loop3A_1599, %parallel_loop3A_1601 : i1
      %parallel_loop3A_1603 = arith.andi %parallel_loop3A_1602, %parallel_loop3A_1597 : i1
      %parallel_loop3A_1604 = arith.addi %parallel_loop3A_1595, %parallel_loop3A_1594 : i32
      %parallel_loop3A_1605 = arith.select %parallel_loop3A_1603, %parallel_loop3A_1604, %parallel_loop3A_1595 : i32
      %parallel_loop3A_1606 = tpu.assume_multiple %parallel_loop3A_1605, 16 : i32
      %parallel_loop3A_1607 = arith.constant 1 : i32
      %parallel_loop3A_1608 = arith.index_cast %parallel_loop3A_1607 : i32 to index
      %parallel_loop3A_1609 = arith.index_cast %parallel_loop3A_1589 : i32 to index
      %parallel_loop3A_1610 = arith.index_cast %parallel_loop3A_1606 : i32 to index
      %parallel_loop3A_1611 = tpu.vector_load %arg13[%parallel_loop3A_1608, %parallel_loop3A_1609, %parallel_loop3A_1610] {strides = array<i32>} : memref<2x40x512xi32, #tpu.memory_space<vmem>>, vector<16xi32>,
      %parallel_loop3A_1612 = tpu.vector_load_idx %arg12[%parallel_loop3A_1611] : memref<128xf32, #tpu.memory_space<vmem>>[vector<16xi32>], vector<16xf32>,
      %parallel_loop3A_1613 = arith.constant 1 : i32
      %parallel_loop3A_1614 = arith.index_cast %parallel_loop3A_1613 : i32 to index
      %parallel_loop3A_1615 = arith.index_cast %parallel_loop3A_1589 : i32 to index
      %parallel_loop3A_1616 = arith.index_cast %parallel_loop3A_1606 : i32 to index
      %parallel_loop3A_1617 = tpu.vector_load %arg14[%parallel_loop3A_1614, %parallel_loop3A_1615, %parallel_loop3A_1616] {strides = array<i32>} : memref<2x40x512xf32, #tpu.memory_space<vmem>>, vector<16xf32>,
      tpu.vector_store %arg14[%parallel_loop3A_1614, %parallel_loop3A_1615, %parallel_loop3A_1616], %parallel_loop3A_1612 {strides = array<i32>} : memref<2x40x512xf32, #tpu.memory_space<vmem>>, vector<16xf32>,
    } {sc.loop_unroll_factor = 8 : i64, sc.parallel_access}
    %dma_start3A_1466 = arith.constant 1 : i32
    %dma_start3A_1467 = arith.constant 1 : i32
    %dma_start3A_1468 = arith.constant 0 : i32
    %dma_start3A_1469 = arith.constant 0 : i32
    %dma_start3A_1470 = tpu.memref_slice %arg14[%dma_start3A_1466, %dma_start3A_1468, %dma_start3A_1469] : memref<2x40x512xf32, #tpu.memory_space<vmem>> -> memref<1x40x512xf32, #tpu.memory_space<vmem>>
    %dma_start3A_1471 = tpu.memref_squeeze %dma_start3A_1470 : memref<1x40x512xf32, #tpu.memory_space<vmem>> -> memref<40x512xf32, #tpu.memory_space<vmem>>
    %dma_start3A_1472 = arith.constant 120 : i32
    %dma_start3A_1473 = tpu.memref_slice %arg7[%dma_start3A_1472, %mul3A_2] : memref<200x16384xf32, #tpu.memory_space<hbm>> -> memref<40x512xf32, #tpu.memory_space<hbm>>
    %dma_start3A_1474 = tpu.memref_slice %arg16[%dma_start3A_1467] : memref<2x!tpu.dma_semaphore, #tpu.memory_space<semaphore_mem>> -> memref<1x!tpu.dma_semaphore, #tpu.memory_space<semaphore_mem>>
    %dma_start3A_1475 = tpu.memref_squeeze %dma_start3A_1474 : memref<1x!tpu.dma_semaphore, #tpu.memory_space<semaphore_mem>> -> memref<!tpu.dma_semaphore, #tpu.memory_space<semaphore_mem>>
    %dma_start3A_1476 = arith.constant 120 : i32
    %dma_start3A_1477 = tpu.memref_slice %arg7[%dma_start3A_1476, %mul3A_2] : memref<200x16384xf32, #tpu.memory_space<hbm>> -> memref<40x512xf32, #tpu.memory_space<hbm>>
    %dma_start3A_1478 = arith.constant 0 : i32
    %dma_start3A_1479 = arith.constant 0 : i32
    %dma_start3A_1480 = tpu.memref_slice %arg14[%dma_start3A_1466, %dma_start3A_1478, %dma_start3A_1479] : memref<2x40x512xf32, #tpu.memory_space<vmem>> -> memref<1x40x512xf32, #tpu.memory_space<vmem>>
    %dma_start3A_1481 = tpu.memref_squeeze %dma_start3A_1480 : memref<1x40x512xf32, #tpu.memory_space<vmem>> -> memref<40x512xf32, #tpu.memory_space<vmem>>
    tpu.enqueue_dma source(%dma_start3A_1481 : memref<40x512xf32, #tpu.memory_space<vmem>>) target(%dma_start3A_1477 : memref<40x512xf32, #tpu.memory_space<hbm>>) target_semaphore(%dma_start3A_1475 : memref<!tpu.dma_semaphore, #tpu.memory_space<semaphore_mem>>)
    %dma_wait3A_1482 = arith.constant 0 : i32
    %dma_wait3A_1483 = arith.constant 0 : i32
    %dma_wait3A_1484 = arith.constant 0 : i32
    %dma_wait3A_1485 = arith.constant 0 : i32
    %dma_wait3A_1486 = tpu.memref_slice %arg13[%dma_wait3A_1482, %dma_wait3A_1484, %dma_wait3A_1485] : memref<2x40x512xi32, #tpu.memory_space<vmem>> -> memref<1x40x512xi32, #tpu.memory_space<vmem>>
    %dma_wait3A_1487 = tpu.memref_squeeze %dma_wait3A_1486 : memref<1x40x512xi32, #tpu.memory_space<vmem>> -> memref<40x512xi32, #tpu.memory_space<vmem>>
    %dma_wait3A_1488 = arith.constant 160 : i32
    %dma_wait3A_1489 = tpu.memref_slice %arg6[%dma_wait3A_1488, %mul3A_2] : memref<200x16384xi32, #tpu.memory_space<hbm>> -> memref<40x512xi32, #tpu.memory_space<hbm>>
    %dma_wait3A_1490 = tpu.memref_slice %arg15[%dma_wait3A_1483] : memref<2x!tpu.dma_semaphore, #tpu.memory_space<semaphore_mem>> -> memref<1x!tpu.dma_semaphore, #tpu.memory_space<semaphore_mem>>
    %dma_wait3A_1491 = tpu.memref_squeeze %dma_wait3A_1490 : memref<1x!tpu.dma_semaphore, #tpu.memory_space<semaphore_mem>> -> memref<!tpu.dma_semaphore, #tpu.memory_space<semaphore_mem>>
    %dma_wait3A_1492 = arith.constant 0 : i32
    %dma_wait3A_1493 = arith.constant 0 : i32
    %dma_wait3A_1494 = tpu.memref_slice %arg13[%dma_wait3A_1482, %dma_wait3A_1492, %dma_wait3A_1493] : memref<2x40x512xi32, #tpu.memory_space<vmem>> -> memref<1x40x512xi32, #tpu.memory_space<vmem>>
    %dma_wait3A_1495 = tpu.memref_squeeze %dma_wait3A_1494 : memref<1x40x512xi32, #tpu.memory_space<vmem>> -> memref<40x512xi32, #tpu.memory_space<vmem>>
    %dma_wait3A_1496 = arith.constant 160 : i32
    %dma_wait3A_1497 = tpu.memref_slice %arg6[%dma_wait3A_1496, %mul3A_2] : memref<200x16384xi32, #tpu.memory_space<hbm>> -> memref<40x512xi32, #tpu.memory_space<hbm>>
    tpu.wait_dma2 semaphore(%dma_wait3A_1491 : memref<!tpu.dma_semaphore, #tpu.memory_space<semaphore_mem>>) src(%dma_wait3A_1497 : memref<40x512xi32, #tpu.memory_space<hbm>>) dst(%dma_wait3A_1495 : memref<40x512xi32, #tpu.memory_space<vmem>>)
    %dma_wait3A_1498 = arith.constant 0 : i32
    %dma_wait3A_1499 = arith.constant 0 : i32
    %dma_wait3A_1500 = arith.constant 0 : i32
    %dma_wait3A_1501 = arith.constant 0 : i32
    %dma_wait3A_1502 = tpu.memref_slice %arg14[%dma_wait3A_1498, %dma_wait3A_1500, %dma_wait3A_1501] : memref<2x40x512xf32, #tpu.memory_space<vmem>> -> memref<1x40x512xf32, #tpu.memory_space<vmem>>
    %dma_wait3A_1503 = tpu.memref_squeeze %dma_wait3A_1502 : memref<1x40x512xf32, #tpu.memory_space<vmem>> -> memref<40x512xf32, #tpu.memory_space<vmem>>
    %dma_wait3A_1504 = arith.constant 80 : i32
    %dma_wait3A_1505 = tpu.memref_slice %arg7[%dma_wait3A_1504, %mul3A_2] : memref<200x16384xf32, #tpu.memory_space<hbm>> -> memref<40x512xf32, #tpu.memory_space<hbm>>
    %dma_wait3A_1506 = tpu.memref_slice %arg16[%dma_wait3A_1499] : memref<2x!tpu.dma_semaphore, #tpu.memory_space<semaphore_mem>> -> memref<1x!tpu.dma_semaphore, #tpu.memory_space<semaphore_mem>>
    %dma_wait3A_1507 = tpu.memref_squeeze %dma_wait3A_1506 : memref<1x!tpu.dma_semaphore, #tpu.memory_space<semaphore_mem>> -> memref<!tpu.dma_semaphore, #tpu.memory_space<semaphore_mem>>
    %dma_wait3A_1508 = arith.constant 80 : i32
    %dma_wait3A_1509 = tpu.memref_slice %arg7[%dma_wait3A_1508, %mul3A_2] : memref<200x16384xf32, #tpu.memory_space<hbm>> -> memref<40x512xf32, #tpu.memory_space<hbm>>
    %dma_wait3A_1510 = arith.constant 0 : i32
    %dma_wait3A_1511 = arith.constant 0 : i32
    %dma_wait3A_1512 = tpu.memref_slice %arg14[%dma_wait3A_1498, %dma_wait3A_1510, %dma_wait3A_1511] : memref<2x40x512xf32, #tpu.memory_space<vmem>> -> memref<1x40x512xf32, #tpu.memory_space<vmem>>
    %dma_wait3A_1513 = tpu.memref_squeeze %dma_wait3A_1512 : memref<1x40x512xf32, #tpu.memory_space<vmem>> -> memref<40x512xf32, #tpu.memory_space<vmem>>
    tpu.wait_dma2 semaphore(%dma_wait3A_1507 : memref<!tpu.dma_semaphore, #tpu.memory_space<semaphore_mem>>) src(%dma_wait3A_1513 : memref<40x512xf32, #tpu.memory_space<vmem>>) dst(%dma_wait3A_1509 : memref<40x512xf32, #tpu.memory_space<hbm>>)
    %parallel_loop3A_1514 = arith.constant 0 : i32
    %parallel_loop3A_1515 = arith.constant 20480 : i32
    %parallel_loop3A_1516 = arith.constant 16 : i32
    scf.for %parallel_loop3A_1565 = %parallel_loop3A_1514 to %parallel_loop3A_1515 step %parallel_loop3A_1516  : i32 {
      %parallel_loop3A_1566 = arith.constant 512 : i32
      %parallel_loop3A_1567 = arith.divsi %parallel_loop3A_1565, %parallel_loop3A_1566 : i32
      %parallel_loop3A_1568 = arith.constant 0 : i32
      %parallel_loop3A_1569 = arith.cmpi sgt, %parallel_loop3A_1565, %parallel_loop3A_1568 : i32
      %parallel_loop3A_1570 = arith.extui %parallel_loop3A_1569 : i1 to i32
      %parallel_loop3A_1571 = arith.constant 0 : i32
      %parallel_loop3A_1572 = arith.cmpi slt, %parallel_loop3A_1565, %parallel_loop3A_1571 : i32
      %parallel_loop3A_1573 = arith.extui %parallel_loop3A_1572 : i1 to i32
      %parallel_loop3A_1574 = arith.subi %parallel_loop3A_1570, %parallel_loop3A_1573 : i32
      %parallel_loop3A_1575 = arith.constant 0 : i32
      %parallel_loop3A_1576 = arith.cmpi sgt, %parallel_loop3A_1566, %parallel_loop3A_1575 : i32
      %parallel_loop3A_1577 = arith.extui %parallel_loop3A_1576 : i1 to i32
      %parallel_loop3A_1578 = arith.constant 0 : i32
      %parallel_loop3A_1579 = arith.cmpi slt, %parallel_loop3A_1566, %parallel_loop3A_1578 : i32
      %parallel_loop3A_1580 = arith.extui %parallel_loop3A_1579 : i1 to i32
      %parallel_loop3A_1581 = arith.subi %parallel_loop3A_1577, %parallel_loop3A_1580 : i32
      %parallel_loop3A_1582 = arith.cmpi ne, %parallel_loop3A_1574, %parallel_loop3A_1581 : i32
      %parallel_loop3A_1583 = arith.remsi %parallel_loop3A_1565, %parallel_loop3A_1566 : i32
      %parallel_loop3A_1584 = arith.constant 0 : i32
      %parallel_loop3A_1585 = arith.cmpi ne, %parallel_loop3A_1583, %parallel_loop3A_1584 : i32
      %parallel_loop3A_1586 = arith.andi %parallel_loop3A_1582, %parallel_loop3A_1585 : i1
      %parallel_loop3A_1587 = arith.constant 1 : i32
      %parallel_loop3A_1588 = arith.subi %parallel_loop3A_1567, %parallel_loop3A_1587 : i32
      %parallel_loop3A_1589 = arith.select %parallel_loop3A_1586, %parallel_loop3A_1588, %parallel_loop3A_1567 : i32
      %parallel_loop3A_1590 = arith.constant 512 : i32
      %parallel_loop3A_1591 = arith.constant 0 : i32
      %parallel_loop3A_1592 = arith.cmpi eq, %parallel_loop3A_1590, %parallel_loop3A_1591 : i32
      %parallel_loop3A_1593 = arith.constant 1 : i32
      %parallel_loop3A_1594 = arith.select %parallel_loop3A_1592, %parallel_loop3A_1593, %parallel_loop3A_1590 : i32
      %parallel_loop3A_1595 = arith.remsi %parallel_loop3A_1565, %parallel_loop3A_1594 : i32
      %parallel_loop3A_1596 = arith.constant 0 : i32
      %parallel_loop3A_1597 = arith.cmpi ne, %parallel_loop3A_1595, %parallel_loop3A_1596 : i32
      %parallel_loop3A_1598 = arith.constant 0 : i32
      %parallel_loop3A_1599 = arith.cmpi slt, %parallel_loop3A_1595, %parallel_loop3A_1598 : i32
      %parallel_loop3A_1600 = arith.constant 0 : i32
      %parallel_loop3A_1601 = arith.cmpi slt, %parallel_loop3A_1594, %parallel_loop3A_1600 : i32
      %parallel_loop3A_1602 = arith.xori %parallel_loop3A_1599, %parallel_loop3A_1601 : i1
      %parallel_loop3A_1603 = arith.andi %parallel_loop3A_1602, %parallel_loop3A_1597 : i1
      %parallel_loop3A_1604 = arith.addi %parallel_loop3A_1595, %parallel_loop3A_1594 : i32
      %parallel_loop3A_1605 = arith.select %parallel_loop3A_1603, %parallel_loop3A_1604, %parallel_loop3A_1595 : i32
      %parallel_loop3A_1606 = tpu.assume_multiple %parallel_loop3A_1605, 16 : i32
      %parallel_loop3A_1607 = arith.constant 0 : i32
      %parallel_loop3A_1608 = arith.index_cast %parallel_loop3A_1607 : i32 to index
      %parallel_loop3A_1609 = arith.index_cast %parallel_loop3A_1589 : i32 to index
      %parallel_loop3A_1610 = arith.index_cast %parallel_loop3A_1606 : i32 to index
      %parallel_loop3A_1611 = tpu.vector_load %arg13[%parallel_loop3A_1608, %parallel_loop3A_1609, %parallel_loop3A_1610] {strides = array<i32>} : memref<2x40x512xi32, #tpu.memory_space<vmem>>, vector<16xi32>,
      %parallel_loop3A_1612 = tpu.vector_load_idx %arg12[%parallel_loop3A_1611] : memref<128xf32, #tpu.memory_space<vmem>>[vector<16xi32>], vector<16xf32>,
      %parallel_loop3A_1613 = arith.constant 0 : i32
      %parallel_loop3A_1614 = arith.index_cast %parallel_loop3A_1613 : i32 to index
      %parallel_loop3A_1615 = arith.index_cast %parallel_loop3A_1589 : i32 to index
      %parallel_loop3A_1616 = arith.index_cast %parallel_loop3A_1606 : i32 to index
      %parallel_loop3A_1617 = tpu.vector_load %arg14[%parallel_loop3A_1614, %parallel_loop3A_1615, %parallel_loop3A_1616] {strides = array<i32>} : memref<2x40x512xf32, #tpu.memory_space<vmem>>, vector<16xf32>,
      tpu.vector_store %arg14[%parallel_loop3A_1614, %parallel_loop3A_1615, %parallel_loop3A_1616], %parallel_loop3A_1612 {strides = array<i32>} : memref<2x40x512xf32, #tpu.memory_space<vmem>>, vector<16xf32>,
    } {sc.loop_unroll_factor = 8 : i64, sc.parallel_access}
    %dma_start3A_1517 = arith.constant 0 : i32
    %dma_start3A_1518 = arith.constant 0 : i32
    %dma_start3A_1519 = arith.constant 0 : i32
    %dma_start3A_1520 = arith.constant 0 : i32
    %dma_start3A_1521 = tpu.memref_slice %arg14[%dma_start3A_1517, %dma_start3A_1519, %dma_start3A_1520] : memref<2x40x512xf32, #tpu.memory_space<vmem>> -> memref<1x40x512xf32, #tpu.memory_space<vmem>>
    %dma_start3A_1522 = tpu.memref_squeeze %dma_start3A_1521 : memref<1x40x512xf32, #tpu.memory_space<vmem>> -> memref<40x512xf32, #tpu.memory_space<vmem>>
    %dma_start3A_1523 = arith.constant 160 : i32
    %dma_start3A_1524 = tpu.memref_slice %arg7[%dma_start3A_1523, %mul3A_2] : memref<200x16384xf32, #tpu.memory_space<hbm>> -> memref<40x512xf32, #tpu.memory_space<hbm>>
    %dma_start3A_1525 = tpu.memref_slice %arg16[%dma_start3A_1518] : memref<2x!tpu.dma_semaphore, #tpu.memory_space<semaphore_mem>> -> memref<1x!tpu.dma_semaphore, #tpu.memory_space<semaphore_mem>>
    %dma_start3A_1526 = tpu.memref_squeeze %dma_start3A_1525 : memref<1x!tpu.dma_semaphore, #tpu.memory_space<semaphore_mem>> -> memref<!tpu.dma_semaphore, #tpu.memory_space<semaphore_mem>>
    %dma_start3A_1527 = arith.constant 160 : i32
    %dma_start3A_1528 = tpu.memref_slice %arg7[%dma_start3A_1527, %mul3A_2] : memref<200x16384xf32, #tpu.memory_space<hbm>> -> memref<40x512xf32, #tpu.memory_space<hbm>>
    %dma_start3A_1529 = arith.constant 0 : i32
    %dma_start3A_1530 = arith.constant 0 : i32
    %dma_start3A_1531 = tpu.memref_slice %arg14[%dma_start3A_1517, %dma_start3A_1529, %dma_start3A_1530] : memref<2x40x512xf32, #tpu.memory_space<vmem>> -> memref<1x40x512xf32, #tpu.memory_space<vmem>>
    %dma_start3A_1532 = tpu.memref_squeeze %dma_start3A_1531 : memref<1x40x512xf32, #tpu.memory_space<vmem>> -> memref<40x512xf32, #tpu.memory_space<vmem>>
    tpu.enqueue_dma source(%dma_start3A_1532 : memref<40x512xf32, #tpu.memory_space<vmem>>) target(%dma_start3A_1528 : memref<40x512xf32, #tpu.memory_space<hbm>>) target_semaphore(%dma_start3A_1526 : memref<!tpu.dma_semaphore, #tpu.memory_space<semaphore_mem>>)
    %dma_wait3A_1533 = arith.constant 1 : i32
    %dma_wait3A_1534 = arith.constant 1 : i32
    %dma_wait3A_1535 = arith.constant 0 : i32
    %dma_wait3A_1536 = arith.constant 0 : i32
    %dma_wait3A_1537 = tpu.memref_slice %arg14[%dma_wait3A_1533, %dma_wait3A_1535, %dma_wait3A_1536] : memref<2x40x512xf32, #tpu.memory_space<vmem>> -> memref<1x40x512xf32, #tpu.memory_space<vmem>>
    %dma_wait3A_1538 = tpu.memref_squeeze %dma_wait3A_1537 : memref<1x40x512xf32, #tpu.memory_space<vmem>> -> memref<40x512xf32, #tpu.memory_space<vmem>>
    %dma_wait3A_1539 = arith.constant 120 : i32
    %dma_wait3A_1540 = tpu.memref_slice %arg7[%dma_wait3A_1539, %mul3A_2] : memref<200x16384xf32, #tpu.memory_space<hbm>> -> memref<40x512xf32, #tpu.memory_space<hbm>>
    %dma_wait3A_1541 = tpu.memref_slice %arg16[%dma_wait3A_1534] : memref<2x!tpu.dma_semaphore, #tpu.memory_space<semaphore_mem>> -> memref<1x!tpu.dma_semaphore, #tpu.memory_space<semaphore_mem>>
    %dma_wait3A_1542 = tpu.memref_squeeze %dma_wait3A_1541 : memref<1x!tpu.dma_semaphore, #tpu.memory_space<semaphore_mem>> -> memref<!tpu.dma_semaphore, #tpu.memory_space<semaphore_mem>>
    %dma_wait3A_1543 = arith.constant 120 : i32
    %dma_wait3A_1544 = tpu.memref_slice %arg7[%dma_wait3A_1543, %mul3A_2] : memref<200x16384xf32, #tpu.memory_space<hbm>> -> memref<40x512xf32, #tpu.memory_space<hbm>>
    %dma_wait3A_1545 = arith.constant 0 : i32
    %dma_wait3A_1546 = arith.constant 0 : i32
    %dma_wait3A_1547 = tpu.memref_slice %arg14[%dma_wait3A_1533, %dma_wait3A_1545, %dma_wait3A_1546] : memref<2x40x512xf32, #tpu.memory_space<vmem>> -> memref<1x40x512xf32, #tpu.memory_space<vmem>>
    %dma_wait3A_1548 = tpu.memref_squeeze %dma_wait3A_1547 : memref<1x40x512xf32, #tpu.memory_space<vmem>> -> memref<40x512xf32, #tpu.memory_space<vmem>>
    tpu.wait_dma2 semaphore(%dma_wait3A_1542 : memref<!tpu.dma_semaphore, #tpu.memory_space<semaphore_mem>>) src(%dma_wait3A_1548 : memref<40x512xf32, #tpu.memory_space<vmem>>) dst(%dma_wait3A_1544 : memref<40x512xf32, #tpu.memory_space<hbm>>)
    %dma_wait3A_1549 = arith.constant 0 : i32
    %dma_wait3A_1550 = arith.constant 0 : i32
    %dma_wait3A_1551 = arith.constant 0 : i32
    %dma_wait3A_1552 = arith.constant 0 : i32
    %dma_wait3A_1553 = tpu.memref_slice %arg14[%dma_wait3A_1549, %dma_wait3A_1551, %dma_wait3A_1552] : memref<2x40x512xf32, #tpu.memory_space<vmem>> -> memref<1x40x512xf32, #tpu.memory_space<vmem>>
    %dma_wait3A_1554 = tpu.memref_squeeze %dma_wait3A_1553 : memref<1x40x512xf32, #tpu.memory_space<vmem>> -> memref<40x512xf32, #tpu.memory_space<vmem>>
    %dma_wait3A_1555 = arith.constant 160 : i32
    %dma_wait3A_1556 = tpu.memref_slice %arg7[%dma_wait3A_1555, %mul3A_2] : memref<200x16384xf32, #tpu.memory_space<hbm>> -> memref<40x512xf32, #tpu.memory_space<hbm>>
    %dma_wait3A_1557 = tpu.memref_slice %arg16[%dma_wait3A_1550] : memref<2x!tpu.dma_semaphore, #tpu.memory_space<semaphore_mem>> -> memref<1x!tpu.dma_semaphore, #tpu.memory_space<semaphore_mem>>
    %dma_wait3A_1558 = tpu.memref_squeeze %dma_wait3A_1557 : memref<1x!tpu.dma_semaphore, #tpu.memory_space<semaphore_mem>> -> memref<!tpu.dma_semaphore, #tpu.memory_space<semaphore_mem>>
    %dma_wait3A_1559 = arith.constant 160 : i32
    %dma_wait3A_1560 = tpu.memref_slice %arg7[%dma_wait3A_1559, %mul3A_2] : memref<200x16384xf32, #tpu.memory_space<hbm>> -> memref<40x512xf32, #tpu.memory_space<hbm>>
    %dma_wait3A_1561 = arith.constant 0 : i32
    %dma_wait3A_1562 = arith.constant 0 : i32
    %dma_wait3A_1563 = tpu.memref_slice %arg14[%dma_wait3A_1549, %dma_wait3A_1561, %dma_wait3A_1562] : memref<2x40x512xf32, #tpu.memory_space<vmem>> -> memref<1x40x512xf32, #tpu.memory_space<vmem>>
    %dma_wait3A_1564 = tpu.memref_squeeze %dma_wait3A_1563 : memref<1x40x512xf32, #tpu.memory_space<vmem>> -> memref<40x512xf32, #tpu.memory_space<vmem>>
    tpu.wait_dma2 semaphore(%dma_wait3A_1558 : memref<!tpu.dma_semaphore, #tpu.memory_space<semaphore_mem>>) src(%dma_wait3A_1564 : memref<40x512xf32, #tpu.memory_space<vmem>>) dst(%dma_wait3A_1560 : memref<40x512xf32, #tpu.memory_space<hbm>>)
    return
  }
}

</mosaic_0001>

<sc_bundles>
// kernel: _run.3.cloned.1.call-start
scs
__scs_entry_jumppad:
0x0: {  	(pc) =	sbr.rel $0x88, $3  }
0x1: {  	(tag) =	ssettag $0x0;
	lr =	simm.s32 $0x1  }
0x2: {  	[smem:$0x3F9C] =	sst lr;
	_ =	strace $0xD0000000  }
0x3: {  	_ = 	snop  }
0x4: {  	_ = 	snop  }
0x5: {  	_ = 	snop  }
0x6: {  	_ = 	snop  }
0x7: {  	_ = 	snop  }
__scs_overlays_trampoline_lowered:
0x8: {  	[smem:$0x3FAB] =	sst s0  }
0x9: {  	[smem:$0x3FAC] =	sst s1  }
0xa: {  	[smem:$0x3FAD] =	sst s2  }
0xb: {  	[smem:$0x3FAE] =	sst s3  }
0xc: {  	[smem:$0x3FAF] =	sst s4  }
0xd: {  	[smem:$0x3FB0] =	sst s5  }
0xe: {  	[smem:$0x3FB1] =	sst s6  }
0xf: {  	[smem:$0x3FB2] =	sst s7  }
0x10: {  	[smem:$0x3FB3] =	sst s8  }
0x11: {  	[smem:$0x3FB4] =	sst s9;
	s0 =	simm.s32 @!p0 $0x0  }
0x12: {  	s1 =	sld [smem:$0x3F9A];
	s0 =	simm.s32 @p0 $0x1  }
0x13: {  	[smem:$0x3FB5] =	sst s0;
	s0 =	simm.s32 @!p1 $0x0  }
0x14: {  	s2 =	sld [smem:$0x3F99];
	s0 =	simm.s32 @p1 $0x1  }
0x15: {  	[smem:$0x3FB6] =	sst s0;
	s0 =	simm.s32 @!p2 $0x0  }
0x16: {  	s3 =	sld [smem:$0x3FDB];
	s0 =	simm.s32 @p2 $0x1  }
0x17: {  	s4 =	simm.s32 $0x1BF5;
	[smem:$0x3FB8] =	sst s0  }
0x18: {  	s0 =	sld [smem:$0x3F9B];
	_ =	swait.ge [sflag:s4], $0x0  }
0x19: {  	s7 =	sld [smem:$0x3F9C]  }
0x1a: {  	s8 =	sadd.s32 $0xFFFFE003, lr  }
0x1b: {  	s9 =	sadd.s32 $0xFFFFFEF7, lr;
	s5 =	simm.s32 $0xFFFFFFFF;
	p2 =	slt.u32 s8, $0xFFFFF086  }
0x1c: {  	p1 =	slt.u32 s9, $0xF7A;
	s5 =	simm.s32 @!p2 $0x0  }
0x1d: {  	s5 =	simm.s32 @p1 $0x1;
	p0 =	seq.s32 s7, s2  }
0x1e: {  	s7 =	smul.u32 @!p0 $0xF7A, s2;
	p2 =	seq.s32 @!p0 s5, $0x0  }
0x1f: {  	s9 =	smul.u32 $0xF7A, s1;
	s8 =	simm.s32 @!p0 $0x1BF5;
	p2 =	por !p2, p0  }
0x20: {  	[sflag:s8] =	ssyncset.s32 @!p0 $0xFFFFF086;
	s6 =	sadd.s32 @!p0 s3, s7;
	s7 =	simm.s32 @!p0 $0x108  }
0x21: {  	s3 =	sadd.s32 s3, s9;
	s6 =	sadd.s32 @!p0 $0x88, s6;
	s7 =	simm.s32 @p2 $0x1082  }
0x22: {  	[simem:s7], [sflag:s8] =	dma.local @!p0 [hbm:s6], $0xF7A  }
0x23: {  	s9 =	sor.u32 $0xD0000000, s2;
	s6 =	simm.s32 $0x108;
	_ =	swait.ge @!p0 [sflag:s8], $0x0  }
0x24: {  	s3 =	sadd.s32 $0x88, s3;
	s6 =	simm.s32 @!p1 $0x1082;
	[sflag:s4] =	ssyncset.s32 $0xFFFFF086  }
0x25: {  	[simem:s6], [sflag:s4] =	dma.local [hbm:s3], $0xF7A  }
0x26: {  	[smem:$0x3F9C] =	sst s1;
	(tag) =	ssettag s2;
	_ =	strace s9  }
0x27: {  	s1 =	sld [smem:$0x3FAC]  }
0x28: {  	s2 =	sld [smem:$0x3FAD]  }
0x29: {  	s4 =	sld [smem:$0x3FAF]  }
0x2a: {  	p0 =	seq.s32 s5, $0x0;
	s5 =	sld [smem:$0x3FB0]  }
0x2b: {  	s6 =	sld [smem:$0x3FB1]  }
0x2c: {  	s7 =	sld [smem:$0x3FB2]  }
0x2d: {  	s3 =	simm.s32 $0x108;
	s8 =	sld [smem:$0x3FB3]  }
0x2e: {  	s3 =	simm.s32 @!p0 $0x1082;
	s9 =	sld [smem:$0x3FB4]  }
0x2f: {  	lr =	sadd.s32 s0, s3;
	s0 =	sld [smem:$0x3FAB]  }
0x30: {  	s3 =	sld [smem:$0x3FAE]  }
0x31: {  	[smem:$0x3FB7] =	sst s10  }
0x32: {  	s10 =	sld [smem:$0x3FB5];
	_ =	sdelay $0x3  }
0x33: {  	p0 =	seq.s32 s10, $0x1;
	s10 =	sld [smem:$0x3FB7];
	_ =	sdelay $0x3  }
0x34: {  	[smem:$0x3FB7] =	sst s10  }
0x35: {  	s10 =	sld [smem:$0x3FB6];
	_ =	sdelay $0x3  }
0x36: {  	p1 =	seq.s32 s10, $0x1;
	s10 =	sld [smem:$0x3FB7];
	_ =	sdelay $0x3  }
0x37: {  	[smem:$0x3FB7] =	sst s10  }
0x38: {  	s10 =	sld [smem:$0x3FB8]  }
0x39: {  	_ = 	snop;
	(pc) =	sbr.ind lr, $3  }
0x3a: {  	_ = 	snop  }
0x3b: {  	_ = 	snop  }
0x3c: {  	p2 =	seq.s32 s10, $0x1;
	s10 =	sld [smem:$0x3FB7]  }
0x3d: {  	_ =	shalt  }
0x3e: {  	_ =	shalt  }
0x3f: {  	_ =	shalt  }
0x40: {  	_ =	shalt  }
0x41: {  	_ =	shalt  }
0x42: {  	_ =	shalt  }
0x43: {  	_ =	shalt  }
0x44: {  	_ =	shalt  }
0x45: {  	_ =	shalt  }
0x46: {  	_ =	shalt  }
0x47: {  	_ =	shalt  }
0x48: {  	_ =	shalt  }
0x49: {  	_ =	shalt  }
0x4a: {  	_ =	shalt  }
0x4b: {  	_ =	shalt  }
0x4c: {  	_ =	shalt  }
0x4d: {  	_ =	shalt  }
0x4e: {  	_ =	shalt  }
0x4f: {  	_ =	shalt  }
0x50: {  	_ =	shalt  }
0x51: {  	_ =	shalt  }
0x52: {  	_ =	shalt  }
0x53: {  	_ =	shalt  }
0x54: {  	_ =	shalt  }
0x55: {  	_ =	shalt  }
0x56: {  	_ =	shalt  }
0x57: {  	_ =	shalt  }
0x58: {  	_ =	shalt  }
0x59: {  	_ =	shalt  }
0x5a: {  	_ =	shalt  }
0x5b: {  	_ =	shalt  }
0x5c: {  	_ =	shalt  }
0x5d: {  	_ =	shalt  }
0x5e: {  	_ =	shalt  }
0x5f: {  	_ =	shalt  }
0x60: {  	_ =	shalt  }
0x61: {  	_ =	shalt  }
0x62: {  	_ =	shalt  }
0x63: {  	_ =	shalt  }
0x64: {  	_ =	shalt  }
0x65: {  	_ =	shalt  }
0x66: {  	_ =	shalt  }
0x67: {  	_ =	shalt  }
0x68: {  	_ =	shalt  }
0x69: {  	_ =	shalt  }
0x6a: {  	_ =	shalt  }
0x6b: {  	_ =	shalt  }
0x6c: {  	_ =	shalt  }
0x6d: {  	_ =	shalt  }
0x6e: {  	_ =	shalt  }
0x6f: {  	_ =	shalt  }
0x70: {  	_ =	shalt  }
0x71: {  	_ =	shalt  }
0x72: {  	_ =	shalt  }
0x73: {  	_ =	shalt  }
0x74: {  	_ =	shalt  }
0x75: {  	_ =	shalt  }
0x76: {  	_ =	shalt  }
0x77: {  	_ =	shalt  }
0x78: {  	_ =	shalt  }
0x79: {  	_ =	shalt  }
0x7a: {  	_ =	shalt  }
0x7b: {  	_ =	shalt  }
0x7c: {  	_ =	shalt  }
0x7d: {  	_ =	shalt  }
0x7e: {  	_ =	shalt  }
0x7f: {  	_ =	shalt  }
0x80: {  	_ =	shalt  }
0x81: {  	_ =	shalt  }
0x82: {  	_ =	shalt  }
0x83: {  	_ =	shalt  }
0x84: {  	_ =	shalt  }
0x85: {  	_ =	shalt  }
0x86: {  	_ =	shalt  }
0x87: {  	_ =	shalt  }
.Lfunc_end0:
.L_simem_size_0:
called_computation_lowered:
.L_overlay_start_0:
0x88: {  	s2 =	sld [smem:$0x3FD9]  }
0x89: {  	s3 =	sld [smem:$0x3FFE];
	_ =	sdelay $0x1  }
0x8a: {  	s1 =	srdreg.scid  }
0x8b: {  	s0 =	sand.u32 $0x1, s1  }
0x8c: {  	s18 =	sshll.u32 s0, $0xA;
	s2 =	sadd.s32 s3, s2  }
0x8d: {  	s2 =	sadd.s32 s2, s18  }
0x8e: {  	[smem:$0x3FC3] =	sst s2  }
0x8f: {  	_ = 	snop  }
0x90: {  	s2 =	sld [smem:$0x3FC9]  }
0x91: {  	s19 =	sld [smem:$0x3FC8]  }
0x92: {  	s4 =	sld [smem:$0x3FC7]  }
0x93: {  	s5 =	sld [smem:$0x3FC6]  }
0x94: {  	s6 =	sld [smem:$0x3FC5]  }
0x95: {  	s7 =	sld [smem:$0x3FD0];
	(tm) =	ssettm $0x1  }
0x96: {  	s8 =	sld [smem:$0x3FFB];
	_ =	sdelay $0x3  }
0x97: {  	_ =	strace s8  }
0x98: {  	s8 =	sld [smem:$0x3FFC];
	_ =	sdelay $0x3  }
0x99: {  	_ =	strace s8  }
0x9a: {  	s8 =	sld [smem:$0x3FFD];
	_ =	sdelay $0x3  }
0x9b: {  	_ =	strace s8  }
0x9c: {  	_ =	strace $0x8FFFFFFF  }
0x9d: {  	s20 =	sld [smem:$0x3FDB];
	_ =	sdelay $0x1  }
0x9e: {  	s9 =	simm.s32 $_scs_section_size  }
0x9f: {  	s10 =	simm.s32 $_size__tile_overlayer_lowered;
	s11 =	simm.s32 $_tile_overlayer_lowered  }
0xa0: {  	s23 =	simm.s32 $0x1BFF;
	s22 =	sshll.u32 s11, $0x1;
	s8 =	sadd.s32 s9, s20  }
0xa1: {  	s12 =	simm.s32 $0x0;
	s21 =	sshll.u32 s10, $0x1;
	s10 =	sadd.s32 s22, s8  }
0xa2: {  	[timem:s12], [sflag:s23] =	dma.local [hbm:s10], s21  }
0xa3: {  	_ =	swait.ge [sflag:s23], s21  }
0xa4: {  	s9 =	ssub.s32 $0x0, s21;
	[sflag:s23] =	ssyncset.done $0x0  }
0xa5: {  	[sflag:s23] =	ssyncadd.s32 s9;
	_ =	sdelay $0x1  }
0xa6: {  	s24 =	simm.s32 $0x1B8B  }
0xa7: {  	_ =	swait.ge [sflag:s24], $0x1  }
0xa8: {  	[sflag:s24] =	ssyncset.done $0x0  }
0xa9: {  	s25 =	simm.s32 $0x1B8E;
	[sflag:s24] =	ssyncadd.s32 $0xFFFFFFFF  }
0xaa: {  	s26 =	simm.s32 $execute0_lowered;
	[smem:$0x3FD2] =	sst s25  }
0xab: {  	s9 =	sshll.u32 s26, $0x1;
	_ =	strace $0x80000046;
	[dreg:$0x1] =	wrdreg $0xFFFFFFFF  }
0xac: {  	s28 =	simm.s32 $_size_execute0_lowered;
	s8 =	sadd.s32 s8, s9;
	[dreg:$0x0] =	wrdreg $0x0  }
0xad: {  	s9 =	sshll.u32 s28, $0x1;
	[dreg:$0x2] =	wrdreg s8  }
0xae: {  	[dreg:$0x3] =	wrdreg s9  }
0xaf: {  	[dreg:$0x4] =	wrdreg $0xC0  }
0xb0: {  	_ =	task [dreg:s12], $0x5FFFF  }
0xb1: {  	[dreg:$0x1] =	wrdreg $0xFFFFFFFF  }
0xb2: {  	[dreg:$0x0] =	wrdreg $0x60  }
0xb3: {  	[dreg:$0x2] =	wrdreg s19  }
0xb4: {  	[dreg:$0x3] =	wrdreg s4  }
0xb5: {  	[dreg:$0x4] =	wrdreg s5  }
0xb6: {  	[dreg:$0x5] =	wrdreg s6  }
0xb7: {  	[dreg:$0x6] =	wrdreg s2  }
0xb8: {  	[dreg:$0x7] =	wrdreg s7  }
0xb9: {  	[dreg:$0x8] =	wrdreg $0x9  }
0xba: {  	_ =	task.clear_ibuf [dreg:s12], $0x9FFFF;
	_ =	strace $0x90000046  }
0xbb: {  	s29 =	simm.s32 $0x9;
	_ =	strace $0x80000048  }
0xbc: {  	_ =	swait.ge [sflag:s29], $0x1  }
0xbd: {  	[sflag:s29] =	ssyncadd.s32 $0xFFFFFFFF  }
0xbe: {  	_ =	strace $0x90000048  }
0xbf: {  	_ =	sfence  }
0xc0: {  	s30 =	sld [smem:$0x0];
	_ =	sdelay $0x2  }
0xc1: {  	s31 =	sshll.u32 s1, $0xD;
	s1 =	sshrl.u32 s1, $0x2  }
0xc2: {  	s3 =	sand.u32 $0x4000, s31;
	s1 =	sadd.s32 s1, s30  }
0xc3: {  	s0 =	sor.u32 s3, s0;
	s1 =	sshll.u32 s1, $0x11  }
0xc4: {  	s0 =	sor.u32 s1, s0  }
0xc5: {  	s0 =	sadd.s32 $0x8F2B, s0  }
0xc6: {  	[sflag:s0] =	ssyncadd.remote.s32 $0x1  }
0xc7: {  	_ =	sfence.sel $0xFFFF  }
0xc8: {  	[dreg:$0x0] =	wrdreg $0xFFFFFFFF;
	(pc) =	sbr.abs _section_cstart, $3  }
0xc9: {  	[dreg:$0x1] =	wrdreg $0xFFFFFFFF  }
0xca: {  	_ =	task.clear_ibuf [dreg:s12], $0x2FFFF;
	_ =	strace $0x9FFFFFFF  }
0xcb: {  	(tm) =	ssettm $0x7FFFFFFF  }
tec
execute0_lowered:
.L_overlay_start_1:
0x0: {  	(tag) =	ssettag $0x1  }
0x1: {  	s0 =	rddreg [dreg:$0x4]  }
0x2: {  	s1 =	rddreg [dreg:$0x5];
	s2 =	srdreg.scid;
	s6 =	simm.s32 $0x0  }
0x3: {  	s5 =	stileid.u32;
	s18 =	simm.s32 $0x1000;
	s19 =	simm.s32 $0x20000  }
0x4: {  	s20 =	simm.s32 $0x1900;
	s21 =	simm.s32 $0x6900;
	s28 =	simm.s32 $0xB900  }
0x5: {  	s29 =	simm.s32 $0x2;
	s30 =	simm.s32 $0x10900;
	s2 =	sand.u32 $0x1, s2  }
0x6: {  	s31 =	simm.s32 $0x3;
	[smem:$0x7FF] =	sst s6;
	s3 =	ssub.s32 $0x2, s2  }
0x7: {  	s5 =	sshll.u32 s5, $0xA;
	s2 =	sshll.u32 s2, $0x9;
	s4 =	sshrl.u32 s3, $0x1  }
0x8: {  	_ =	strace $0x80000047;
	s2 =	sor.u32 s2, s5;
	s3 =	ssub.s32 s3, s4  }
0x9: {  	s24 =	sadd.s32 s0, s2;
	s25 =	sor.u32 $0x14000, s2;
	s5 =	sor.u32 $0x28000, s2  }
0xa: {  	s9 =	sadd.s32 s1, s2;
	s26 =	sor.u32 $0x3C000, s2;
	s2 =	sor.u32 $0x50000, s2  }
0xb: {  	[dreg:$0x7] =	wrdreg s24;
	s8 =	sadd.s32 s0, s25;
	s10 =	sadd.s32 s0, s5  }
0xc: {  	s11 =	sadd.s32 s1, s25;
	s12 =	sadd.s32 s0, s26;
	s13 =	sadd.s32 s1, s5  }
0xd: {  	s14 =	sadd.s32 s0, s2;
	s15 =	sadd.s32 s1, s26;
	s16 =	sadd.s32 s1, s2  }
0xe: {  	s17 =	smax.u32 s3, $0x1;
	s24 =	simm.s32 $0x5;
	s25 =	simm.s32 $0x1  }
0xf: {  	s26 =	simm.s32 $0x1880;
	s1 =	simm.s32 $0x4;
	s5 =	simm.s32 $0x0  }
.LBB2_1:
0x10: {  	s0 =	rddreg [dreg:$0x7]  }
0x11: {  	[tilespmem:s20], [sflag:$0x1] =	stream.strided.gather [hbm4b:s0+s18], $0x5000, s19, s18, $0x38;
	[tilespmem:$0x15900] =	vst v63  }
0x12: {  	_ = 	snop  }
0x13: {  	[tilespmem:s21], [sflag:$0x2] =	stream.strided.gather [hbm4b:s8+s18], $0x5000, s19, s18, $0x38;
	[tilespmem:$0x15900] =	vst v63  }
0x14: {  	s22 =	rddreg [dreg:$0x0]  }
0x15: {  	[tilespmem:s6], [sflag:$0x5] =	stream.linear.gather [hbm4b:s22+s6], $0x500, $0x38;
	[tilespmem:$0x15900] =	vst v63  }
0x16: {  	s23 =	rddreg [dreg:$0x1];
	s2 =	simm.s32 $0x800  }
0x17: {  	[tilespmem:s2], [sflag:$0x5] =	stream.linear.gather [hbm4b:s23+s6], $0x500, $0x38;
	[tilespmem:$0x15900] =	vst v63  }
0x18: {  	s3 =	rddreg [dreg:$0x2]  }
0x19: {  	[tilespmem:s18], [sflag:$0x5] =	stream.linear.gather [hbm4b:s3+s6], $0x500, $0x38;
	[tilespmem:$0x15900] =	vst v63  }
0x1a: {  	s4 =	rddreg [dreg:$0x3];
	s7 =	simm.s32 $0x1800  }
0x1b: {  	[tilespmem:s7], [sflag:$0x5] =	stream.linear.gather [hbm4b:s4+s6], $0x80, $0x38;
	[tilespmem:$0x15900] =	vst v63  }
0x1c: {  	_ =	swait.ge [sflag:s24], $0x500  }
0x1d: {  	[sflag:s24] =	ssyncset.done $0x0  }
0x1e: {  	[sflag:s24] =	ssyncadd.s32 $0xFFFFFB00  }
0x1f: {  	_ =	swait.ge [sflag:s24], $0x500  }
0x20: {  	[sflag:s24] =	ssyncset.done $0x0  }
0x21: {  	[sflag:s24] =	ssyncadd.s32 $0xFFFFFB00  }
0x22: {  	_ =	swait.ge [sflag:s24], $0x500  }
0x23: {  	[sflag:s24] =	ssyncset.done $0x0  }
0x24: {  	[sflag:s24] =	ssyncadd.s32 $0xFFFFFB00  }
0x25: {  	_ =	swait.ge [sflag:s24], $0x80  }
0x26: {  	[sflag:s24] =	ssyncset.done $0x0  }
0x27: {  	[sflag:s24] =	ssyncadd.s32 $0xFFFFFF80  }
0x28: {  	v49 =	vld [tilespmem:$0x1800]  }
0x29: {  	v24 =	vld [tilespmem:$0x0]  }
0x2a: {  	v23 =	vld [tilespmem:$0x800]  }
0x2b: {  	v29 =	vld [tilespmem:$0x1000]  }
0x2c: {  	v30 =	vld [tilespmem:$0x80]  }
0x2d: {  	v28 =	vld [tilespmem:$0x880]  }
0x2e: {  	v34 =	vld [tilespmem:$0x1080]  }
0x2f: {  	v36 =	vld [tilespmem:$0x100]  }
0x30: {  	v32 =	vld [tilespmem:$0x900]  }
0x31: {  	v62 =	vld [tilespmem:$0x1100]  }
0x32: {  	v42 =	vld [tilespmem:$0x180]  }
0x33: {  	v41 =	vld [tilespmem:$0x980]  }
0x34: {  	v57 =	vld [tilespmem:$0x1180]  }
0x35: {  	v55 =	vld [tilespmem:$0x200]  }
0x36: {  	v53 =	vld [tilespmem:$0xA00]  }
0x37: {  	v0 =	vld [tilespmem:$0x1200]  }
0x38: {  	v12 =	vld [tilespmem:$0x1800]  }
0x39: {  	v1 =	vld [tilespmem:$0x10]  }
0x3a: {  	v4 =	vld [tilespmem:$0x1000]  }
0x3b: {  	v3 =	vld [tilespmem:$0x90]  }
0x3c: {  	v2 =	vld [tilespmem:$0x890]  }
0x3d: {  	v6 =	vld [tilespmem:$0x1080]  }
0x3e: {  	v7 =	vld [tilespmem:$0x110]  }
0x3f: {  	v5 =	vld [tilespmem:$0x910]  }
0x40: {  	v9 =	vld [tilespmem:$0x1100]  }
0x41: {  	v10 =	vld [tilespmem:$0x190]  }
0x42: {  	v8 =	vld [tilespmem:$0x990]  }
0x43: {  	v15 =	vld [tilespmem:$0x1180]  }
0x44: {  	v16 =	vld [tilespmem:$0x210]  }
0x45: {  	v14 =	vld [tilespmem:$0xA10]  }
0x46: {  	v21 =	vld [tilespmem:$0x1200]  }
0x47: {  	v22 =	vld [tilespmem:$0x290]  }
0x48: {  	v20 =	vld [tilespmem:$0xA90]  }
0x49: {  	v37 =	vld [tilespmem:$0x1280]  }
0x4a: {  	v33 =	vld [tilespmem:$0x310]  }
0x4b: {  	v31 =	vld [tilespmem:$0xB10]  }
0x4c: {  	v44 =	vld [tilespmem:$0x1300]  }
0x4d: {  	v45 =	vld [tilespmem:$0x390]  }
0x4e: {  	v43 =	vld [tilespmem:$0xB90]  }
0x4f: {  	v59 =	vld [tilespmem:$0x1380]  }
0x50: {  	v60 =	vld [tilespmem:$0x410]  }
0x51: {  	v56 =	vld [tilespmem:$0xC10]  }
0x52: {  	v11 =	vld [tilespmem:$0x1400]  }
0x53: {  	v18 =	vld [tilespmem:$0x490]  }
0x54: {  	v19 =	vld [tilespmem:$0xC90]  }
0x55: {  	v25 =	vld [tilespmem:$0x1480]  }
0x56: {  	v26 =	vld [tilespmem:$0x1800]  }
0x57: {  	v54 =	vld [tilespmem:$0x20]  }
0x58: {  	v48 =	vld [tilespmem:$0x820]  }
0x59: {  	v27 =	vld [tilespmem:$0x1000]  }
0x5a: {  	v35 =	vld [tilespmem:$0xA0]  }
0x5b: {  	v61 =	vld [tilespmem:$0x8A0]  }
0x5c: {  	v38 =	vld [tilespmem:$0x1080]  }
0x5d: {  	v39 =	vld [tilespmem:$0x120]  }
0x5e: {  	v40 =	vld [tilespmem:$0x920]  }
0x5f: {  	v46 =	vld [tilespmem:$0x1100]  }
0x60: {  	v47 =	vld [tilespmem:$0x1A0]  }
0x61: {  	v50 =	vld [tilespmem:$0x9A0]  }
0x62: {  	v51 =	vld [tilespmem:$0x1180]  }
0x63: {  	v52 =	vld [tilespmem:$0x220]  }
0x64: {  	v58 =	vld [tilespmem:$0xA20]  }
0x65: {  	v63 =	vld [tilespmem:$0x1200]  }
0x66: {  	v13 =	vld [tilespmem:$0x2A0]  }
0x67: {  	v17 =	vld [tilespmem:$0xAA0]  }
0x68: {  	[tilespmem:$0x1F910] =	vst v0;
	v0 =	vld [tilespmem:$0x280]  }
0x69: {  	[tilespmem:$0x1FA80] =	vst v18;
	v18 =	vld [tilespmem:$0x1280]  }
0x6a: {  	[tilespmem:$0x1FA90] =	vst v19;
	v19 =	vld [tilespmem:$0x320]  }
0x6b: {  	[tilespmem:$0x1FCA0] =	vst v25;
	v25 =	vld [tilespmem:$0xB20]  }
0x6c: {  	[tilespmem:$0x1FA40] =	vst v26;
	v26 =	vld [tilespmem:$0x1300]  }
0x6d: {  	[tilespmem:$0x1FA20] =	vst v27;
	v27 =	vld [tilespmem:$0x3A0]  }
0x6e: {  	[tilespmem:$0x1FA30] =	vst v35;
	v35 =	vld [tilespmem:$0xBA0]  }
0x6f: {  	[tilespmem:$0x1FA50] =	vst v38;
	v38 =	vld [tilespmem:$0x1380]  }
0x70: {  	[tilespmem:$0x1FA60] =	vst v39;
	v39 =	vld [tilespmem:$0x420]  }
0x71: {  	[tilespmem:$0x1FA70] =	vst v40;
	v40 =	vld [tilespmem:$0xC20]  }
0x72: {  	[tilespmem:$0x1FAA0] =	vst v46;
	v46 =	vld [tilespmem:$0x1400]  }
0x73: {  	[tilespmem:$0x1FAE0] =	vst v52;
	v52 =	vld [tilespmem:$0x2B0]  }
0x74: {  	[tilespmem:$0x1FAF0] =	vst v58;
	v58 =	vld [tilespmem:$0x1280]  }
0x75: {  	[tilespmem:$0x1FAB0] =	vst v47;
	v47 =	vld [tilespmem:$0x4A0]  }
0x76: {  	[tilespmem:$0x1FAC0] =	vst v50;
	v50 =	vld [tilespmem:$0xCA0]  }
0x77: {  	[tilespmem:$0x1F920] =	vst v0;
	v0 =	vld [tilespmem:$0xA80]  }
0x78: {  	[tilespmem:$0x1FB70] =	vst v52;
	v52 =	vld [tilespmem:$0x330]  }
0x79: {  	[tilespmem:$0x1FBB0] =	vst v58;
	v58 =	vld [tilespmem:$0xB30]  }
0x7a: {  	[tilespmem:$0x1FAD0] =	vst v51;
	v51 =	vld [tilespmem:$0x1480]  }
0x7b: {  	[tilespmem:$0x1FB10] =	vst v13;
	v13 =	vld [tilespmem:$0x30]  }
0x7c: {  	[tilespmem:$0x1F930] =	vst v0;
	v0 =	vld [tilespmem:$0x1280]  }
0x7d: {  	[tilespmem:$0x1FBC0] =	vst v52;
	v52 =	vld [tilespmem:$0x1300]  }
0x7e: {  	[tilespmem:$0x1FBD0] =	vst v58;
	v58 =	vld [tilespmem:$0x3B0]  }
0x7f: {  	[tilespmem:$0x1FA10] =	vst v11;
	v11 =	vld [tilespmem:$0x830]  }
0x80: {  	[tilespmem:$0x1FB20] =	vst v17;
	v17 =	vld [tilespmem:$0x8B0]  }
0x81: {  	[tilespmem:$0x1F940] =	vst v0;
	v0 =	vld [tilespmem:$0x300]  }
0x82: {  	[tilespmem:$0x1FC10] =	vst v52;
	v52 =	vld [tilespmem:$0xBB0]  }
0x83: {  	[tilespmem:$0x1FC20] =	vst v58;
	v58 =	vld [tilespmem:$0x1380]  }
0x84: {  	[tilespmem:$0x1FB00] =	vst v63;
	v63 =	vld [tilespmem:$0xAB0]  }
0x85: {  	v23 =	vadd.f32 v23, v24;
	v24 =	vld [tilespmem:$0xA50]  }
0x86: {  	[tilespmem:$0x1F950] =	vst v0;
	v0 =	vld [tilespmem:$0xB00]  }
0x87: {  	[tilespmem:$0x1FC30] =	vst v52;
	v52 =	vld [tilespmem:$0x430]  }
0x88: {  	[tilespmem:$0x1FC70] =	vst v58;
	v58 =	vld [tilespmem:$0xC30]  }
0x89: {  	v2 =	vadd.f32 v2, v3;
	v3 =	vld [tilespmem:$0x350]  }
0x8a: {  	v36 =	vadd.f32 v32, v36;
	v32 =	vld [tilespmem:$0x1480]  }
0x8b: {  	[tilespmem:$0x1F960] =	vst v0;
	v0 =	vld [tilespmem:$0x1300]  }
0x8c: {  	[tilespmem:$0x1FC80] =	vst v52;
	v52 =	vld [tilespmem:$0x1400]  }
0x8d: {  	[tilespmem:$0x1FC90] =	vst v58;
	v58 =	vld [tilespmem:$0x4B0]  }
0x8e: {  	v23 =	vmul.f32 v29, v23;
	v29 =	vld [tilespmem:$0x860]  }
0x8f: {  	[tilespmem:$0x1FBE0] =	vst v38;
	v38 =	vld [tilespmem:$0x1800]  }
0x90: {  	[tilespmem:$0x1F970] =	vst v0;
	v0 =	vld [tilespmem:$0x380]  }
0x91: {  	[tilespmem:$0x1FCC0] =	vst v52;
	v52 =	vld [tilespmem:$0xCB0]  }
0x92: {  	[tilespmem:$0x1FD20] =	vst v58;
	v58 =	vld [tilespmem:$0x1480]  }
0x93: {  	[tilespmem:$0x1FB40] =	vst v19;
	v19 =	vld [tilespmem:$0x1000]  }
0x94: {  	[tilespmem:$0x1FB30] =	vst v18;
	v18 =	vld [tilespmem:$0xB0]  }
0x95: {  	[tilespmem:$0x1F980] =	vst v0;
	v0 =	vld [tilespmem:$0xB80]  }
0x96: {  	[tilespmem:$0x1FD30] =	vst v52;
	v52 =	vld [tilespmem:$0x1800]  }
0x97: {  	[tilespmem:$0x1FD80] =	vst v58;
	v58 =	vld [tilespmem:$0x40]  }
0x98: {  	[tilespmem:$0x1FB80] =	vst v26;
	v26 =	vld [tilespmem:$0x1080]  }
0x99: {  	[tilespmem:$0x1FB90] =	vst v27;
	v27 =	vld [tilespmem:$0x130]  }
0x9a: {  	[tilespmem:$0x1F990] =	vst v0;
	v0 =	vld [tilespmem:$0x1380]  }
0x9b: {  	[tilespmem:$0x1FD40] =	vst v52;
	v52 =	vld [tilespmem:$0x840]  }
0x9c: {  	[tilespmem:$0x1FCD0] =	vst v58;
	v58 =	vld [tilespmem:$0x1000]  }
0x9d: {  	[tilespmem:$0x1FB50] =	vst v25;
	v25 =	vld [tilespmem:$0x930]  }
0x9e: {  	[tilespmem:$0x1FC00] =	vst v40;
	v40 =	vld [tilespmem:$0x1100]  }
0x9f: {  	[tilespmem:$0x1F9A0] =	vst v0;
	v0 =	vld [tilespmem:$0x400]  }
0xa0: {  	[tilespmem:$0x1FCE0] =	vst v52;
	v52 =	vld [tilespmem:$0xC0]  }
0xa1: {  	[tilespmem:$0x1FCF0] =	vst v58;
	v58 =	vld [tilespmem:$0x8C0]  }
0xa2: {  	[tilespmem:$0x1FBF0] =	vst v39;
	v39 =	vld [tilespmem:$0x1B0]  }
0xa3: {  	[tilespmem:$0x1FBA0] =	vst v35;
	v35 =	vld [tilespmem:$0x9B0]  }
0xa4: {  	[tilespmem:$0x1F9B0] =	vst v0;
	v0 =	vld [tilespmem:$0xC00]  }
0xa5: {  	[tilespmem:$0x1FD00] =	vst v52;
	v52 =	vld [tilespmem:$0x1080]  }
0xa6: {  	[tilespmem:$0x1FD10] =	vst v58;
	v58 =	vld [tilespmem:$0x140]  }
0xa7: {  	[tilespmem:$0x1FC60] =	vst v50;
	v50 =	vld [tilespmem:$0x1180]  }
0xa8: {  	[tilespmem:$0x1FCB0] =	vst v51;
	v51 =	vld [tilespmem:$0x230]  }
0xa9: {  	[tilespmem:$0x1F9C0] =	vst v0;
	v0 =	vld [tilespmem:$0x1400]  }
0xaa: {  	[tilespmem:$0x1FD50] =	vst v52;
	v52 =	vld [tilespmem:$0x940]  }
0xab: {  	[tilespmem:$0x1FD60] =	vst v58;
	v58 =	vld [tilespmem:$0x1100]  }
0xac: {  	[tilespmem:$0x1FC40] =	vst v46;
	v46 =	vld [tilespmem:$0xA30]  }
0xad: {  	[tilespmem:$0x1FC50] =	vst v47;
	v47 =	vld [tilespmem:$0x1200]  }
0xae: {  	[tilespmem:$0x1F9D0] =	vst v0;
	v0 =	vld [tilespmem:$0x480]  }
0xaf: {  	[tilespmem:$0x1FD70] =	vst v52;
	v52 =	vld [tilespmem:$0x1C0]  }
0xb0: {  	[tilespmem:$0x1FDC0] =	vst v58;
	v58 =	vld [tilespmem:$0x9C0]  }
0xb1: {  	[tilespmem:$0x1FED0] =	vst v24;
	v24 =	vld [tilespmem:$0x1200]  }
0xb2: {  	[tilespmem:$0x1FF80] =	vst v3;
	v3 =	vmul.f32 v62, v36;
	v62 =	vld [tilespmem:$0x1300]  }
0xb3: {  	[tilespmem:$0x1F9E0] =	vst v0;
	v0 =	vld [tilespmem:$0xC80]  }
0xb4: {  	[tilespmem:$0x1FDD0] =	vst v52;
	v52 =	vld [tilespmem:$0x1180]  }
0xb5: {  	[tilespmem:$0x1FDE0] =	vst v58;
	v58 =	vld [tilespmem:$0x240]  }
0xb6: {  	v36 =	vld [tilespmem:$0xBD0]  }
0xb7: {  	[tilespmem:$0x1FB60] =	vst v47;
	v47 =	vld [tilespmem:$0x850]  }
0xb8: {  	[tilespmem:$0x1F9F0] =	vst v0;
	v0 =	vld [tilespmem:$0x1480]  }
0xb9: {  	[tilespmem:$0x1FE30] =	vst v52;
	v52 =	vld [tilespmem:$0xA40]  }
0xba: {  	[tilespmem:$0x1FE40] =	vst v58;
	v58 =	vld [tilespmem:$0x1200]  }
0xbb: {  	[tilespmem:$0x1FF10] =	vst v24;
	v24 =	vadd.f32 v28, v30;
	v28 =	vld [tilespmem:$0x2D0]  }
0xbc: {  	v30 =	vld [tilespmem:$0x1400]  }
0xbd: {  	[tilespmem:$0x1FA00] =	vst v0;
	v0 =	vld [tilespmem:$0x810]  }
0xbe: {  	[tilespmem:$0x1FE50] =	vst v52;
	v52 =	vld [tilespmem:$0x2C0]  }
0xbf: {  	[tilespmem:$0x1FE90] =	vst v58;
	v58 =	vld [tilespmem:$0xAC0]  }
0xc0: {  	v2 =	vmul.f32 v6, v2;
	v6 =	vld [tilespmem:$0x1F930]  }
0xc1: {  	v34 =	vmul.f32 v34, v24;
	v24 =	vld [tilespmem:$0x8E0]  }
0xc2: {  	[tilespmem:$0x1FF20] =	vst v28;
	v28 =	vld [tilespmem:$0xE0]  }
0xc3: {  	[tilespmem:$0x1FEA0] =	vst v52;
	v52 =	vld [tilespmem:$0x1280]  }
0xc4: {  	[tilespmem:$0x1FEB0] =	vst v58;
	v58 =	vld [tilespmem:$0x340];
	v0 =	vadd.f32 v0, v1  }
0xc5: {  	v1 =	vld [tilespmem:$0xAD0]  }
0xc6: {  	v0 =	vmul.f32 v4, v0;
	v4 =	vadd.f32 v41, v42;
	v42 =	vld [tilespmem:$0x450]  }
0xc7: {  	v41 =	vld [tilespmem:$0x4D0]  }
0xc8: {  	[tilespmem:$0x1FEE0] =	vst v52;
	v52 =	vld [tilespmem:$0xB40]  }
0xc9: {  	v5 =	vadd.f32 v5, v7;
	[tilespmem:$0x1FEF0] =	vst v58;
	v58 =	vld [tilespmem:$0x1300]  }
0xca: {  	v0 =	vadd.f32 v0, v12;
	[tilespmem:$0x1FF30] =	vst v1;
	v1 =	vadd.f32 v23, v49;
	v49 =	vld [tilespmem:$0x1280]  }
0xcb: {  	v23 =	vld [tilespmem:$0x60]  }
0xcc: {  	v0 =	vadd.f32 v2, v0;
	v2 =	vmul.f32 v9, v5;
	v9 =	vld [tilespmem:$0xC50]  }
0xcd: {  	v5 =	vadd.f32 v8, v10;
	v8 =	vld [tilespmem:$0x1FA90];
	v1 =	vadd.f32 v34, v1  }
0xce: {  	v34 =	vld [tilespmem:$0x3D0]  }
0xcf: {  	v1 =	vadd.f32 v3, v1;
	v3 =	vmul.f32 v57, v4;
	v4 =	vadd.f32 v53, v55;
	v55 =	vld [tilespmem:$0x1380]  }
0xd0: {  	v53 =	vld [tilespmem:$0xCD0]  }
0xd1: {  	v57 =	vadd.f32 v25, v27;
	v25 =	vadd.f32 v46, v51;
	v46 =	vld [tilespmem:$0x1FBA0]  }
0xd2: {  	[tilespmem:$0x1FF00] =	vst v52;
	v52 =	vld [tilespmem:$0x3C0]  }
0xd3: {  	v0 =	vadd.f32 v2, v0;
	v2 =	vmul.f32 v15, v5;
	v5 =	vadd.f32 v14, v16;
	[tilespmem:$0x1FF40] =	vst v58;
	v58 =	vld [tilespmem:$0xBC0]  }
0xd4: {  	[tilespmem:$0x1FF70] =	vst v49;
	v49 =	vld [tilespmem:$0xB50]  }
0xd5: {  	v0 =	vadd.f32 v2, v0;
	v2 =	vmul.f32 v21, v5;
	v21 =	vld [tilespmem:$0x160]  }
0xd6: {  	v5 =	vadd.f32 v20, v22;
	v20 =	vld [tilespmem:$0x1FB20]  }
0xd7: {  	v23 =	vadd.f32 v29, v23;
	v29 =	vld [tilespmem:$0x1200]  }
0xd8: {  	v1 =	vadd.f32 v3, v1;
	v3 =	vld [tilespmem:$0x1F910]  }
0xd9: {  	v9 =	vadd.f32 v9, v42;
	v42 =	vld [tilespmem:$0x270]  }
0xda: {  	v0 =	vadd.f32 v2, v0;
	v2 =	vmul.f32 v37, v5;
	v5 =	vadd.f32 v31, v33;
	v31 =	vld [tilespmem:$0x1800]  }
0xdb: {  	[tilespmem:$0x1FF60] =	vst v58;
	v58 =	vld [tilespmem:$0x440]  }
0xdc: {  	v37 =	vld [tilespmem:$0x1FB50]  }
0xdd: {  	v3 =	vmul.f32 v3, v4;
	v4 =	vld [tilespmem:$0x1F920]  }
0xde: {  	v34 =	vadd.f32 v36, v34;
	v36 =	vld [tilespmem:$0x9F0]  }
0xdf: {  	v1 =	vadd.f32 v3, v1;
	v3 =	vld [tilespmem:$0x1F940]  }
0xe0: {  	[tilespmem:$0x1FFA0] =	vst v58;
	v58 =	vld [tilespmem:$0x1400]  }
0xe1: {  	v0 =	vadd.f32 v2, v0;
	v2 =	vmul.f32 v44, v5;
	v44 =	vld [tilespmem:$0x1FB80]  }
0xe2: {  	[tilespmem:$0x1FF50] =	vst v52;
	v52 =	vld [tilespmem:$0x1380];
	v4 =	vadd.f32 v6, v4  }
0xe3: {  	v5 =	vadd.f32 v43, v45;
	v6 =	vld [tilespmem:$0x1F960]  }
0xe4: {  	v3 =	vmul.f32 v3, v4;
	v4 =	vld [tilespmem:$0x1F950]  }
0xe5: {  	v0 =	vadd.f32 v2, v0;
	v2 =	vmul.f32 v59, v5;
	[tilespmem:$0x1FFC0] =	vst v58;
	v58 =	vld [tilespmem:$0xCC0]  }
0xe6: {  	v1 =	vadd.f32 v3, v1;
	v3 =	vld [tilespmem:$0x1F970]  }
0xe7: {  	v0 =	vadd.f32 v2, v0;
	v2 =	vld [tilespmem:$0x1FA10]  }
0xe8: {  	[tilespmem:$0x1FF90] =	vst v52;
	v52 =	vld [tilespmem:$0xC40]  }
0xe9: {  	v4 =	vadd.f32 v6, v4;
	v6 =	vld [tilespmem:$0x1F990]  }
0xea: {  	[tilespmem:$0x1FFE0] =	vst v58;
	v58 =	vld [tilespmem:$0x1800]  }
0xeb: {  	v3 =	vmul.f32 v3, v4;
	v4 =	vld [tilespmem:$0x1F980]  }
0xec: {  	v45 =	vld [tilespmem:$0x1FB90];
	v5 =	vadd.f32 v56, v60  }
0xed: {  	v1 =	vadd.f32 v3, v1;
	v3 =	vld [tilespmem:$0x1F9A0]  }
0xee: {  	v2 =	vmul.f32 v2, v5;
	v5 =	vld [tilespmem:$0x1FA70]  }
0xef: {  	[tilespmem:$0x1FFB0] =	vst v52;
	v52 =	vld [tilespmem:$0x4C0]  }
0xf0: {  	[tilespmem:$0x1FDF0] =	vst v58;
	v58 =	vld [tilespmem:$0x1000];
	v4 =	vadd.f32 v6, v4  }
0xf1: {  	v6 =	vld [tilespmem:$0x1F9C0]  }
0xf2: {  	v3 =	vmul.f32 v3, v4;
	v4 =	vld [tilespmem:$0x1F9B0]  }
0xf3: {  	v7 =	vadd.f32 v2, v0;
	v2 =	vld [tilespmem:$0x1FA40]  }
0xf4: {  	v1 =	vadd.f32 v3, v1;
	v3 =	vld [tilespmem:$0x1F9D0]  }
0xf5: {  	[tilespmem:$0x1FD90] =	vst v58;
	v58 =	vld [tilespmem:$0xD0]  }
0xf6: {  	v0 =	vadd.f32 v11, v13;
	v13 =	vmul.f32 v40, v57;
	v40 =	vld [tilespmem:$0x1FB70]  }
0xf7: {  	[tilespmem:$0x1FFD0] =	vst v52;
	v52 =	vld [tilespmem:$0x1480];
	v4 =	vadd.f32 v6, v4  }
0xf8: {  	v6 =	vld [tilespmem:$0x1F9F0]  }
0xf9: {  	v3 =	vmul.f32 v3, v4;
	v4 =	vld [tilespmem:$0x1F9E0]  }
0xfa: {  	[tilespmem:$0x1FDA0] =	vst v58;
	v58 =	vld [tilespmem:$0x8D0]  }
0xfb: {  	v57 =	vld [tilespmem:$0x1FBE0]  }
0xfc: {  	v3 =	vadd.f32 v3, v1;
	v1 =	vld [tilespmem:$0x1FA00]  }
0xfd: {  	v43 =	vadd.f32 v63, v40;
	v40 =	vld [tilespmem:$0x1FC40]  }
0xfe: {  	[tilespmem:$0x1FFF0] =	vst v52;
	v52 =	vld [tilespmem:$0x50]  }
0xff: {  	v4 =	vadd.f32 v6, v4;
	[tilespmem:$0x1FDB0] =	vst v58;
	v58 =	vld [tilespmem:$0x1080]  }
0x100: {  	v6 =	vadd.f32 v48, v54;
	v48 =	vadd.f32 v46, v45;
	v45 =	vld [tilespmem:$0x1FC70]  }
0x101: {  	v46 =	vld [tilespmem:$0x1FC80];
	v4 =	vmul.f32 v1, v4  }
0x102: {  	v1 =	vld [tilespmem:$0x1000]  }
0x103: {  	v54 =	vadd.f32 v17, v18;
	v33 =	vadd.f32 v4, v3;
	v3 =	vld [tilespmem:$0x1FA20]  }
0x104: {  	[tilespmem:$0x1FE00] =	vst v58;
	v58 =	vld [tilespmem:$0x150]  }
0x105: {  	v11 =	vmul.f32 v26, v54;
	v26 =	vld [tilespmem:$0x1FB30]  }
0x106: {  	v4 =	vld [tilespmem:$0x1FA30]  }
0x107: {  	v54 =	vld [tilespmem:$0x1FBC0]  }
0x108: {  	v3 =	vmul.f32 v3, v6;
	v6 =	vld [tilespmem:$0x1080]  }
0x109: {  	[tilespmem:$0x1FE10] =	vst v58;
	v58 =	vld [tilespmem:$0x950]  }
0x10a: {  	v3 =	vadd.f32 v3, v2;
	v2 =	vld [tilespmem:$0x1FA50]  }
0x10b: {  	v4 =	vadd.f32 v61, v4;
	v61 =	vadd.f32 v35, v39;
	v35 =	vld [tilespmem:$0x1FB40]  }
0x10c: {  	v39 =	vld [tilespmem:$0x1FB60]  }
0x10d: {  	v16 =	vmul.f32 v50, v61;
	v50 =	vld [tilespmem:$0x1FBB0]  }
0x10e: {  	[tilespmem:$0x1FE20] =	vst v58;
	v58 =	vld [tilespmem:$0x1100]  }
0x10f: {  	v4 =	vmul.f32 v2, v4;
	v2 =	vld [tilespmem:$0x1FA60]  }
0x110: {  	v61 =	vld [tilespmem:$0x1FC00]  }
0x111: {  	v17 =	vadd.f32 v37, v35;
	v35 =	vld [tilespmem:$0x1FC10]  }
0x112: {  	v18 =	vmul.f32 v39, v25;
	v39 =	vld [tilespmem:$0x1FC30]  }
0x113: {  	[tilespmem:$0x1FE60] =	vst v58;
	v58 =	vld [tilespmem:$0x1D0]  }
0x114: {  	v5 =	vadd.f32 v5, v2;
	v2 =	vld [tilespmem:$0x1FA80]  }
0x115: {  	v51 =	vmul.f32 v50, v43;
	v43 =	vld [tilespmem:$0x1FC50]  }
0x116: {  	v17 =	vmul.f32 v44, v17;
	v44 =	vld [tilespmem:$0x1FC60]  }
0x117: {  	v50 =	vld [tilespmem:$0x1FCA0]  }
0x118: {  	v3 =	vadd.f32 v4, v3;
	v4 =	vld [tilespmem:$0x1FAC0]  }
0x119: {  	[tilespmem:$0x1FE70] =	vst v58;
	v58 =	vld [tilespmem:$0x9D0];
	v10 =	vadd.f32 v8, v2;
	v8 =	vmul.f32 v19, v0  }
0x11a: {  	v0 =	vld [tilespmem:$0x1FAA0]  }
0x11b: {  	v2 =	vld [tilespmem:$0x960];
	v8 =	vadd.f32 v8, v38  }
0x11c: {  	v10 =	vmul.f32 v50, v10;
	v50 =	vld [tilespmem:$0x1FD20]  }
0x11d: {  	v11 =	vadd.f32 v11, v8;
	v8 =	vld [tilespmem:$0x1FB00]  }
0x11e: {  	[tilespmem:$0x1FE80] =	vst v58;
	v58 =	vld [tilespmem:$0x1180]  }
0x11f: {  	v5 =	vmul.f32 v0, v5;
	v0 =	vld [tilespmem:$0x1FAB0]  }
0x120: {  	v13 =	vadd.f32 v13, v11;
	v11 =	vld [tilespmem:$0x1200]  }
0x121: {  	v59 =	vadd.f32 v5, v3;
	v3 =	vld [tilespmem:$0x1FAD0]  }
0x122: {  	v5 =	vld [tilespmem:$0x1FAF0]  }
0x123: {  	v38 =	vadd.f32 v16, v13;
	v13 =	vld [tilespmem:$0x2E0]  }
0x124: {  	v16 =	vld [tilespmem:$0xAE0]  }
0x125: {  	[tilespmem:$0x1FEC0] =	vst v58;
	v58 =	vld [tilespmem:$0x250]  }
0x126: {  	v56 =	vadd.f32 v4, v0;
	v0 =	vld [tilespmem:$0x1100]  }
0x127: {  	v4 =	vld [tilespmem:$0x1E0]  }
0x128: {  	v12 =	vmul.f32 v3, v56;
	v3 =	vld [tilespmem:$0x1FAE0]  }
0x129: {  	v18 =	vadd.f32 v18, v38;
	v38 =	vld [tilespmem:$0x1FC20]  }
0x12a: {  	v56 =	vld [tilespmem:$0x1FBD0]  }
0x12b: {  	v18 =	vadd.f32 v51, v18;
	v51 =	vld [tilespmem:$0x1FCB0]  }
0x12c: {  	v14 =	vadd.f32 v12, v59;
	v12 =	vld [tilespmem:$0xA60]  }
0x12d: {  	v59 =	vmul.f32 v57, v48;
	v48 =	vld [tilespmem:$0x1FC90];
	v60 =	vadd.f32 v5, v3  }
0x12e: {  	v3 =	vld [tilespmem:$0x9E0]  }
0x12f: {  	v15 =	vmul.f32 v8, v60;
	v8 =	vld [tilespmem:$0x1FB10]  }
0x130: {  	v57 =	vld [tilespmem:$0x1FCD0]  }
0x131: {  	v2 =	vadd.f32 v2, v21;
	v60 =	vld [tilespmem:$0x1FBF0]  }
0x132: {  	v5 =	vld [tilespmem:$0x1180]  }
0x133: {  	v0 =	vmul.f32 v0, v2;
	v2 =	vadd.f32 v3, v4;
	v3 =	vld [tilespmem:$0x1300]  }
0x134: {  	v22 =	vadd.f32 v20, v8;
	v8 =	vld [tilespmem:$0x260]  }
0x135: {  	v20 =	vadd.f32 v56, v54;
	v56 =	vld [tilespmem:$0x1FCC0]  }
0x136: {  	v63 =	vadd.f32 v61, v60;
	v61 =	vld [tilespmem:$0x1FCF0]  }
0x137: {  	v14 =	vadd.f32 v15, v14;
	v27 =	vmul.f32 v26, v22;
	v22 =	vld [tilespmem:$0x360]  }
0x138: {  	v37 =	vmul.f32 v35, v20;
	v20 =	vadd.f32 v39, v38;
	v35 =	vadd.f32 v48, v46;
	v46 =	vld [tilespmem:$0x1FD10]  }
0x139: {  	v15 =	vadd.f32 v27, v14;
	v14 =	vld [tilespmem:$0x1280]  }
0x13a: {  	v19 =	vmul.f32 v45, v20;
	v20 =	vld [tilespmem:$0x3E0]  }
0x13b: {  	v45 =	vld [tilespmem:$0x1FD00]  }
0x13c: {  	v18 =	vadd.f32 v37, v18;
	v37 =	vld [tilespmem:$0xCE0]  }
0x13d: {  	v35 =	vmul.f32 v56, v35;
	v56 =	vld [tilespmem:$0x1FD40]  }
0x13e: {  	v15 =	vadd.f32 v17, v15;
	v17 =	vld [tilespmem:$0xB60]  }
0x13f: {  	v27 =	vadd.f32 v44, v43;
	v54 =	vadd.f32 v19, v18;
	v18 =	vld [tilespmem:$0x1380]  }
0x140: {  	v19 =	vld [tilespmem:$0x460]  }
0x141: {  	v27 =	vmul.f32 v51, v27;
	v51 =	vld [tilespmem:$0x1FD30]  }
0x142: {  	v25 =	vadd.f32 v59, v15;
	v15 =	vld [tilespmem:$0x1300]  }
0x143: {  	v59 =	vld [tilespmem:$0x1FCE0]  }
0x144: {  	v39 =	vadd.f32 v35, v54;
	v35 =	vld [tilespmem:$0xC60]  }
0x145: {  	v54 =	vadd.f32 v47, v52;
	v47 =	vld [tilespmem:$0x1FD90]  }
0x146: {  	v26 =	vmul.f32 v40, v63;
	v52 =	vld [tilespmem:$0x1FDD0]  }
0x147: {  	v48 =	vadd.f32 v46, v45;
	v46 =	vld [tilespmem:$0x1FD80]  }
0x148: {  	v25 =	vadd.f32 v26, v25;
	v26 =	vld [tilespmem:$0xBE0]  }
0x149: {  	v38 =	vadd.f32 v51, v50;
	v50 =	vld [tilespmem:$0x1FDB0]  }
0x14a: {  	v51 =	vld [tilespmem:$0x1FDC0]  }
0x14b: {  	v60 =	vadd.f32 v59, v57;
	v57 =	vld [tilespmem:$0x1FD50]  }
0x14c: {  	v40 =	vmul.f32 v47, v54;
	v54 =	vld [tilespmem:$0x1FDE0]  }
0x14d: {  	v63 =	vmul.f32 v61, v60;
	v60 =	vld [tilespmem:$0x1FD60]  }
0x14e: {  	v61 =	vld [tilespmem:$0x1FD70]  }
0x14f: {  	v7 =	vadd.f32 v10, v7;
	v10 =	vadd.f32 v27, v25;
	v25 =	vld [tilespmem:$0x1400]  }
0x150: {  	v43 =	vadd.f32 v63, v56;
	v59 =	vmul.f32 v57, v48;
	v48 =	vld [tilespmem:$0x1FDA0]  }
0x151: {  	v45 =	vadd.f32 v54, v52;
	v54 =	vld [tilespmem:$0x1FE50]  }
0x152: {  	v43 =	vadd.f32 v59, v43;
	v59 =	vld [tilespmem:$0x1FE10]  }
0x153: {  	v63 =	vadd.f32 v61, v60;
	v60 =	vld [tilespmem:$0x1FE20]  }
0x154: {  	v61 =	vld [tilespmem:$0x1FE30]  }
0x155: {  	v44 =	vmul.f32 v51, v63;
	v63 =	vld [tilespmem:$0x1FE40]  }
0x156: {  	v56 =	vld [tilespmem:$0x1FDF0]  }
0x157: {  	v57 =	vld [tilespmem:$0x1FE00]  }
0x158: {  	v38 =	vmul.f32 v46, v38;
	v46 =	vadd.f32 v50, v48;
	v48 =	vadd.f32 v60, v59;
	v60 =	vld [tilespmem:$0x1FE90]  }
0x159: {  	v43 =	vadd.f32 v44, v43;
	v44 =	vmul.f32 v61, v45;
	v61 =	vld [tilespmem:$0x1FEA0]  }
0x15a: {  	v45 =	vadd.f32 v54, v63;
	v63 =	vld [tilespmem:$0x1FEB0]  }
0x15b: {  	v40 =	vadd.f32 v40, v56;
	v56 =	vld [tilespmem:$0x1FE60]  }
0x15c: {  	v46 =	vmul.f32 v57, v46;
	v57 =	vld [tilespmem:$0x1FE70]  }
0x15d: {  	v59 =	vld [tilespmem:$0x1FE80]  }
0x15e: {  	v43 =	vadd.f32 v44, v43;
	v44 =	vmul.f32 v60, v45;
	v60 =	vld [tilespmem:$0x1FEE0]  }
0x15f: {  	v45 =	vadd.f32 v63, v61;
	v61 =	vld [tilespmem:$0x1FEF0]  }
0x160: {  	v63 =	vld [tilespmem:$0x1FF00]  }
0x161: {  	v27 =	vld [tilespmem:$0x4E0]  }
0x162: {  	v40 =	vadd.f32 v46, v40;
	v46 =	vmul.f32 v56, v48;
	v48 =	vadd.f32 v59, v57;
	v57 =	vld [tilespmem:$0x1FEC0]  }
0x163: {  	v59 =	vld [tilespmem:$0x1FED0]  }
0x164: {  	v43 =	vadd.f32 v44, v43;
	v44 =	vmul.f32 v60, v45;
	v60 =	vld [tilespmem:$0x1FF10]  }
0x165: {  	v45 =	vadd.f32 v63, v61;
	v61 =	vld [tilespmem:$0x1FF20]  }
0x166: {  	v63 =	vld [tilespmem:$0x1FF30]  }
0x167: {  	v47 =	vld [tilespmem:$0x1800]  }
0x168: {  	v52 =	vld [tilespmem:$0x1000];
	v40 =	vadd.f32 v46, v40;
	v46 =	vmul.f32 v57, v48;
	v48 =	vadd.f32 v59, v58  }
0x169: {  	v59 =	vld [tilespmem:$0x1FF40]  }
0x16a: {  	v40 =	vadd.f32 v46, v40;
	v46 =	vmul.f32 v60, v48;
	v60 =	vld [tilespmem:$0x1FF50]  }
0x16b: {  	v48 =	vadd.f32 v63, v61;
	v61 =	vld [tilespmem:$0x1FF60]  }
0x16c: {  	v51 =	vld [tilespmem:$0x870]  }
0x16d: {  	v50 =	vld [tilespmem:$0x70]  }
0x16e: {  	v54 =	vld [tilespmem:$0xF0]  }
0x16f: {  	v63 =	vld [tilespmem:$0x1FF70]  }
0x170: {  	v43 =	vadd.f32 v44, v43;
	v44 =	vmul.f32 v59, v45;
	v45 =	vadd.f32 v61, v60;
	v61 =	vld [tilespmem:$0x1FF90]  }
0x171: {  	v60 =	vld [tilespmem:$0x1FF80]  }
0x172: {  	v56 =	vld [tilespmem:$0x8F0]  }
0x173: {  	v34 =	vmul.f32 v55, v34;
	v55 =	vadd.f32 v51, v50;
	v50 =	vld [tilespmem:$0x370]  }
0x174: {  	v57 =	vld [tilespmem:$0x1080]  }
0x175: {  	v43 =	vadd.f32 v44, v43;
	v44 =	vmul.f32 v61, v45;
	v45 =	vld [tilespmem:$0x1FFA0]  }
0x176: {  	v40 =	vadd.f32 v46, v40;
	v46 =	vmul.f32 v63, v48;
	v48 =	vadd.f32 v49, v60;
	v60 =	vld [tilespmem:$0x1FFB0]  }
0x177: {  	v58 =	vld [tilespmem:$0x170]  }
0x178: {  	v61 =	vld [tilespmem:$0x1FFC0]  }
0x179: {  	v59 =	vld [tilespmem:$0x970]  }
0x17a: {  	v40 =	vadd.f32 v46, v40;
	v46 =	vadd.f32 v56, v54;
	v54 =	vld [tilespmem:$0xB70];
	v63 =	vmul.f32 v62, v48  }
0x17b: {  	v62 =	vld [tilespmem:$0x1FFD0];
	v45 =	vadd.f32 v60, v45  }
0x17c: {  	v40 =	vadd.f32 v63, v40;
	v63 =	vld [tilespmem:$0x1FFE0]  }
0x17d: {  	v56 =	vld [tilespmem:$0x3F0];
	v48 =	vadd.f32 v44, v43;
	v43 =	vmul.f32 v61, v45  }
0x17e: {  	v49 =	vld [tilespmem:$0x1100]  }
0x17f: {  	v1 =	vmul.f32 v1, v23;
	v38 =	vadd.f32 v38, v39;
	v39 =	vadd.f32 v43, v48;
	v48 =	vld [tilespmem:$0x1FFF0]  }
0x180: {  	v9 =	vmul.f32 v30, v9;
	v53 =	vadd.f32 v53, v41;
	v60 =	vld [tilespmem:$0x1F0];
	v61 =	vadd.f32 v24, v28  }
0x181: {  	v1 =	vadd.f32 v1, v31;
	v44 =	vld [tilespmem:$0x1180];
	v43 =	vadd.f32 v63, v62;
	v63 =	vmul.f32 v52, v55  }
0x182: {  	v34 =	vadd.f32 v34, v40;
	v45 =	vld [tilespmem:$0xA70];
	v28 =	vmul.f32 v32, v53;
	v6 =	vmul.f32 v6, v61  }
0x183: {  	v53 =	vadd.f32 v59, v58;
	v62 =	vld [tilespmem:$0xAF0];
	v52 =	vmul.f32 v57, v46;
	v51 =	vadd.f32 v63, v47  }
0x184: {  	v9 =	vadd.f32 v9, v34;
	v1 =	vadd.f32 v6, v1;
	v30 =	vmul.f32 v48, v43;
	v43 =	vld [tilespmem:$0x2F0]  }
0x185: {  	v58 =	vld [tilespmem:$0x470];
	v55 =	vadd.f32 v36, v60;
	v6 =	vmul.f32 v49, v53;
	v4 =	vadd.f32 v52, v51  }
0x186: {  	v0 =	vadd.f32 v0, v1;
	v1 =	vmul.f32 v5, v2;
	v2 =	vadd.f32 v12, v8;
	v48 =	vld [tilespmem:$0x1280]  }
0x187: {  	v59 =	vld [tilespmem:$0xC70];
	v8 =	vadd.f32 v45, v42;
	v4 =	vadd.f32 v6, v4;
	v6 =	vmul.f32 v44, v55  }
0x188: {  	v5 =	vld [tilespmem:$0xBF0];
	v0 =	vadd.f32 v1, v0;
	v1 =	vmul.f32 v11, v2;
	v2 =	vadd.f32 v16, v13  }
0x189: {  	v57 =	vld [tilespmem:$0x1380];
	v4 =	vadd.f32 v6, v4;
	v6 =	vmul.f32 v29, v8;
	v8 =	vadd.f32 v62, v43  }
0x18a: {  	v61 =	vld [tilespmem:$0x4F0];
	v0 =	vadd.f32 v1, v0;
	v1 =	vmul.f32 v14, v2;
	v2 =	vadd.f32 v17, v22  }
0x18b: {  	v60 =	vld [tilespmem:$0x1400];
	v4 =	vadd.f32 v6, v4;
	v6 =	vmul.f32 v48, v8;
	v8 =	vadd.f32 v54, v50  }
0x18c: {  	v0 =	vadd.f32 v1, v0;
	v1 =	vmul.f32 v15, v2;
	v2 =	vadd.f32 v26, v20;
	v62 =	vld [tilespmem:$0xCF0]  }
0x18d: {  	v5 =	vadd.f32 v5, v56;
	v4 =	vadd.f32 v6, v4;
	v3 =	vmul.f32 v3, v8;
	v6 =	vld [tilespmem:$0x1480]  }
0x18e: {  	v0 =	vadd.f32 v1, v0;
	v1 =	vmul.f32 v18, v2;
	v2 =	vadd.f32 v35, v19;
	v8 =	vld [tilespmem:$0x1480]  }
0x18f: {  	v3 =	vadd.f32 v3, v4;
	v4 =	vmul.f32 v57, v5;
	v5 =	vadd.f32 v59, v58  }
0x190: {  	[tilespmem:$0x1880] =	vst v33;
	v0 =	vadd.f32 v1, v0;
	v1 =	vmul.f32 v25, v2;
	v2 =	vadd.f32 v37, v27  }
0x191: {  	[tilespmem:$0x1890] =	vst v7;
	v3 =	vadd.f32 v4, v3;
	v4 =	vmul.f32 v60, v5;
	v5 =	vadd.f32 v62, v61  }
0x192: {  	[tilespmem:$0x18A0] =	vst v10;
	v7 =	vadd.f32 v30, v39;
	v0 =	vadd.f32 v1, v0;
	v1 =	vmul.f32 v6, v2  }
0x193: {  	[tilespmem:$0x18B0] =	vst v38;
	v2 =	vadd.f32 v28, v9;
	v3 =	vadd.f32 v4, v3;
	v4 =	vmul.f32 v8, v5  }
0x194: {  	[tilespmem:$0x18C0] =	vst v7;
	v0 =	vadd.f32 v1, v0  }
0x195: {  	[tilespmem:$0x18D0] =	vst v2;
	v1 =	vadd.f32 v4, v3  }
0x196: {  	[tilespmem:$0x18E0] =	vst v0  }
0x197: {  	s2 =	simm.s32 $0x0;
	[tilespmem:$0x18F0] =	vst v1  }
0x198: {  	s22 =	sand.u32 $0x7000, s2;
	s3 =	sand.u32 $0xC00, s6;
	_ =	swait.ge [sflag:s25], $0x5000  }
0x199: {  	s23 =	sand.u32 $0x380, s6;
	s0 =	sor.u32 s22, s3;
	[sflag:s25] =	ssyncset.done $0x0  }
0x19a: {  	s0 =	sor.u32 s23, s0;
	[sflag:s25] =	ssyncadd.s32 $0xFFFFB000  }
0x19b: {  	v2 =	vld [tilespmem:s0+$0x1970]  }
0x19c: {  	v3 =	vld [tilespmem:s0+$0x1900]  }
0x19d: {  	v8 =	vld [tilespmem:s0+$0x1910]  }
0x19e: {  	v63 =	vld [tilespmem:s0+$0x1920]  }
0x19f: {  	v6 =	vld [tilespmem:s0+$0x1930]  }
0x1a0: {  	v4 =	vld [tilespmem:s0+$0x1940]  }
0x1a1: {  	v1 =	vld [tilespmem:s0+$0x1950]  }
0x1a2: {  	v0 =	vld [tilespmem:s0+$0x1960]  }
0x1a3: {  	v7 =	vld.idx.msk [tilespmem:v2+s26+$0x0], $0xffff  }
0x1a4: {  	v5 =	vld.idx.msk [tilespmem:v3+s26+$0x0], $0xffff  }
0x1a5: {  	v3 =	vld.idx.msk [tilespmem:v8+s26+$0x0], $0xffff  }
0x1a6: {  	s3 =	simm.s32 $0x0;
	s4 =	simm.s32 $0x0;
	v2 =	vld.idx.msk [tilespmem:v63+s26+$0x0], $0xffff  }
.LBB2_2:
0x1a7: {  	s2 =	sadd.s32 $0x80, s2;
	v6 =	vld.idx.msk [tilespmem:v6+s26+$0x0], $0xffff;
	s3 =	sadd.s32 $0x400, s3  }
0x1a8: {  	s4 =	sadd.s32 $0x20, s4;
	s22 =	sand.u32 $0x7000, s2;
	s23 =	sand.u32 $0xC00, s3;
	v4 =	vld.idx.msk [tilespmem:v4+s26+$0x0], $0xffff  }
0x1a9: {  	p0 =	slt.u32 s2, $0x4F80;
	s22 =	sor.u32 s22, s23;
	s23 =	sand.u32 $0x380, s4;
	v1 =	vld.idx.msk [tilespmem:v1+s26+$0x0], $0xffff;
	[tilespmem:s0+$0xB970] =	vst v7  }
0x1aa: {  	s22 =	sor.u32 s23, s22;
	[tilespmem:s0+$0xB900] =	vst v5;
	v0 =	vld.idx.msk [tilespmem:v0+s26+$0x0], $0xffff  }
0x1ab: {  	v5 =	vld [tilespmem:s22+$0x1970];
	[tilespmem:s0+$0xB910] =	vst v3  }
0x1ac: {  	v3 =	vld [tilespmem:s22+$0x1900];
	[tilespmem:s0+$0xB920] =	vst v2  }
0x1ad: {  	v2 =	vld [tilespmem:s22+$0x1910];
	[tilespmem:s0+$0xB930] =	vst v6  }
0x1ae: {  	v8 =	vld [tilespmem:s22+$0x1920];
	[tilespmem:s0+$0xB940] =	vst v4  }
0x1af: {  	v6 =	vld [tilespmem:s22+$0x1930];
	[tilespmem:s0+$0xB950] =	vst v1  }
0x1b0: {  	v4 =	vld [tilespmem:s22+$0x1940];
	[tilespmem:s0+$0xB960] =	vst v0;
	s0 =	smov.u32 s22  }
0x1b1: {  	v1 =	vld [tilespmem:s0+$0x1950]  }
.Ltmp0:
0x1b2: {  	v0 =	vld [tilespmem:s0+$0x1960];
	(pc) =	sbr.rel @p0 .LBB2_2-.Ltmp0, $4  }
0x1b3: {  	v7 =	vld.idx.msk [tilespmem:v5+s26+$0x0], $0xffff  }
0x1b4: {  	v5 =	vld.idx.msk [tilespmem:v3+s26+$0x0], $0xffff  }
0x1b5: {  	v3 =	vld.idx.msk [tilespmem:v2+s26+$0x0], $0xffff  }
0x1b6: {  	v2 =	vld.idx.msk [tilespmem:v8+s26+$0x0], $0xffff  }
0x1b7: {  	_ =	sdelay $0x3  }
0x1b8: {  	v6 =	vld.idx.msk [tilespmem:v6+s26+$0x0], $0xffff  }
0x1b9: {  	v4 =	vld.idx.msk [tilespmem:v4+s26+$0x0], $0xffff;
	[tilespmem:s0+$0xB970] =	vst v7  }
0x1ba: {  	v1 =	vld.idx.msk [tilespmem:v1+s26+$0x0], $0xffff;
	[tilespmem:s0+$0xB900] =	vst v5  }
0x1bb: {  	v0 =	vld.idx.msk [tilespmem:v0+s26+$0x0], $0xffff;
	[tilespmem:s0+$0xB910] =	vst v3  }
0x1bc: {  	[tilespmem:s0+$0xB920] =	vst v2  }
0x1bd: {  	[tilespmem:s0+$0xB930] =	vst v6  }
0x1be: {  	[tilespmem:s0+$0xB940] =	vst v4  }
0x1bf: {  	[tilespmem:s0+$0xB950] =	vst v1  }
0x1c0: {  	[tilespmem:s0+$0xB960] =	vst v0  }
0x1c1: {  	[hbm4b:s9+s18] =	stream.strided.scatter [tilespmem:s28], [sflag:$0x3], $0x5000, s19, s18, $0x38;
	[tilespmem:$0x15900] =	vst v63  }
0x1c2: {  	s2 =	simm.s32 $0x0;
	s0 =	simm.s32 $0x0  }
0x1c3: {  	[tilespmem:s20], [sflag:$0x1] =	stream.strided.gather [hbm4b:s10+s18], $0x5000, s19, s18, $0x38;
	[tilespmem:$0x15900] =	vst v63  }
0x1c4: {  	s3 =	sand.u32 $0x7000, s2;
	s4 =	sand.u32 $0xC00, s0;
	_ =	swait.ge [sflag:s29], $0x5000  }
0x1c5: {  	s23 =	sand.u32 $0x380, s0;
	s3 =	sor.u32 s4, s3;
	[sflag:s29] =	ssyncset.done $0x0  }
0x1c6: {  	s3 =	sor.u32 s23, s3;
	[sflag:s29] =	ssyncadd.s32 $0xFFFFB000  }
0x1c7: {  	v2 =	vld [tilespmem:s3+$0x6970]  }
0x1c8: {  	v3 =	vld [tilespmem:s3+$0x6900]  }
0x1c9: {  	v8 =	vld [tilespmem:s3+$0x6910]  }
0x1ca: {  	v9 =	vld [tilespmem:s3+$0x6920]  }
0x1cb: {  	v7 =	vld [tilespmem:s3+$0x6930]  }
0x1cc: {  	v4 =	vld [tilespmem:s3+$0x6940]  }
0x1cd: {  	v1 =	vld [tilespmem:s3+$0x6950]  }
0x1ce: {  	v0 =	vld [tilespmem:s3+$0x6960]  }
0x1cf: {  	v6 =	vld.idx.msk [tilespmem:v2+s26+$0x0], $0xffff  }
0x1d0: {  	v5 =	vld.idx.msk [tilespmem:v3+s26+$0x0], $0xffff  }
0x1d1: {  	v3 =	vld.idx.msk [tilespmem:v8+s26+$0x0], $0xffff  }
0x1d2: {  	s4 =	simm.s32 $0x0;
	v2 =	vld.idx.msk [tilespmem:v9+s26+$0x0], $0xffff  }
.LBB2_4:
0x1d3: {  	s2 =	sadd.s32 $0x80, s2;
	v7 =	vld.idx.msk [tilespmem:v7+s26+$0x0], $0xffff;
	s0 =	sadd.s32 $0x400, s0;
	s4 =	sadd.s32 $0x20, s4  }
0x1d4: {  	s7 =	sadd.s32 $0x5000, s3;
	s22 =	sand.u32 $0x7000, s2;
	s23 =	sand.u32 $0xC00, s0;
	v4 =	vld.idx.msk [tilespmem:v4+s26+$0x0], $0xffff  }
0x1d5: {  	p0 =	slt.u32 s2, $0x4F80;
	s3 =	sor.u32 s23, s22;
	s22 =	sand.u32 $0x380, s4;
	v1 =	vld.idx.msk [tilespmem:v1+s26+$0x0], $0xffff;
	[tilespmem:s7+$0xB970] =	vst v6  }
0x1d6: {  	s3 =	sor.u32 s22, s3;
	[tilespmem:s7+$0xB900] =	vst v5;
	v0 =	vld.idx.msk [tilespmem:v0+s26+$0x0], $0xffff  }
0x1d7: {  	v5 =	vld [tilespmem:s3+$0x6970];
	[tilespmem:s7+$0xB910] =	vst v3  }
0x1d8: {  	v3 =	vld [tilespmem:s3+$0x6900];
	[tilespmem:s7+$0xB920] =	vst v2  }
0x1d9: {  	v2 =	vld [tilespmem:s3+$0x6910];
	[tilespmem:s7+$0xB930] =	vst v7  }
0x1da: {  	v8 =	vld [tilespmem:s3+$0x6920];
	[tilespmem:s7+$0xB940] =	vst v4  }
0x1db: {  	v7 =	vld [tilespmem:s3+$0x6930];
	[tilespmem:s7+$0xB950] =	vst v1  }
0x1dc: {  	v4 =	vld [tilespmem:s3+$0x6940];
	[tilespmem:s7+$0xB960] =	vst v0  }
0x1dd: {  	v1 =	vld [tilespmem:s3+$0x6950]  }
.Ltmp1:
0x1de: {  	v0 =	vld [tilespmem:s3+$0x6960];
	(pc) =	sbr.rel @p0 .LBB2_4-.Ltmp1, $4  }
0x1df: {  	v6 =	vld.idx.msk [tilespmem:v5+s26+$0x0], $0xffff  }
0x1e0: {  	v5 =	vld.idx.msk [tilespmem:v3+s26+$0x0], $0xffff  }
0x1e1: {  	v3 =	vld.idx.msk [tilespmem:v2+s26+$0x0], $0xffff  }
0x1e2: {  	v2 =	vld.idx.msk [tilespmem:v8+s26+$0x0], $0xffff  }
0x1e3: {  	_ =	sdelay $0x3  }
0x1e4: {  	v7 =	vld.idx.msk [tilespmem:v7+s26+$0x0], $0xffff;
	s0 =	sadd.s32 $0x5000, s3  }
0x1e5: {  	v4 =	vld.idx.msk [tilespmem:v4+s26+$0x0], $0xffff;
	[tilespmem:s0+$0xB970] =	vst v6  }
0x1e6: {  	v1 =	vld.idx.msk [tilespmem:v1+s26+$0x0], $0xffff;
	[tilespmem:s0+$0xB900] =	vst v5  }
0x1e7: {  	v0 =	vld.idx.msk [tilespmem:v0+s26+$0x0], $0xffff;
	[tilespmem:s0+$0xB910] =	vst v3  }
0x1e8: {  	[tilespmem:s0+$0xB920] =	vst v2  }
0x1e9: {  	[tilespmem:s0+$0xB930] =	vst v7  }
0x1ea: {  	[tilespmem:s0+$0xB940] =	vst v4  }
0x1eb: {  	[tilespmem:s0+$0xB950] =	vst v1  }
0x1ec: {  	[tilespmem:s0+$0xB960] =	vst v0  }
0x1ed: {  	[hbm4b:s11+s18] =	stream.strided.scatter [tilespmem:s30], [sflag:$0x4], $0x5000, s19, s18, $0x38;
	[tilespmem:$0x15900] =	vst v63  }
0x1ee: {  	_ = 	snop  }
0x1ef: {  	[tilespmem:s21], [sflag:$0x2] =	stream.strided.gather [hbm4b:s12+s18], $0x5000, s19, s18, $0x38;
	[tilespmem:$0x15900] =	vst v63  }
0x1f0: {  	_ =	swait.ge [sflag:s25], $0x5000  }
0x1f1: {  	[sflag:s25] =	ssyncset.done $0x0  }
0x1f2: {  	s2 =	simm.s32 $0x0;
	s3 =	simm.s32 $0x0;
	[sflag:s25] =	ssyncadd.s32 $0xFFFFB000  }
0x1f3: {  	s22 =	sand.u32 $0x7000, s3;
	s4 =	sand.u32 $0xC00, s2;
	_ =	swait.ge [sflag:s31], $0x5000  }
0x1f4: {  	s23 =	sand.u32 $0x380, s2;
	s0 =	sor.u32 s22, s4;
	[sflag:s31] =	ssyncset.done $0x0  }
0x1f5: {  	s0 =	sor.u32 s23, s0;
	[sflag:s31] =	ssyncadd.s32 $0xFFFFB000  }
0x1f6: {  	v2 =	vld [tilespmem:s0+$0x1970]  }
0x1f7: {  	v3 =	vld [tilespmem:s0+$0x1900]  }
0x1f8: {  	v8 =	vld [tilespmem:s0+$0x1910]  }
0x1f9: {  	v9 =	vld [tilespmem:s0+$0x1920]  }
0x1fa: {  	v6 =	vld [tilespmem:s0+$0x1930]  }
0x1fb: {  	v4 =	vld [tilespmem:s0+$0x1940]  }
0x1fc: {  	v1 =	vld [tilespmem:s0+$0x1950]  }
0x1fd: {  	v0 =	vld [tilespmem:s0+$0x1960]  }
0x1fe: {  	v7 =	vld.idx.msk [tilespmem:v2+s26+$0x0], $0xffff  }
0x1ff: {  	v5 =	vld.idx.msk [tilespmem:v3+s26+$0x0], $0xffff  }
0x200: {  	v3 =	vld.idx.msk [tilespmem:v8+s26+$0x0], $0xffff  }
0x201: {  	s4 =	simm.s32 $0x0;
	v2 =	vld.idx.msk [tilespmem:v9+s26+$0x0], $0xffff  }
.LBB2_6:
0x202: {  	s3 =	sadd.s32 $0x80, s3;
	v6 =	vld.idx.msk [tilespmem:v6+s26+$0x0], $0xffff;
	s2 =	sadd.s32 $0x400, s2  }
0x203: {  	s4 =	sadd.s32 $0x20, s4;
	s7 =	sand.u32 $0x7000, s3;
	s22 =	sand.u32 $0xC00, s2;
	v4 =	vld.idx.msk [tilespmem:v4+s26+$0x0], $0xffff  }
0x204: {  	p0 =	slt.u32 s3, $0x4F80;
	s7 =	sor.u32 s7, s22;
	s22 =	sand.u32 $0x380, s4;
	v1 =	vld.idx.msk [tilespmem:v1+s26+$0x0], $0xffff;
	[tilespmem:s0+$0xB970] =	vst v7  }
0x205: {  	s7 =	sor.u32 s22, s7;
	[tilespmem:s0+$0xB900] =	vst v5;
	v0 =	vld.idx.msk [tilespmem:v0+s26+$0x0], $0xffff  }
0x206: {  	v5 =	vld [tilespmem:s7+$0x1970];
	[tilespmem:s0+$0xB910] =	vst v3  }
0x207: {  	v3 =	vld [tilespmem:s7+$0x1900];
	[tilespmem:s0+$0xB920] =	vst v2  }
0x208: {  	v2 =	vld [tilespmem:s7+$0x1910];
	[tilespmem:s0+$0xB930] =	vst v6  }
0x209: {  	v8 =	vld [tilespmem:s7+$0x1920];
	[tilespmem:s0+$0xB940] =	vst v4  }
0x20a: {  	v6 =	vld [tilespmem:s7+$0x1930];
	[tilespmem:s0+$0xB950] =	vst v1  }
0x20b: {  	v4 =	vld [tilespmem:s7+$0x1940];
	[tilespmem:s0+$0xB960] =	vst v0;
	s0 =	smov.u32 s7  }
0x20c: {  	v1 =	vld [tilespmem:s0+$0x1950]  }
.Ltmp2:
0x20d: {  	v0 =	vld [tilespmem:s0+$0x1960];
	(pc) =	sbr.rel @p0 .LBB2_6-.Ltmp2, $4  }
0x20e: {  	v7 =	vld.idx.msk [tilespmem:v5+s26+$0x0], $0xffff  }
0x20f: {  	v5 =	vld.idx.msk [tilespmem:v3+s26+$0x0], $0xffff  }
0x210: {  	v3 =	vld.idx.msk [tilespmem:v2+s26+$0x0], $0xffff  }
0x211: {  	v2 =	vld.idx.msk [tilespmem:v8+s26+$0x0], $0xffff  }
0x212: {  	_ =	sdelay $0x3  }
0x213: {  	v6 =	vld.idx.msk [tilespmem:v6+s26+$0x0], $0xffff  }
0x214: {  	v4 =	vld.idx.msk [tilespmem:v4+s26+$0x0], $0xffff;
	[tilespmem:s0+$0xB970] =	vst v7  }
0x215: {  	v1 =	vld.idx.msk [tilespmem:v1+s26+$0x0], $0xffff;
	[tilespmem:s0+$0xB900] =	vst v5  }
0x216: {  	v0 =	vld.idx.msk [tilespmem:v0+s26+$0x0], $0xffff;
	[tilespmem:s0+$0xB910] =	vst v3  }
0x217: {  	[tilespmem:s0+$0xB920] =	vst v2  }
0x218: {  	[tilespmem:s0+$0xB930] =	vst v6  }
0x219: {  	[tilespmem:s0+$0xB940] =	vst v4  }
0x21a: {  	[tilespmem:s0+$0xB950] =	vst v1  }
0x21b: {  	[tilespmem:s0+$0xB960] =	vst v0  }
0x21c: {  	[hbm4b:s13+s18] =	stream.strided.scatter [tilespmem:s28], [sflag:$0x3], $0x5000, s19, s18, $0x38;
	[tilespmem:$0x15900] =	vst v63  }
0x21d: {  	_ = 	snop  }
0x21e: {  	[tilespmem:s20], [sflag:$0x1] =	stream.strided.gather [hbm4b:s14+s18], $0x5000, s19, s18, $0x38;
	[tilespmem:$0x15900] =	vst v63  }
0x21f: {  	_ =	swait.ge [sflag:s29], $0x5000  }
0x220: {  	[sflag:s29] =	ssyncset.done $0x0  }
0x221: {  	s2 =	simm.s32 $0x0;
	s0 =	simm.s32 $0x0;
	[sflag:s29] =	ssyncadd.s32 $0xFFFFB000  }
0x222: {  	s3 =	sand.u32 $0x7000, s2;
	s4 =	sand.u32 $0xC00, s0;
	_ =	swait.ge [sflag:s1], $0x5000  }
0x223: {  	s23 =	sand.u32 $0x380, s0;
	s3 =	sor.u32 s4, s3;
	[sflag:s1] =	ssyncset.done $0x0  }
0x224: {  	s3 =	sor.u32 s23, s3;
	[sflag:s1] =	ssyncadd.s32 $0xFFFFB000  }
0x225: {  	v2 =	vld [tilespmem:s3+$0x6970]  }
0x226: {  	v3 =	vld [tilespmem:s3+$0x6900]  }
0x227: {  	v8 =	vld [tilespmem:s3+$0x6910]  }
0x228: {  	v9 =	vld [tilespmem:s3+$0x6920]  }
0x229: {  	v7 =	vld [tilespmem:s3+$0x6930]  }
0x22a: {  	v4 =	vld [tilespmem:s3+$0x6940]  }
0x22b: {  	v1 =	vld [tilespmem:s3+$0x6950]  }
0x22c: {  	v0 =	vld [tilespmem:s3+$0x6960]  }
0x22d: {  	v6 =	vld.idx.msk [tilespmem:v2+s26+$0x0], $0xffff  }
0x22e: {  	v5 =	vld.idx.msk [tilespmem:v3+s26+$0x0], $0xffff  }
0x22f: {  	v3 =	vld.idx.msk [tilespmem:v8+s26+$0x0], $0xffff  }
0x230: {  	s4 =	simm.s32 $0x0;
	v2 =	vld.idx.msk [tilespmem:v9+s26+$0x0], $0xffff  }
.LBB2_8:
0x231: {  	s2 =	sadd.s32 $0x80, s2;
	v7 =	vld.idx.msk [tilespmem:v7+s26+$0x0], $0xffff;
	s0 =	sadd.s32 $0x400, s0;
	s4 =	sadd.s32 $0x20, s4  }
0x232: {  	s23 =	sadd.s32 $0x5000, s3;
	s7 =	sand.u32 $0x7000, s2;
	s22 =	sand.u32 $0xC00, s0;
	v4 =	vld.idx.msk [tilespmem:v4+s26+$0x0], $0xffff  }
0x233: {  	p0 =	slt.u32 s2, $0x4F80;
	s3 =	sor.u32 s22, s7;
	s7 =	sand.u32 $0x380, s4;
	v1 =	vld.idx.msk [tilespmem:v1+s26+$0x0], $0xffff;
	[tilespmem:s23+$0xB970] =	vst v6  }
0x234: {  	s3 =	sor.u32 s7, s3;
	[tilespmem:s23+$0xB900] =	vst v5;
	v0 =	vld.idx.msk [tilespmem:v0+s26+$0x0], $0xffff  }
0x235: {  	v5 =	vld [tilespmem:s3+$0x6970];
	[tilespmem:s23+$0xB910] =	vst v3  }
0x236: {  	v3 =	vld [tilespmem:s3+$0x6900];
	[tilespmem:s23+$0xB920] =	vst v2  }
0x237: {  	v2 =	vld [tilespmem:s3+$0x6910];
	[tilespmem:s23+$0xB930] =	vst v7  }
0x238: {  	v8 =	vld [tilespmem:s3+$0x6920];
	[tilespmem:s23+$0xB940] =	vst v4  }
0x239: {  	v7 =	vld [tilespmem:s3+$0x6930];
	[tilespmem:s23+$0xB950] =	vst v1  }
0x23a: {  	v4 =	vld [tilespmem:s3+$0x6940];
	[tilespmem:s23+$0xB960] =	vst v0  }
0x23b: {  	v1 =	vld [tilespmem:s3+$0x6950]  }
.Ltmp3:
0x23c: {  	v0 =	vld [tilespmem:s3+$0x6960];
	(pc) =	sbr.rel @p0 .LBB2_8-.Ltmp3, $4  }
0x23d: {  	v6 =	vld.idx.msk [tilespmem:v5+s26+$0x0], $0xffff  }
0x23e: {  	v5 =	vld.idx.msk [tilespmem:v3+s26+$0x0], $0xffff  }
0x23f: {  	v3 =	vld.idx.msk [tilespmem:v2+s26+$0x0], $0xffff  }
0x240: {  	v2 =	vld.idx.msk [tilespmem:v8+s26+$0x0], $0xffff  }
0x241: {  	_ =	sdelay $0x3  }
0x242: {  	v7 =	vld.idx.msk [tilespmem:v7+s26+$0x0], $0xffff;
	s0 =	sadd.s32 $0x5000, s3  }
0x243: {  	v4 =	vld.idx.msk [tilespmem:v4+s26+$0x0], $0xffff;
	[tilespmem:s0+$0xB970] =	vst v6  }
0x244: {  	v1 =	vld.idx.msk [tilespmem:v1+s26+$0x0], $0xffff;
	[tilespmem:s0+$0xB900] =	vst v5  }
0x245: {  	v0 =	vld.idx.msk [tilespmem:v0+s26+$0x0], $0xffff;
	[tilespmem:s0+$0xB910] =	vst v3  }
0x246: {  	[tilespmem:s0+$0xB920] =	vst v2  }
0x247: {  	[tilespmem:s0+$0xB930] =	vst v7  }
0x248: {  	[tilespmem:s0+$0xB940] =	vst v4  }
0x249: {  	[tilespmem:s0+$0xB950] =	vst v1  }
0x24a: {  	[tilespmem:s0+$0xB960] =	vst v0  }
0x24b: {  	[hbm4b:s15+s18] =	stream.strided.scatter [tilespmem:s30], [sflag:$0x4], $0x5000, s19, s18, $0x38;
	[tilespmem:$0x15900] =	vst v63  }
0x24c: {  	_ =	swait.ge [sflag:s25], $0x5000  }
0x24d: {  	[sflag:s25] =	ssyncset.done $0x0  }
0x24e: {  	s2 =	simm.s32 $0x0;
	s3 =	simm.s32 $0x0;
	[sflag:s25] =	ssyncadd.s32 $0xFFFFB000  }
0x24f: {  	s22 =	sand.u32 $0x7000, s3;
	s4 =	sand.u32 $0xC00, s2;
	_ =	swait.ge [sflag:s31], $0x5000  }
0x250: {  	s23 =	sand.u32 $0x380, s2;
	s0 =	sor.u32 s22, s4;
	[sflag:s31] =	ssyncset.done $0x0  }
0x251: {  	s0 =	sor.u32 s23, s0;
	[sflag:s31] =	ssyncadd.s32 $0xFFFFB000  }
0x252: {  	v2 =	vld [tilespmem:s0+$0x1970]  }
0x253: {  	v3 =	vld [tilespmem:s0+$0x1900]  }
0x254: {  	v8 =	vld [tilespmem:s0+$0x1910]  }
0x255: {  	v9 =	vld [tilespmem:s0+$0x1920]  }
0x256: {  	v6 =	vld [tilespmem:s0+$0x1930]  }
0x257: {  	v4 =	vld [tilespmem:s0+$0x1940]  }
0x258: {  	v1 =	vld [tilespmem:s0+$0x1950]  }
0x259: {  	v0 =	vld [tilespmem:s0+$0x1960]  }
0x25a: {  	v7 =	vld.idx.msk [tilespmem:v2+s26+$0x0], $0xffff  }
0x25b: {  	v5 =	vld.idx.msk [tilespmem:v3+s26+$0x0], $0xffff  }
0x25c: {  	v3 =	vld.idx.msk [tilespmem:v8+s26+$0x0], $0xffff  }
0x25d: {  	s4 =	simm.s32 $0x0;
	v2 =	vld.idx.msk [tilespmem:v9+s26+$0x0], $0xffff  }
.LBB2_10:
0x25e: {  	s3 =	sadd.s32 $0x80, s3;
	v6 =	vld.idx.msk [tilespmem:v6+s26+$0x0], $0xffff;
	s2 =	sadd.s32 $0x400, s2  }
0x25f: {  	s4 =	sadd.s32 $0x20, s4;
	s7 =	sand.u32 $0x7000, s3;
	s22 =	sand.u32 $0xC00, s2;
	v4 =	vld.idx.msk [tilespmem:v4+s26+$0x0], $0xffff  }
0x260: {  	p0 =	slt.u32 s3, $0x4F80;
	s7 =	sor.u32 s7, s22;
	s22 =	sand.u32 $0x380, s4;
	v1 =	vld.idx.msk [tilespmem:v1+s26+$0x0], $0xffff;
	[tilespmem:s0+$0xB970] =	vst v7  }
0x261: {  	s7 =	sor.u32 s22, s7;
	[tilespmem:s0+$0xB900] =	vst v5;
	v0 =	vld.idx.msk [tilespmem:v0+s26+$0x0], $0xffff  }
0x262: {  	v5 =	vld [tilespmem:s7+$0x1970];
	[tilespmem:s0+$0xB910] =	vst v3  }
0x263: {  	v3 =	vld [tilespmem:s7+$0x1900];
	[tilespmem:s0+$0xB920] =	vst v2  }
0x264: {  	v2 =	vld [tilespmem:s7+$0x1910];
	[tilespmem:s0+$0xB930] =	vst v6  }
0x265: {  	v8 =	vld [tilespmem:s7+$0x1920];
	[tilespmem:s0+$0xB940] =	vst v4  }
0x266: {  	v6 =	vld [tilespmem:s7+$0x1930];
	[tilespmem:s0+$0xB950] =	vst v1  }
0x267: {  	v4 =	vld [tilespmem:s7+$0x1940];
	[tilespmem:s0+$0xB960] =	vst v0;
	s0 =	smov.u32 s7  }
0x268: {  	v1 =	vld [tilespmem:s0+$0x1950]  }
.Ltmp4:
0x269: {  	v0 =	vld [tilespmem:s0+$0x1960];
	(pc) =	sbr.rel @p0 .LBB2_10-.Ltmp4, $4  }
0x26a: {  	v7 =	vld.idx.msk [tilespmem:v5+s26+$0x0], $0xffff  }
0x26b: {  	v5 =	vld.idx.msk [tilespmem:v3+s26+$0x0], $0xffff  }
0x26c: {  	v3 =	vld.idx.msk [tilespmem:v2+s26+$0x0], $0xffff  }
0x26d: {  	v2 =	vld.idx.msk [tilespmem:v8+s26+$0x0], $0xffff  }
0x26e: {  	_ =	sdelay $0x3  }
0x26f: {  	v6 =	vld.idx.msk [tilespmem:v6+s26+$0x0], $0xffff  }
0x270: {  	v4 =	vld.idx.msk [tilespmem:v4+s26+$0x0], $0xffff;
	[tilespmem:s0+$0xB970] =	vst v7  }
0x271: {  	v1 =	vld.idx.msk [tilespmem:v1+s26+$0x0], $0xffff;
	[tilespmem:s0+$0xB900] =	vst v5  }
0x272: {  	v0 =	vld.idx.msk [tilespmem:v0+s26+$0x0], $0xffff;
	[tilespmem:s0+$0xB910] =	vst v3  }
0x273: {  	[tilespmem:s0+$0xB920] =	vst v2  }
0x274: {  	[tilespmem:s0+$0xB930] =	vst v6  }
0x275: {  	[tilespmem:s0+$0xB940] =	vst v4  }
0x276: {  	[tilespmem:s0+$0xB950] =	vst v1  }
0x277: {  	s5 =	sadd.s32 $0x1, s5;
	[tilespmem:s0+$0xB960] =	vst v0  }
0x278: {  	[hbm4b:s16+s18] =	stream.strided.scatter [tilespmem:s28], [sflag:$0x3], $0x5000, s19, s18, $0x38;
	[tilespmem:$0x15900] =	vst v63  }
0x279: {  	p0 =	sne.s32 s5, s17;
	_ =	swait.ge [sflag:s1], $0x5000  }
.Ltmp5:
0x27a: {  	[sflag:s1] =	ssyncset.done $0x0;
	(pc) =	sbr.rel @p0 .LBB2_1-.Ltmp5, $4  }
0x27b: {  	[sflag:s1] =	ssyncadd.s32 $0xFFFFB000  }
0x27c: {  	_ =	swait.ge [sflag:s31], $0x5000  }
0x27d: {  	[sflag:s31] =	ssyncset.done $0x0  }
0x27e: {  	[sflag:s31] =	ssyncadd.s32 $0xFFFFB000  }
0x27f: {  	_ =	sfence.sel $0x180000  }
0x280: {  	[bflag:$0x0] =	sbarrier.arrive $0xFFFF  }
0x281: {  	_ =	strace $0x90000047  }
0x282: {  	s0 =	stileid.u32;
	[bflag:$0x2] =	sbarrier.arrive $0xFFFF  }
0x283: {  	p0 =	sne.s32 s0, $0x0;
	s0 =	rddreg [dreg:$0x6]  }
0x284: {  	s0 =	sadd.s32 @!p0 $0x100000, s0  }
0x285: {  	[sflag:s0] =	ssyncadd.tile.s32 @!p0 $0x1;
	_ =	shalt  }
.Lfunc_end2:
_tile_overlayer_lowered:
.L_overlay_start_2:
0x286: {  	(tag) =	ssettag $0x2  }
0x287: {  	s0 =	rddreg [dreg:$0x0];
	s2 =	stileid.u32  }
0x288: {  	s1 =	rddreg [dreg:$0x1];
	p0 =	sne.s32 s2, $0x0  }
0x289: {  	s3 =	rddreg [dreg:$0x2];
	[bflag:$0x3] =	sbarrier.arrive $0xFFFF;
	s2 =	simm.s32 @!p0 $0x1C06  }
0x28a: {  	[timem:s3], [sflag:s2] =	dma.local @!p0 [hbm:s0], s1  }
0x28b: {  	s0 =	simm.s32 @!p0 $0x6  }
0x28c: {  	_ =	swait.ge @!p0 [sflag:s0], s1  }
0x28d: {  	s1 =	ssub.s32 @!p0 $0x0, s1;
	[sflag:s0] =	ssyncset.done @!p0 $0x0  }
0x28e: {  	[sflag:s0] =	ssyncadd.s32 @!p0 s1  }
0x28f: {  	[bflag:$0x3] =	sbarrier.arrive $0xFFFF  }
0x290: {  	_ =	shalt  }

</sc_bundles>
